<compile_context>
chip_gen: v7x
topology: tpu7x:2x2x1
jax: 0.10.2.dev20260603
libtpu: 0.0.44.dev20260713+nightly
codegen_flags: <defaults>
</compile_context>

<pallas_src>
import functools

import jax
import jax.numpy as jnp
from jax import lax
from jax.experimental import pallas as pl
from jax.experimental.pallas import tpu as pltpu
from jax.experimental.pallas import tpu_sc as plsc

N_NODES = 10000
N_EDGES = 320000
D_FEAT = 128
HIDDEN = 128
N_CLASSES = 16
AUG = 16
SPLIT = 64
D_A1 = SPLIT + AUG
D_A2 = HIDDEN - SPLIT

NC = 2
NS = 16
NW = NC * NS
EPW = N_EDGES // NW
CH = 80
NCHUNK = EPW // CH
N_PAD = 10240
ROWS_PER_TILE = N_PAD // NS

BLK = N_NODES


@functools.lru_cache(maxsize=None)
def _make_sc_scatter_pass(d):
  if d >= 80:
    nbuf, kpf, lag, zrows = 8, 6, 2, 32
  elif d >= 64:
    nbuf, kpf, lag, zrows = 10, 8, 2, 32
  else:
    nbuf, kpf, lag, zrows = 12, 10, 2, 32
  """SC kernel: out[c] = segment-sum over this core's edges of vals[src]->dst."""
  mesh = plsc.VectorSubcoreMesh(
      core_axis_name="c", subcore_axis_name="s",
      num_cores=NC, num_subcores=NS)

  @functools.partial(
      pl.kernel,
      out_type=jax.ShapeDtypeStruct((NC, N_PAD, d), jnp.float32),
      mesh=mesh,
      compiler_params=pltpu.CompilerParams(use_tc_tiling_on_sc=False),
      scratch_types=[
          pltpu.VMEM((NCHUNK, CH), jnp.int32),
          pltpu.VMEM((NCHUNK, CH), jnp.int32),
          pltpu.VMEM((nbuf, CH, d), jnp.float32),
          pltpu.VMEM((zrows, d), jnp.float32),
          pltpu.VMEM_SHARED((N_PAD, d), jnp.float32),
          pltpu.SemaphoreType.DMA,
          pltpu.SemaphoreType.DMA,
      ],
  )
  def scatter_pass(vals_hbm, ei_hbm, out_hbm,
                   src_v, dst_v, rows_v, zero_v, acc_sh, gsem, ssem):
    cid = lax.axis_index("c")
    sid = lax.axis_index("s")
    wid = sid * NC + cid

    pltpu.sync_copy(ei_hbm.at[0, pl.ds(wid * NCHUNK, NCHUNK), :], src_v)
    pltpu.sync_copy(ei_hbm.at[1, pl.ds(wid * NCHUNK, NCHUNK), :], dst_v)

    zvec = jnp.zeros((16,), jnp.float32)

    def zero_row(i, carry):
      for j in range(d // 16):
        zero_v[i, pl.ds(j * 16, 16)] = zvec
      return carry

    lax.fori_loop(0, zrows, zero_row, 0)
    for k in range(ROWS_PER_TILE // zrows):
      pltpu.sync_copy(
          zero_v,
          acc_sh.at[pl.ds(sid * ROWS_PER_TILE + k * zrows, zrows), :])
    plsc.subcore_barrier()

    for k in range(kpf):
      pltpu.async_copy(vals_hbm.at[src_v.at[k]], rows_v.at[k], gsem)

    def body(i, carry):
      @pl.when(i >= lag)
      def _():
        b2 = lax.rem(i - lag, nbuf)
        pltpu.make_async_copy(rows_v.at[b2], acc_sh.at[dst_v.at[i - lag]],
                              ssem).wait()

      @pl.when(i + kpf < NCHUNK)
      def _():
        pltpu.async_copy(vals_hbm.at[src_v.at[i + kpf]],
                         rows_v.at[lax.rem(i + kpf, nbuf)], gsem)
      b = lax.rem(i, nbuf)
      pltpu.make_async_copy(vals_hbm.at[src_v.at[i]], rows_v.at[b],
                            gsem).wait()
      pltpu.async_copy(rows_v.at[b], acc_sh.at[dst_v.at[i]], ssem, add=True)
      return carry

    lax.fori_loop(0, NCHUNK, body, 0)
    for i in range(NCHUNK - lag, NCHUNK):
      pltpu.make_async_copy(rows_v.at[i % nbuf], acc_sh.at[dst_v.at[i]],
                            ssem).wait()
    plsc.subcore_barrier()

    pltpu.sync_copy(
        acc_sh.at[pl.ds(sid * ROWS_PER_TILE, ROWS_PER_TILE), :],
        out_hbm.at[cid, pl.ds(sid * ROWS_PER_TILE, ROWS_PER_TILE), :])

  return scatter_pass


def _dot_t(a, b):
  return lax.dot_general(a, b, (((1,), (1,)), ((), ())),
                         preferred_element_type=jnp.float32)


def _tc1_body(x_ref, w1l_ref, oa_ref, ob_ref):
  t = _dot_t(x_ref[...], w1l_ref[...])
  oa_ref[:, :SPLIT] = t[:, :SPLIT]
  oa_ref[:, SPLIT:] = jnp.ones((BLK, AUG), jnp.float32)
  ob_ref[...] = t[:, SPLIT:]


def _tc1(x, w1l):
  return pl.pallas_call(
      _tc1_body,
      grid=(N_NODES // BLK,),
      in_specs=[
          pl.BlockSpec((BLK, D_FEAT), lambda i: (i, 0)),
          pl.BlockSpec((HIDDEN, D_FEAT), lambda i: (0, 0)),
      ],
      out_specs=[
          pl.BlockSpec((BLK, D_A1), lambda i: (i, 0)),
          pl.BlockSpec((BLK, D_A2), lambda i: (i, 0)),
      ],
      out_shape=[
          jax.ShapeDtypeStruct((N_NODES, D_A1), jnp.float32),
          jax.ShapeDtypeStruct((N_NODES, D_A2), jnp.float32),
      ],
  )(x, w1l)


def _tc2_body(pa_ref, pb_ref, x_ref, w1r_ref, b1l_ref, w2l_ref, b2l_ref,
              w2r_ref, t2_ref, hr_ref, invd_ref):
  sa = pa_ref[0] + pa_ref[1]
  sb = pb_ref[0] + pb_ref[1]
  deg = jnp.maximum(sa[:, SPLIT:SPLIT + 1], 1.0)
  invd = 1.0 / deg
  agg = jnp.concatenate([sa[:, :SPLIT], sb], axis=1) * invd
  h = agg + b1l_ref[...] + _dot_t(x_ref[...], w1r_ref[...])
  h = jnp.maximum(h, 0.0)
  t2_ref[...] = _dot_t(h, w2l_ref[...])
  hr_ref[...] = _dot_t(h, w2r_ref[...]) + b2l_ref[...]
  invd_ref[...] = jnp.broadcast_to(invd, (BLK, N_CLASSES))


def _tc2(pa, pb, x, w1r, b1l2, w2l, b2l2, w2r):
  return pl.pallas_call(
      _tc2_body,
      grid=(N_NODES // BLK,),
      in_specs=[
          pl.BlockSpec((NC, BLK, D_A1), lambda i: (0, i, 0)),
          pl.BlockSpec((NC, BLK, D_A2), lambda i: (0, i, 0)),
          pl.BlockSpec((BLK, D_FEAT), lambda i: (i, 0)),
          pl.BlockSpec((HIDDEN, D_FEAT), lambda i: (0, 0)),
          pl.BlockSpec((1, HIDDEN), lambda i: (0, 0)),
          pl.BlockSpec((N_CLASSES, HIDDEN), lambda i: (0, 0)),
          pl.BlockSpec((1, N_CLASSES), lambda i: (0, 0)),
          pl.BlockSpec((N_CLASSES, HIDDEN), lambda i: (0, 0)),
      ],
      out_specs=[
          pl.BlockSpec((BLK, N_CLASSES), lambda i: (i, 0)),
          pl.BlockSpec((BLK, N_CLASSES), lambda i: (i, 0)),
          pl.BlockSpec((BLK, N_CLASSES), lambda i: (i, 0)),
      ],
      out_shape=[
          jax.ShapeDtypeStruct((N_NODES, N_CLASSES), jnp.float32),
          jax.ShapeDtypeStruct((N_NODES, N_CLASSES), jnp.float32),
          jax.ShapeDtypeStruct((N_NODES, N_CLASSES), jnp.float32),
      ],
  )(pa, pb, x, w1r, b1l2, w2l, b2l2, w2r)


def _tc3_body(q_ref, invd_ref, hr_ref, o_ref):
  o_ref[...] = (q_ref[0] + q_ref[1]) * invd_ref[...] + hr_ref[...]


def _tc3(q, invd, hr):
  return pl.pallas_call(
      _tc3_body,
      grid=(N_NODES // BLK,),
      in_specs=[
          pl.BlockSpec((NC, BLK, N_CLASSES), lambda i: (0, i, 0)),
          pl.BlockSpec((BLK, N_CLASSES), lambda i: (i, 0)),
          pl.BlockSpec((BLK, N_CLASSES), lambda i: (i, 0)),
      ],
      out_specs=pl.BlockSpec((BLK, N_CLASSES), lambda i: (i, 0)),
      out_shape=jax.ShapeDtypeStruct((N_NODES, N_CLASSES), jnp.float32),
  )(q, invd, hr)


def kernel(x, edge_index, W1l, b1l, W1r, W2l, b2l, W2r):
  ei = edge_index.astype(jnp.int32).reshape(2, NW * NCHUNK, CH)
  b1l2 = b1l.reshape(1, HIDDEN)
  b2l2 = b2l.reshape(1, N_CLASSES)

  t1a, t1b = _tc1(x, W1l)
  pa = _make_sc_scatter_pass(D_A1)(t1a, ei)
  pb = _make_sc_scatter_pass(D_A2)(t1b, ei)
  t2, hr, invd = _tc2(pa, pb, x, W1r, b1l2, W2l, b2l2, W2r)
  q = _make_sc_scatter_pass(N_CLASSES)(t2, ei)
  return _tc3(q, invd, hr)

# --- scband reference (transcript-rebuilt; emitter-appended) ---
"""Pipeline reference for scband-sage-11081015624123 (READ-ONLY COPY).

The authoritative reference and input builder live on the scoring server;
editing this copy changes nothing except your own understanding.
"""

import jax, jax.numpy as jnp
import numpy as np

N_NODES = 10000
N_EDGES = 320000
D_FEAT = 128
HIDDEN = 128
N_CLASSES = 16


def setup_inputs(seed: int = 0) -> dict:
    key = jax.random.key(seed)
    ks = jax.random.split(key, 8)
    x = jax.random.normal(ks[0], (N_NODES, D_FEAT), dtype=jnp.float32)
    edge_index = jax.random.randint(ks[1], (2, N_EDGES), 0, N_NODES, dtype=jnp.int64 if jax.config.jax_enable_x64 else jnp.int32)
    # SAGEConv layer 1: lin_l (aggregated neighbors, with bias), lin_r (root, no bias)
    s1 = 1.0 / np.sqrt(D_FEAT)
    W1l = jax.random.uniform(ks[2], (HIDDEN, D_FEAT), minval=-s1, maxval=s1, dtype=jnp.float32)
    b1l = jax.random.uniform(ks[3], (HIDDEN,), minval=-s1, maxval=s1, dtype=jnp.float32)
    W1r = jax.random.uniform(ks[4], (HIDDEN, D_FEAT), minval=-s1, maxval=s1, dtype=jnp.float32)
    s2 = 1.0 / np.sqrt(HIDDEN)
    W2l = jax.random.uniform(ks[5], (N_CLASSES, HIDDEN), minval=-s2, maxval=s2, dtype=jnp.float32)
    b2l = jax.random.uniform(ks[6], (N_CLASSES,), minval=-s2, maxval=s2, dtype=jnp.float32)
    W2r = jax.random.uniform(ks[7], (N_CLASSES, HIDDEN), minval=-s2, maxval=s2, dtype=jnp.float32)
    return {"x": x, "edge_index": edge_index, "W1l": W1l, "b1l": b1l, "W1r": W1r, "W2l": W2l, "b2l": b2l, "W2r": W2r}


def _sage_conv(x, edge_index, Wl, bl, Wr):
    src = edge_index[0]
    dst = edge_index[1]
    # gather messages from source nodes
    msgs = jnp.take(x, src, axis=0)
    # mean aggregation over destination nodes (scatter-add + degree normalize)
    summed = jax.ops.segment_sum(msgs, dst, num_segments=N_NODES)
    deg = jax.ops.segment_sum(jnp.ones((msgs.shape[0],), dtype=x.dtype), dst, num_segments=N_NODES)
    agg = summed / jnp.clip(deg, 1.0, None)[:, None]
    return agg @ Wl.T + bl + x @ Wr.T


def reference(x, edge_index, W1l, b1l, W1r, W2l, b2l, W2r):
    h = _sage_conv(x, edge_index, W1l, b1l, W1r)
    h = jax.nn.relu(h)
    # dropout p=0.5 with training=False -> identity (eval mode)
    out = _sage_conv(h, edge_index, W2l, b2l, W2r)
    return out

if __name__ == "__main__":
    import jax
    _d = setup_inputs()
    print(jax.jit(kernel)(*tuple(_d.values())))

</pallas_src>

<mosaic_0001>
#map = affine_map<(d0, d1) -> (0, 0)>
#map1 = affine_map<(d0, d1) -> (0, 0, 0)>
module attributes {stable_mosaic.version = 14 : i64} {
  func.func @scatter_pass(%arg0: i32, %arg1: i32, %arg2: memref<10000x80xf32, #tpu.memory_space<hbm>>, %arg3: memref<2x4000x80xi32, #tpu.memory_space<hbm>>, %arg4: memref<2x10240x80xf32, #tpu.memory_space<hbm>>, %arg5: memref<125x80xi32, #tpu.memory_space<vmem>>, %arg6: memref<125x80xi32, #tpu.memory_space<vmem>>, %arg7: memref<8x80x80xf32, #tpu.memory_space<vmem>>, %arg8: memref<32x80xf32, #tpu.memory_space<vmem>>, %arg9: memref<10240x80xf32, #tpu.memory_space<vmem_shared>>, %arg10: memref<!tpu.dma_semaphore, #tpu.memory_space<semaphore_mem>>, %arg11: memref<!tpu.dma_semaphore, #tpu.memory_space<semaphore_mem>>) attributes {dimension_semantics = [#tpu.dimension_semantics<core_parallel>, #tpu.dimension_semantics<subcore_parallel>], iteration_bounds = array<i64: 2, 16>, scalar_prefetch = 0 : i64, scratch_operands = 7 : i64, tpu.core_type = #tpu.core_type<sc_vector_subcore>, window_params = [{transform_indices = #map}, {transform_indices = #map1}, {transform_indices = #map1}]} {
    %mul3A = arith.constant 2 : i32
    %mul3A_0 = arith.muli %arg1, %mul3A : i32
    %add3A = arith.addi %mul3A_0, %arg0 : i32
    %mul3A_1 = arith.constant 125 : i32
    %mul3A_2 = arith.muli %add3A, %mul3A_1 : i32
    %run_scoped3A = arith.constant 0 : i32
    "tpu.region"() ({
      %run_scoped3A_197 = tpu.sem_alloc : memref<!tpu.dma_semaphore, #tpu.memory_space<semaphore_mem>>
      %dma_start3A_198 = arith.constant 0 : i32
      %dma_start3A_199 = tpu.memref_slice %arg3[%run_scoped3A, %mul3A_2, %dma_start3A_198] : memref<2x4000x80xi32, #tpu.memory_space<hbm>> -> memref<1x125x80xi32, #tpu.memory_space<hbm>>
      %dma_start3A_200 = tpu.memref_squeeze %dma_start3A_199 : memref<1x125x80xi32, #tpu.memory_space<hbm>> -> memref<125x80xi32, #tpu.memory_space<hbm>>
      %dma_start3A_201 = arith.constant 0 : i32
      %dma_start3A_202 = tpu.memref_slice %arg3[%run_scoped3A, %mul3A_2, %dma_start3A_201] : memref<2x4000x80xi32, #tpu.memory_space<hbm>> -> memref<1x125x80xi32, #tpu.memory_space<hbm>>
      %dma_start3A_203 = tpu.memref_squeeze %dma_start3A_202 : memref<1x125x80xi32, #tpu.memory_space<hbm>> -> memref<125x80xi32, #tpu.memory_space<hbm>>
      tpu.enqueue_dma source(%dma_start3A_203 : memref<125x80xi32, #tpu.memory_space<hbm>>) target(%arg5 : memref<125x80xi32, #tpu.memory_space<vmem>>) target_semaphore(%run_scoped3A_197 : memref<!tpu.dma_semaphore, #tpu.memory_space<semaphore_mem>>)
      %dma_wait3A_204 = arith.constant 0 : i32
      %dma_wait3A_205 = tpu.memref_slice %arg3[%run_scoped3A, %mul3A_2, %dma_wait3A_204] : memref<2x4000x80xi32, #tpu.memory_space<hbm>> -> memref<1x125x80xi32, #tpu.memory_space<hbm>>
      %dma_wait3A_206 = tpu.memref_squeeze %dma_wait3A_205 : memref<1x125x80xi32, #tpu.memory_space<hbm>> -> memref<125x80xi32, #tpu.memory_space<hbm>>
      %dma_wait3A_207 = arith.constant 0 : i32
      %dma_wait3A_208 = tpu.memref_slice %arg3[%run_scoped3A, %mul3A_2, %dma_wait3A_207] : memref<2x4000x80xi32, #tpu.memory_space<hbm>> -> memref<1x125x80xi32, #tpu.memory_space<hbm>>
      %dma_wait3A_209 = tpu.memref_squeeze %dma_wait3A_208 : memref<1x125x80xi32, #tpu.memory_space<hbm>> -> memref<125x80xi32, #tpu.memory_space<hbm>>
      tpu.wait_dma2 semaphore(%run_scoped3A_197 : memref<!tpu.dma_semaphore, #tpu.memory_space<semaphore_mem>>) src(%dma_wait3A_209 : memref<125x80xi32, #tpu.memory_space<hbm>>) dst(%arg5 : memref<125x80xi32, #tpu.memory_space<vmem>>)
      tpu.yield
    }) : () -> ()
    %mul3A_3 = arith.constant 125 : i32
    %mul3A_4 = arith.muli %add3A, %mul3A_3 : i32
    %run_scoped3A_5 = arith.constant 1 : i32
    "tpu.region"() ({
      %run_scoped3A_197 = tpu.sem_alloc : memref<!tpu.dma_semaphore, #tpu.memory_space<semaphore_mem>>
      %dma_start3A_198 = arith.constant 0 : i32
      %dma_start3A_199 = tpu.memref_slice %arg3[%run_scoped3A_5, %mul3A_4, %dma_start3A_198] : memref<2x4000x80xi32, #tpu.memory_space<hbm>> -> memref<1x125x80xi32, #tpu.memory_space<hbm>>
      %dma_start3A_200 = tpu.memref_squeeze %dma_start3A_199 : memref<1x125x80xi32, #tpu.memory_space<hbm>> -> memref<125x80xi32, #tpu.memory_space<hbm>>
      %dma_start3A_201 = arith.constant 0 : i32
      %dma_start3A_202 = tpu.memref_slice %arg3[%run_scoped3A_5, %mul3A_4, %dma_start3A_201] : memref<2x4000x80xi32, #tpu.memory_space<hbm>> -> memref<1x125x80xi32, #tpu.memory_space<hbm>>
      %dma_start3A_203 = tpu.memref_squeeze %dma_start3A_202 : memref<1x125x80xi32, #tpu.memory_space<hbm>> -> memref<125x80xi32, #tpu.memory_space<hbm>>
      tpu.enqueue_dma source(%dma_start3A_203 : memref<125x80xi32, #tpu.memory_space<hbm>>) target(%arg6 : memref<125x80xi32, #tpu.memory_space<vmem>>) target_semaphore(%run_scoped3A_197 : memref<!tpu.dma_semaphore, #tpu.memory_space<semaphore_mem>>)
      %dma_wait3A_204 = arith.constant 0 : i32
      %dma_wait3A_205 = tpu.memref_slice %arg3[%run_scoped3A_5, %mul3A_4, %dma_wait3A_204] : memref<2x4000x80xi32, #tpu.memory_space<hbm>> -> memref<1x125x80xi32, #tpu.memory_space<hbm>>
      %dma_wait3A_206 = tpu.memref_squeeze %dma_wait3A_205 : memref<1x125x80xi32, #tpu.memory_space<hbm>> -> memref<125x80xi32, #tpu.memory_space<hbm>>
      %dma_wait3A_207 = arith.constant 0 : i32
      %dma_wait3A_208 = tpu.memref_slice %arg3[%run_scoped3A_5, %mul3A_4, %dma_wait3A_207] : memref<2x4000x80xi32, #tpu.memory_space<hbm>> -> memref<1x125x80xi32, #tpu.memory_space<hbm>>
      %dma_wait3A_209 = tpu.memref_squeeze %dma_wait3A_208 : memref<1x125x80xi32, #tpu.memory_space<hbm>> -> memref<125x80xi32, #tpu.memory_space<hbm>>
      tpu.wait_dma2 semaphore(%run_scoped3A_197 : memref<!tpu.dma_semaphore, #tpu.memory_space<semaphore_mem>>) src(%dma_wait3A_209 : memref<125x80xi32, #tpu.memory_space<hbm>>) dst(%arg6 : memref<125x80xi32, #tpu.memory_space<vmem>>)
      tpu.yield
    }) : () -> ()
    %broadcast_in_dim3A = arith.constant 0.000000e+00 : f32
    %broadcast_in_dim3A_6 = vector.broadcast %broadcast_in_dim3A : f32 to vector<16xf32>
    %scan3A = arith.constant 0 : i32
    %scan3A_7 = arith.constant 0 : i32
    %scan3A_8 = arith.constant 32 : i32
    %scan3A_9 = arith.addi %scan3A_7, %scan3A_8 : i32
    %scan3A_10 = arith.constant 1 : i32
    scf.for %scan3A_197 = %scan3A_7 to %scan3A_9 step %scan3A_10  : i32 {
      %swap3A = arith.index_cast %scan3A_197 : i32 to index
      %swap3A_198 = arith.constant 0 : index
      %swap3A_199 = tpu.vector_load %arg8[%swap3A, %swap3A_198] {strides = array<i32>} : memref<32x80xf32, #tpu.memory_space<vmem>>, vector<1x16xf32>,
      %swap3A_200 = vector.shape_cast %swap3A_199 : vector<1x16xf32> to vector<16xf32>
      %swap3A_201 = vector.shape_cast %broadcast_in_dim3A_6 : vector<16xf32> to vector<1x16xf32>
      tpu.vector_store %arg8[%swap3A, %swap3A_198], %swap3A_201 {strides = array<i32>} : memref<32x80xf32, #tpu.memory_space<vmem>>, vector<1x16xf32>,
      %swap3A_202 = arith.index_cast %scan3A_197 : i32 to index
      %swap3A_203 = arith.constant 16 : index
      %swap3A_204 = tpu.vector_load %arg8[%swap3A_202, %swap3A_203] {strides = array<i32>} : memref<32x80xf32, #tpu.memory_space<vmem>>, vector<1x16xf32>,
      %swap3A_205 = vector.shape_cast %swap3A_204 : vector<1x16xf32> to vector<16xf32>
      %swap3A_206 = vector.shape_cast %broadcast_in_dim3A_6 : vector<16xf32> to vector<1x16xf32>
      tpu.vector_store %arg8[%swap3A_202, %swap3A_203], %swap3A_206 {strides = array<i32>} : memref<32x80xf32, #tpu.memory_space<vmem>>, vector<1x16xf32>,
      %swap3A_207 = arith.index_cast %scan3A_197 : i32 to index
      %swap3A_208 = arith.constant 32 : index
      %swap3A_209 = tpu.vector_load %arg8[%swap3A_207, %swap3A_208] {strides = array<i32>} : memref<32x80xf32, #tpu.memory_space<vmem>>, vector<1x16xf32>,
      %swap3A_210 = vector.shape_cast %swap3A_209 : vector<1x16xf32> to vector<16xf32>
      %swap3A_211 = vector.shape_cast %broadcast_in_dim3A_6 : vector<16xf32> to vector<1x16xf32>
      tpu.vector_store %arg8[%swap3A_207, %swap3A_208], %swap3A_211 {strides = array<i32>} : memref<32x80xf32, #tpu.memory_space<vmem>>, vector<1x16xf32>,
      %swap3A_212 = arith.index_cast %scan3A_197 : i32 to index
      %swap3A_213 = arith.constant 48 : index
      %swap3A_214 = tpu.vector_load %arg8[%swap3A_212, %swap3A_213] {strides = array<i32>} : memref<32x80xf32, #tpu.memory_space<vmem>>, vector<1x16xf32>,
      %swap3A_215 = vector.shape_cast %swap3A_214 : vector<1x16xf32> to vector<16xf32>
      %swap3A_216 = vector.shape_cast %broadcast_in_dim3A_6 : vector<16xf32> to vector<1x16xf32>
      tpu.vector_store %arg8[%swap3A_212, %swap3A_213], %swap3A_216 {strides = array<i32>} : memref<32x80xf32, #tpu.memory_space<vmem>>, vector<1x16xf32>,
      %swap3A_217 = arith.index_cast %scan3A_197 : i32 to index
      %swap3A_218 = arith.constant 64 : index
      %swap3A_219 = tpu.vector_load %arg8[%swap3A_217, %swap3A_218] {strides = array<i32>} : memref<32x80xf32, #tpu.memory_space<vmem>>, vector<1x16xf32>,
      %swap3A_220 = vector.shape_cast %swap3A_219 : vector<1x16xf32> to vector<16xf32>
      %swap3A_221 = vector.shape_cast %broadcast_in_dim3A_6 : vector<16xf32> to vector<1x16xf32>
      tpu.vector_store %arg8[%swap3A_217, %swap3A_218], %swap3A_221 {strides = array<i32>} : memref<32x80xf32, #tpu.memory_space<vmem>>, vector<1x16xf32>,
    }
    %scan3A_11 = arith.constant 32 : i32
    %mul3A_12 = arith.constant 640 : i32
    %mul3A_13 = arith.muli %arg1, %mul3A_12 : i32
    %add3A_14 = arith.constant 0 : i32
    %add3A_15 = arith.addi %mul3A_13, %add3A_14 : i32
    "tpu.region"() ({
      %run_scoped3A_197 = tpu.sem_alloc : memref<!tpu.dma_semaphore, #tpu.memory_space<semaphore_mem>>
      %dma_start3A_198 = arith.constant 0 : i32
      %dma_start3A_199 = tpu.memref_slice %arg9[%add3A_15, %dma_start3A_198] : memref<10240x80xf32, #tpu.memory_space<vmem_shared>> -> memref<32x80xf32, #tpu.memory_space<vmem_shared>>
      %dma_start3A_200 = arith.constant 0 : i32
      %dma_start3A_201 = tpu.memref_slice %arg9[%add3A_15, %dma_start3A_200] : memref<10240x80xf32, #tpu.memory_space<vmem_shared>> -> memref<32x80xf32, #tpu.memory_space<vmem_shared>>
      tpu.enqueue_dma source(%arg8 : memref<32x80xf32, #tpu.memory_space<vmem>>) target(%dma_start3A_201 : memref<32x80xf32, #tpu.memory_space<vmem_shared>>) target_semaphore(%run_scoped3A_197 : memref<!tpu.dma_semaphore, #tpu.memory_space<semaphore_mem>>)
      %dma_wait3A_202 = arith.constant 0 : i32
      %dma_wait3A_203 = tpu.memref_slice %arg9[%add3A_15, %dma_wait3A_202] : memref<10240x80xf32, #tpu.memory_space<vmem_shared>> -> memref<32x80xf32, #tpu.memory_space<vmem_shared>>
      %dma_wait3A_204 = arith.constant 0 : i32
      %dma_wait3A_205 = tpu.memref_slice %arg9[%add3A_15, %dma_wait3A_204] : memref<10240x80xf32, #tpu.memory_space<vmem_shared>> -> memref<32x80xf32, #tpu.memory_space<vmem_shared>>
      tpu.wait_dma2 semaphore(%run_scoped3A_197 : memref<!tpu.dma_semaphore, #tpu.memory_space<semaphore_mem>>) src(%arg8 : memref<32x80xf32, #tpu.memory_space<vmem>>) dst(%dma_wait3A_205 : memref<32x80xf32, #tpu.memory_space<vmem_shared>>)
      tpu.yield
    }) : () -> ()
    %mul3A_16 = arith.constant 640 : i32
    %mul3A_17 = arith.muli %arg1, %mul3A_16 : i32
    %add3A_18 = arith.constant 32 : i32
    %add3A_19 = arith.addi %mul3A_17, %add3A_18 : i32
    "tpu.region"() ({
      %run_scoped3A_197 = tpu.sem_alloc : memref<!tpu.dma_semaphore, #tpu.memory_space<semaphore_mem>>
      %dma_start3A_198 = arith.constant 0 : i32
      %dma_start3A_199 = tpu.memref_slice %arg9[%add3A_19, %dma_start3A_198] : memref<10240x80xf32, #tpu.memory_space<vmem_shared>> -> memref<32x80xf32, #tpu.memory_space<vmem_shared>>
      %dma_start3A_200 = arith.constant 0 : i32
      %dma_start3A_201 = tpu.memref_slice %arg9[%add3A_19, %dma_start3A_200] : memref<10240x80xf32, #tpu.memory_space<vmem_shared>> -> memref<32x80xf32, #tpu.memory_space<vmem_shared>>
      tpu.enqueue_dma source(%arg8 : memref<32x80xf32, #tpu.memory_space<vmem>>) target(%dma_start3A_201 : memref<32x80xf32, #tpu.memory_space<vmem_shared>>) target_semaphore(%run_scoped3A_197 : memref<!tpu.dma_semaphore, #tpu.memory_space<semaphore_mem>>)
      %dma_wait3A_202 = arith.constant 0 : i32
      %dma_wait3A_203 = tpu.memref_slice %arg9[%add3A_19, %dma_wait3A_202] : memref<10240x80xf32, #tpu.memory_space<vmem_shared>> -> memref<32x80xf32, #tpu.memory_space<vmem_shared>>
      %dma_wait3A_204 = arith.constant 0 : i32
      %dma_wait3A_205 = tpu.memref_slice %arg9[%add3A_19, %dma_wait3A_204] : memref<10240x80xf32, #tpu.memory_space<vmem_shared>> -> memref<32x80xf32, #tpu.memory_space<vmem_shared>>
      tpu.wait_dma2 semaphore(%run_scoped3A_197 : memref<!tpu.dma_semaphore, #tpu.memory_space<semaphore_mem>>) src(%arg8 : memref<32x80xf32, #tpu.memory_space<vmem>>) dst(%dma_wait3A_205 : memref<32x80xf32, #tpu.memory_space<vmem_shared>>)
      tpu.yield
    }) : () -> ()
    %mul3A_20 = arith.constant 640 : i32
    %mul3A_21 = arith.muli %arg1, %mul3A_20 : i32
    %add3A_22 = arith.constant 64 : i32
    %add3A_23 = arith.addi %mul3A_21, %add3A_22 : i32
    "tpu.region"() ({
      %run_scoped3A_197 = tpu.sem_alloc : memref<!tpu.dma_semaphore, #tpu.memory_space<semaphore_mem>>
      %dma_start3A_198 = arith.constant 0 : i32
      %dma_start3A_199 = tpu.memref_slice %arg9[%add3A_23, %dma_start3A_198] : memref<10240x80xf32, #tpu.memory_space<vmem_shared>> -> memref<32x80xf32, #tpu.memory_space<vmem_shared>>
      %dma_start3A_200 = arith.constant 0 : i32
      %dma_start3A_201 = tpu.memref_slice %arg9[%add3A_23, %dma_start3A_200] : memref<10240x80xf32, #tpu.memory_space<vmem_shared>> -> memref<32x80xf32, #tpu.memory_space<vmem_shared>>
      tpu.enqueue_dma source(%arg8 : memref<32x80xf32, #tpu.memory_space<vmem>>) target(%dma_start3A_201 : memref<32x80xf32, #tpu.memory_space<vmem_shared>>) target_semaphore(%run_scoped3A_197 : memref<!tpu.dma_semaphore, #tpu.memory_space<semaphore_mem>>)
      %dma_wait3A_202 = arith.constant 0 : i32
      %dma_wait3A_203 = tpu.memref_slice %arg9[%add3A_23, %dma_wait3A_202] : memref<10240x80xf32, #tpu.memory_space<vmem_shared>> -> memref<32x80xf32, #tpu.memory_space<vmem_shared>>
      %dma_wait3A_204 = arith.constant 0 : i32
      %dma_wait3A_205 = tpu.memref_slice %arg9[%add3A_23, %dma_wait3A_204] : memref<10240x80xf32, #tpu.memory_space<vmem_shared>> -> memref<32x80xf32, #tpu.memory_space<vmem_shared>>
      tpu.wait_dma2 semaphore(%run_scoped3A_197 : memref<!tpu.dma_semaphore, #tpu.memory_space<semaphore_mem>>) src(%arg8 : memref<32x80xf32, #tpu.memory_space<vmem>>) dst(%dma_wait3A_205 : memref<32x80xf32, #tpu.memory_space<vmem_shared>>)
      tpu.yield
    }) : () -> ()
    %mul3A_24 = arith.constant 640 : i32
    %mul3A_25 = arith.muli %arg1, %mul3A_24 : i32
    %add3A_26 = arith.constant 96 : i32
    %add3A_27 = arith.addi %mul3A_25, %add3A_26 : i32
    "tpu.region"() ({
      %run_scoped3A_197 = tpu.sem_alloc : memref<!tpu.dma_semaphore, #tpu.memory_space<semaphore_mem>>
      %dma_start3A_198 = arith.constant 0 : i32
      %dma_start3A_199 = tpu.memref_slice %arg9[%add3A_27, %dma_start3A_198] : memref<10240x80xf32, #tpu.memory_space<vmem_shared>> -> memref<32x80xf32, #tpu.memory_space<vmem_shared>>
      %dma_start3A_200 = arith.constant 0 : i32
      %dma_start3A_201 = tpu.memref_slice %arg9[%add3A_27, %dma_start3A_200] : memref<10240x80xf32, #tpu.memory_space<vmem_shared>> -> memref<32x80xf32, #tpu.memory_space<vmem_shared>>
      tpu.enqueue_dma source(%arg8 : memref<32x80xf32, #tpu.memory_space<vmem>>) target(%dma_start3A_201 : memref<32x80xf32, #tpu.memory_space<vmem_shared>>) target_semaphore(%run_scoped3A_197 : memref<!tpu.dma_semaphore, #tpu.memory_space<semaphore_mem>>)
      %dma_wait3A_202 = arith.constant 0 : i32
      %dma_wait3A_203 = tpu.memref_slice %arg9[%add3A_27, %dma_wait3A_202] : memref<10240x80xf32, #tpu.memory_space<vmem_shared>> -> memref<32x80xf32, #tpu.memory_space<vmem_shared>>
      %dma_wait3A_204 = arith.constant 0 : i32
      %dma_wait3A_205 = tpu.memref_slice %arg9[%add3A_27, %dma_wait3A_204] : memref<10240x80xf32, #tpu.memory_space<vmem_shared>> -> memref<32x80xf32, #tpu.memory_space<vmem_shared>>
      tpu.wait_dma2 semaphore(%run_scoped3A_197 : memref<!tpu.dma_semaphore, #tpu.memory_space<semaphore_mem>>) src(%arg8 : memref<32x80xf32, #tpu.memory_space<vmem>>) dst(%dma_wait3A_205 : memref<32x80xf32, #tpu.memory_space<vmem_shared>>)
      tpu.yield
    }) : () -> ()
    %mul3A_28 = arith.constant 640 : i32
    %mul3A_29 = arith.muli %arg1, %mul3A_28 : i32
    %add3A_30 = arith.constant 128 : i32
    %add3A_31 = arith.addi %mul3A_29, %add3A_30 : i32
    "tpu.region"() ({
      %run_scoped3A_197 = tpu.sem_alloc : memref<!tpu.dma_semaphore, #tpu.memory_space<semaphore_mem>>
      %dma_start3A_198 = arith.constant 0 : i32
      %dma_start3A_199 = tpu.memref_slice %arg9[%add3A_31, %dma_start3A_198] : memref<10240x80xf32, #tpu.memory_space<vmem_shared>> -> memref<32x80xf32, #tpu.memory_space<vmem_shared>>
      %dma_start3A_200 = arith.constant 0 : i32
      %dma_start3A_201 = tpu.memref_slice %arg9[%add3A_31, %dma_start3A_200] : memref<10240x80xf32, #tpu.memory_space<vmem_shared>> -> memref<32x80xf32, #tpu.memory_space<vmem_shared>>
      tpu.enqueue_dma source(%arg8 : memref<32x80xf32, #tpu.memory_space<vmem>>) target(%dma_start3A_201 : memref<32x80xf32, #tpu.memory_space<vmem_shared>>) target_semaphore(%run_scoped3A_197 : memref<!tpu.dma_semaphore, #tpu.memory_space<semaphore_mem>>)
      %dma_wait3A_202 = arith.constant 0 : i32
      %dma_wait3A_203 = tpu.memref_slice %arg9[%add3A_31, %dma_wait3A_202] : memref<10240x80xf32, #tpu.memory_space<vmem_shared>> -> memref<32x80xf32, #tpu.memory_space<vmem_shared>>
      %dma_wait3A_204 = arith.constant 0 : i32
      %dma_wait3A_205 = tpu.memref_slice %arg9[%add3A_31, %dma_wait3A_204] : memref<10240x80xf32, #tpu.memory_space<vmem_shared>> -> memref<32x80xf32, #tpu.memory_space<vmem_shared>>
      tpu.wait_dma2 semaphore(%run_scoped3A_197 : memref<!tpu.dma_semaphore, #tpu.memory_space<semaphore_mem>>) src(%arg8 : memref<32x80xf32, #tpu.memory_space<vmem>>) dst(%dma_wait3A_205 : memref<32x80xf32, #tpu.memory_space<vmem_shared>>)
      tpu.yield
    }) : () -> ()
    %mul3A_32 = arith.constant 640 : i32
    %mul3A_33 = arith.muli %arg1, %mul3A_32 : i32
    %add3A_34 = arith.constant 160 : i32
    %add3A_35 = arith.addi %mul3A_33, %add3A_34 : i32
    "tpu.region"() ({
      %run_scoped3A_197 = tpu.sem_alloc : memref<!tpu.dma_semaphore, #tpu.memory_space<semaphore_mem>>
      %dma_start3A_198 = arith.constant 0 : i32
      %dma_start3A_199 = tpu.memref_slice %arg9[%add3A_35, %dma_start3A_198] : memref<10240x80xf32, #tpu.memory_space<vmem_shared>> -> memref<32x80xf32, #tpu.memory_space<vmem_shared>>
      %dma_start3A_200 = arith.constant 0 : i32
      %dma_start3A_201 = tpu.memref_slice %arg9[%add3A_35, %dma_start3A_200] : memref<10240x80xf32, #tpu.memory_space<vmem_shared>> -> memref<32x80xf32, #tpu.memory_space<vmem_shared>>
      tpu.enqueue_dma source(%arg8 : memref<32x80xf32, #tpu.memory_space<vmem>>) target(%dma_start3A_201 : memref<32x80xf32, #tpu.memory_space<vmem_shared>>) target_semaphore(%run_scoped3A_197 : memref<!tpu.dma_semaphore, #tpu.memory_space<semaphore_mem>>)
      %dma_wait3A_202 = arith.constant 0 : i32
      %dma_wait3A_203 = tpu.memref_slice %arg9[%add3A_35, %dma_wait3A_202] : memref<10240x80xf32, #tpu.memory_space<vmem_shared>> -> memref<32x80xf32, #tpu.memory_space<vmem_shared>>
      %dma_wait3A_204 = arith.constant 0 : i32
      %dma_wait3A_205 = tpu.memref_slice %arg9[%add3A_35, %dma_wait3A_204] : memref<10240x80xf32, #tpu.memory_space<vmem_shared>> -> memref<32x80xf32, #tpu.memory_space<vmem_shared>>
      tpu.wait_dma2 semaphore(%run_scoped3A_197 : memref<!tpu.dma_semaphore, #tpu.memory_space<semaphore_mem>>) src(%arg8 : memref<32x80xf32, #tpu.memory_space<vmem>>) dst(%dma_wait3A_205 : memref<32x80xf32, #tpu.memory_space<vmem_shared>>)
      tpu.yield
    }) : () -> ()
    %mul3A_36 = arith.constant 640 : i32
    %mul3A_37 = arith.muli %arg1, %mul3A_36 : i32
    %add3A_38 = arith.constant 192 : i32
    %add3A_39 = arith.addi %mul3A_37, %add3A_38 : i32
    "tpu.region"() ({
      %run_scoped3A_197 = tpu.sem_alloc : memref<!tpu.dma_semaphore, #tpu.memory_space<semaphore_mem>>
      %dma_start3A_198 = arith.constant 0 : i32
      %dma_start3A_199 = tpu.memref_slice %arg9[%add3A_39, %dma_start3A_198] : memref<10240x80xf32, #tpu.memory_space<vmem_shared>> -> memref<32x80xf32, #tpu.memory_space<vmem_shared>>
      %dma_start3A_200 = arith.constant 0 : i32
      %dma_start3A_201 = tpu.memref_slice %arg9[%add3A_39, %dma_start3A_200] : memref<10240x80xf32, #tpu.memory_space<vmem_shared>> -> memref<32x80xf32, #tpu.memory_space<vmem_shared>>
      tpu.enqueue_dma source(%arg8 : memref<32x80xf32, #tpu.memory_space<vmem>>) target(%dma_start3A_201 : memref<32x80xf32, #tpu.memory_space<vmem_shared>>) target_semaphore(%run_scoped3A_197 : memref<!tpu.dma_semaphore, #tpu.memory_space<semaphore_mem>>)
      %dma_wait3A_202 = arith.constant 0 : i32
      %dma_wait3A_203 = tpu.memref_slice %arg9[%add3A_39, %dma_wait3A_202] : memref<10240x80xf32, #tpu.memory_space<vmem_shared>> -> memref<32x80xf32, #tpu.memory_space<vmem_shared>>
      %dma_wait3A_204 = arith.constant 0 : i32
      %dma_wait3A_205 = tpu.memref_slice %arg9[%add3A_39, %dma_wait3A_204] : memref<10240x80xf32, #tpu.memory_space<vmem_shared>> -> memref<32x80xf32, #tpu.memory_space<vmem_shared>>
      tpu.wait_dma2 semaphore(%run_scoped3A_197 : memref<!tpu.dma_semaphore, #tpu.memory_space<semaphore_mem>>) src(%arg8 : memref<32x80xf32, #tpu.memory_space<vmem>>) dst(%dma_wait3A_205 : memref<32x80xf32, #tpu.memory_space<vmem_shared>>)
      tpu.yield
    }) : () -> ()
    %mul3A_40 = arith.constant 640 : i32
    %mul3A_41 = arith.muli %arg1, %mul3A_40 : i32
    %add3A_42 = arith.constant 224 : i32
    %add3A_43 = arith.addi %mul3A_41, %add3A_42 : i32
    "tpu.region"() ({
      %run_scoped3A_197 = tpu.sem_alloc : memref<!tpu.dma_semaphore, #tpu.memory_space<semaphore_mem>>
      %dma_start3A_198 = arith.constant 0 : i32
      %dma_start3A_199 = tpu.memref_slice %arg9[%add3A_43, %dma_start3A_198] : memref<10240x80xf32, #tpu.memory_space<vmem_shared>> -> memref<32x80xf32, #tpu.memory_space<vmem_shared>>
      %dma_start3A_200 = arith.constant 0 : i32
      %dma_start3A_201 = tpu.memref_slice %arg9[%add3A_43, %dma_start3A_200] : memref<10240x80xf32, #tpu.memory_space<vmem_shared>> -> memref<32x80xf32, #tpu.memory_space<vmem_shared>>
      tpu.enqueue_dma source(%arg8 : memref<32x80xf32, #tpu.memory_space<vmem>>) target(%dma_start3A_201 : memref<32x80xf32, #tpu.memory_space<vmem_shared>>) target_semaphore(%run_scoped3A_197 : memref<!tpu.dma_semaphore, #tpu.memory_space<semaphore_mem>>)
      %dma_wait3A_202 = arith.constant 0 : i32
      %dma_wait3A_203 = tpu.memref_slice %arg9[%add3A_43, %dma_wait3A_202] : memref<10240x80xf32, #tpu.memory_space<vmem_shared>> -> memref<32x80xf32, #tpu.memory_space<vmem_shared>>
      %dma_wait3A_204 = arith.constant 0 : i32
      %dma_wait3A_205 = tpu.memref_slice %arg9[%add3A_43, %dma_wait3A_204] : memref<10240x80xf32, #tpu.memory_space<vmem_shared>> -> memref<32x80xf32, #tpu.memory_space<vmem_shared>>
      tpu.wait_dma2 semaphore(%run_scoped3A_197 : memref<!tpu.dma_semaphore, #tpu.memory_space<semaphore_mem>>) src(%arg8 : memref<32x80xf32, #tpu.memory_space<vmem>>) dst(%dma_wait3A_205 : memref<32x80xf32, #tpu.memory_space<vmem_shared>>)
      tpu.yield
    }) : () -> ()
    %mul3A_44 = arith.constant 640 : i32
    %mul3A_45 = arith.muli %arg1, %mul3A_44 : i32
    %add3A_46 = arith.constant 256 : i32
    %add3A_47 = arith.addi %mul3A_45, %add3A_46 : i32
    "tpu.region"() ({
      %run_scoped3A_197 = tpu.sem_alloc : memref<!tpu.dma_semaphore, #tpu.memory_space<semaphore_mem>>
      %dma_start3A_198 = arith.constant 0 : i32
      %dma_start3A_199 = tpu.memref_slice %arg9[%add3A_47, %dma_start3A_198] : memref<10240x80xf32, #tpu.memory_space<vmem_shared>> -> memref<32x80xf32, #tpu.memory_space<vmem_shared>>
      %dma_start3A_200 = arith.constant 0 : i32
      %dma_start3A_201 = tpu.memref_slice %arg9[%add3A_47, %dma_start3A_200] : memref<10240x80xf32, #tpu.memory_space<vmem_shared>> -> memref<32x80xf32, #tpu.memory_space<vmem_shared>>
      tpu.enqueue_dma source(%arg8 : memref<32x80xf32, #tpu.memory_space<vmem>>) target(%dma_start3A_201 : memref<32x80xf32, #tpu.memory_space<vmem_shared>>) target_semaphore(%run_scoped3A_197 : memref<!tpu.dma_semaphore, #tpu.memory_space<semaphore_mem>>)
      %dma_wait3A_202 = arith.constant 0 : i32
      %dma_wait3A_203 = tpu.memref_slice %arg9[%add3A_47, %dma_wait3A_202] : memref<10240x80xf32, #tpu.memory_space<vmem_shared>> -> memref<32x80xf32, #tpu.memory_space<vmem_shared>>
      %dma_wait3A_204 = arith.constant 0 : i32
      %dma_wait3A_205 = tpu.memref_slice %arg9[%add3A_47, %dma_wait3A_204] : memref<10240x80xf32, #tpu.memory_space<vmem_shared>> -> memref<32x80xf32, #tpu.memory_space<vmem_shared>>
      tpu.wait_dma2 semaphore(%run_scoped3A_197 : memref<!tpu.dma_semaphore, #tpu.memory_space<semaphore_mem>>) src(%arg8 : memref<32x80xf32, #tpu.memory_space<vmem>>) dst(%dma_wait3A_205 : memref<32x80xf32, #tpu.memory_space<vmem_shared>>)
      tpu.yield
    }) : () -> ()
    %mul3A_48 = arith.constant 640 : i32
    %mul3A_49 = arith.muli %arg1, %mul3A_48 : i32
    %add3A_50 = arith.constant 288 : i32
    %add3A_51 = arith.addi %mul3A_49, %add3A_50 : i32
    "tpu.region"() ({
      %run_scoped3A_197 = tpu.sem_alloc : memref<!tpu.dma_semaphore, #tpu.memory_space<semaphore_mem>>
      %dma_start3A_198 = arith.constant 0 : i32
      %dma_start3A_199 = tpu.memref_slice %arg9[%add3A_51, %dma_start3A_198] : memref<10240x80xf32, #tpu.memory_space<vmem_shared>> -> memref<32x80xf32, #tpu.memory_space<vmem_shared>>
      %dma_start3A_200 = arith.constant 0 : i32
      %dma_start3A_201 = tpu.memref_slice %arg9[%add3A_51, %dma_start3A_200] : memref<10240x80xf32, #tpu.memory_space<vmem_shared>> -> memref<32x80xf32, #tpu.memory_space<vmem_shared>>
      tpu.enqueue_dma source(%arg8 : memref<32x80xf32, #tpu.memory_space<vmem>>) target(%dma_start3A_201 : memref<32x80xf32, #tpu.memory_space<vmem_shared>>) target_semaphore(%run_scoped3A_197 : memref<!tpu.dma_semaphore, #tpu.memory_space<semaphore_mem>>)
      %dma_wait3A_202 = arith.constant 0 : i32
      %dma_wait3A_203 = tpu.memref_slice %arg9[%add3A_51, %dma_wait3A_202] : memref<10240x80xf32, #tpu.memory_space<vmem_shared>> -> memref<32x80xf32, #tpu.memory_space<vmem_shared>>
      %dma_wait3A_204 = arith.constant 0 : i32
      %dma_wait3A_205 = tpu.memref_slice %arg9[%add3A_51, %dma_wait3A_204] : memref<10240x80xf32, #tpu.memory_space<vmem_shared>> -> memref<32x80xf32, #tpu.memory_space<vmem_shared>>
      tpu.wait_dma2 semaphore(%run_scoped3A_197 : memref<!tpu.dma_semaphore, #tpu.memory_space<semaphore_mem>>) src(%arg8 : memref<32x80xf32, #tpu.memory_space<vmem>>) dst(%dma_wait3A_205 : memref<32x80xf32, #tpu.memory_space<vmem_shared>>)
      tpu.yield
    }) : () -> ()
    %mul3A_52 = arith.constant 640 : i32
    %mul3A_53 = arith.muli %arg1, %mul3A_52 : i32
    %add3A_54 = arith.constant 320 : i32
    %add3A_55 = arith.addi %mul3A_53, %add3A_54 : i32
    "tpu.region"() ({
      %run_scoped3A_197 = tpu.sem_alloc : memref<!tpu.dma_semaphore, #tpu.memory_space<semaphore_mem>>
      %dma_start3A_198 = arith.constant 0 : i32
      %dma_start3A_199 = tpu.memref_slice %arg9[%add3A_55, %dma_start3A_198] : memref<10240x80xf32, #tpu.memory_space<vmem_shared>> -> memref<32x80xf32, #tpu.memory_space<vmem_shared>>
      %dma_start3A_200 = arith.constant 0 : i32
      %dma_start3A_201 = tpu.memref_slice %arg9[%add3A_55, %dma_start3A_200] : memref<10240x80xf32, #tpu.memory_space<vmem_shared>> -> memref<32x80xf32, #tpu.memory_space<vmem_shared>>
      tpu.enqueue_dma source(%arg8 : memref<32x80xf32, #tpu.memory_space<vmem>>) target(%dma_start3A_201 : memref<32x80xf32, #tpu.memory_space<vmem_shared>>) target_semaphore(%run_scoped3A_197 : memref<!tpu.dma_semaphore, #tpu.memory_space<semaphore_mem>>)
      %dma_wait3A_202 = arith.constant 0 : i32
      %dma_wait3A_203 = tpu.memref_slice %arg9[%add3A_55, %dma_wait3A_202] : memref<10240x80xf32, #tpu.memory_space<vmem_shared>> -> memref<32x80xf32, #tpu.memory_space<vmem_shared>>
      %dma_wait3A_204 = arith.constant 0 : i32
      %dma_wait3A_205 = tpu.memref_slice %arg9[%add3A_55, %dma_wait3A_204] : memref<10240x80xf32, #tpu.memory_space<vmem_shared>> -> memref<32x80xf32, #tpu.memory_space<vmem_shared>>
      tpu.wait_dma2 semaphore(%run_scoped3A_197 : memref<!tpu.dma_semaphore, #tpu.memory_space<semaphore_mem>>) src(%arg8 : memref<32x80xf32, #tpu.memory_space<vmem>>) dst(%dma_wait3A_205 : memref<32x80xf32, #tpu.memory_space<vmem_shared>>)
      tpu.yield
    }) : () -> ()
    %mul3A_56 = arith.constant 640 : i32
    %mul3A_57 = arith.muli %arg1, %mul3A_56 : i32
    %add3A_58 = arith.constant 352 : i32
    %add3A_59 = arith.addi %mul3A_57, %add3A_58 : i32
    "tpu.region"() ({
      %run_scoped3A_197 = tpu.sem_alloc : memref<!tpu.dma_semaphore, #tpu.memory_space<semaphore_mem>>
      %dma_start3A_198 = arith.constant 0 : i32
      %dma_start3A_199 = tpu.memref_slice %arg9[%add3A_59, %dma_start3A_198] : memref<10240x80xf32, #tpu.memory_space<vmem_shared>> -> memref<32x80xf32, #tpu.memory_space<vmem_shared>>
      %dma_start3A_200 = arith.constant 0 : i32
      %dma_start3A_201 = tpu.memref_slice %arg9[%add3A_59, %dma_start3A_200] : memref<10240x80xf32, #tpu.memory_space<vmem_shared>> -> memref<32x80xf32, #tpu.memory_space<vmem_shared>>
      tpu.enqueue_dma source(%arg8 : memref<32x80xf32, #tpu.memory_space<vmem>>) target(%dma_start3A_201 : memref<32x80xf32, #tpu.memory_space<vmem_shared>>) target_semaphore(%run_scoped3A_197 : memref<!tpu.dma_semaphore, #tpu.memory_space<semaphore_mem>>)
      %dma_wait3A_202 = arith.constant 0 : i32
      %dma_wait3A_203 = tpu.memref_slice %arg9[%add3A_59, %dma_wait3A_202] : memref<10240x80xf32, #tpu.memory_space<vmem_shared>> -> memref<32x80xf32, #tpu.memory_space<vmem_shared>>
      %dma_wait3A_204 = arith.constant 0 : i32
      %dma_wait3A_205 = tpu.memref_slice %arg9[%add3A_59, %dma_wait3A_204] : memref<10240x80xf32, #tpu.memory_space<vmem_shared>> -> memref<32x80xf32, #tpu.memory_space<vmem_shared>>
      tpu.wait_dma2 semaphore(%run_scoped3A_197 : memref<!tpu.dma_semaphore, #tpu.memory_space<semaphore_mem>>) src(%arg8 : memref<32x80xf32, #tpu.memory_space<vmem>>) dst(%dma_wait3A_205 : memref<32x80xf32, #tpu.memory_space<vmem_shared>>)
      tpu.yield
    }) : () -> ()
    %mul3A_60 = arith.constant 640 : i32
    %mul3A_61 = arith.muli %arg1, %mul3A_60 : i32
    %add3A_62 = arith.constant 384 : i32
    %add3A_63 = arith.addi %mul3A_61, %add3A_62 : i32
    "tpu.region"() ({
      %run_scoped3A_197 = tpu.sem_alloc : memref<!tpu.dma_semaphore, #tpu.memory_space<semaphore_mem>>
      %dma_start3A_198 = arith.constant 0 : i32
      %dma_start3A_199 = tpu.memref_slice %arg9[%add3A_63, %dma_start3A_198] : memref<10240x80xf32, #tpu.memory_space<vmem_shared>> -> memref<32x80xf32, #tpu.memory_space<vmem_shared>>
      %dma_start3A_200 = arith.constant 0 : i32
      %dma_start3A_201 = tpu.memref_slice %arg9[%add3A_63, %dma_start3A_200] : memref<10240x80xf32, #tpu.memory_space<vmem_shared>> -> memref<32x80xf32, #tpu.memory_space<vmem_shared>>
      tpu.enqueue_dma source(%arg8 : memref<32x80xf32, #tpu.memory_space<vmem>>) target(%dma_start3A_201 : memref<32x80xf32, #tpu.memory_space<vmem_shared>>) target_semaphore(%run_scoped3A_197 : memref<!tpu.dma_semaphore, #tpu.memory_space<semaphore_mem>>)
      %dma_wait3A_202 = arith.constant 0 : i32
      %dma_wait3A_203 = tpu.memref_slice %arg9[%add3A_63, %dma_wait3A_202] : memref<10240x80xf32, #tpu.memory_space<vmem_shared>> -> memref<32x80xf32, #tpu.memory_space<vmem_shared>>
      %dma_wait3A_204 = arith.constant 0 : i32
      %dma_wait3A_205 = tpu.memref_slice %arg9[%add3A_63, %dma_wait3A_204] : memref<10240x80xf32, #tpu.memory_space<vmem_shared>> -> memref<32x80xf32, #tpu.memory_space<vmem_shared>>
      tpu.wait_dma2 semaphore(%run_scoped3A_197 : memref<!tpu.dma_semaphore, #tpu.memory_space<semaphore_mem>>) src(%arg8 : memref<32x80xf32, #tpu.memory_space<vmem>>) dst(%dma_wait3A_205 : memref<32x80xf32, #tpu.memory_space<vmem_shared>>)
      tpu.yield
    }) : () -> ()
    %mul3A_64 = arith.constant 640 : i32
    %mul3A_65 = arith.muli %arg1, %mul3A_64 : i32
    %add3A_66 = arith.constant 416 : i32
    %add3A_67 = arith.addi %mul3A_65, %add3A_66 : i32
    "tpu.region"() ({
      %run_scoped3A_197 = tpu.sem_alloc : memref<!tpu.dma_semaphore, #tpu.memory_space<semaphore_mem>>
      %dma_start3A_198 = arith.constant 0 : i32
      %dma_start3A_199 = tpu.memref_slice %arg9[%add3A_67, %dma_start3A_198] : memref<10240x80xf32, #tpu.memory_space<vmem_shared>> -> memref<32x80xf32, #tpu.memory_space<vmem_shared>>
      %dma_start3A_200 = arith.constant 0 : i32
      %dma_start3A_201 = tpu.memref_slice %arg9[%add3A_67, %dma_start3A_200] : memref<10240x80xf32, #tpu.memory_space<vmem_shared>> -> memref<32x80xf32, #tpu.memory_space<vmem_shared>>
      tpu.enqueue_dma source(%arg8 : memref<32x80xf32, #tpu.memory_space<vmem>>) target(%dma_start3A_201 : memref<32x80xf32, #tpu.memory_space<vmem_shared>>) target_semaphore(%run_scoped3A_197 : memref<!tpu.dma_semaphore, #tpu.memory_space<semaphore_mem>>)
      %dma_wait3A_202 = arith.constant 0 : i32
      %dma_wait3A_203 = tpu.memref_slice %arg9[%add3A_67, %dma_wait3A_202] : memref<10240x80xf32, #tpu.memory_space<vmem_shared>> -> memref<32x80xf32, #tpu.memory_space<vmem_shared>>
      %dma_wait3A_204 = arith.constant 0 : i32
      %dma_wait3A_205 = tpu.memref_slice %arg9[%add3A_67, %dma_wait3A_204] : memref<10240x80xf32, #tpu.memory_space<vmem_shared>> -> memref<32x80xf32, #tpu.memory_space<vmem_shared>>
      tpu.wait_dma2 semaphore(%run_scoped3A_197 : memref<!tpu.dma_semaphore, #tpu.memory_space<semaphore_mem>>) src(%arg8 : memref<32x80xf32, #tpu.memory_space<vmem>>) dst(%dma_wait3A_205 : memref<32x80xf32, #tpu.memory_space<vmem_shared>>)
      tpu.yield
    }) : () -> ()
    %mul3A_68 = arith.constant 640 : i32
    %mul3A_69 = arith.muli %arg1, %mul3A_68 : i32
    %add3A_70 = arith.constant 448 : i32
    %add3A_71 = arith.addi %mul3A_69, %add3A_70 : i32
    "tpu.region"() ({
      %run_scoped3A_197 = tpu.sem_alloc : memref<!tpu.dma_semaphore, #tpu.memory_space<semaphore_mem>>
      %dma_start3A_198 = arith.constant 0 : i32
      %dma_start3A_199 = tpu.memref_slice %arg9[%add3A_71, %dma_start3A_198] : memref<10240x80xf32, #tpu.memory_space<vmem_shared>> -> memref<32x80xf32, #tpu.memory_space<vmem_shared>>
      %dma_start3A_200 = arith.constant 0 : i32
      %dma_start3A_201 = tpu.memref_slice %arg9[%add3A_71, %dma_start3A_200] : memref<10240x80xf32, #tpu.memory_space<vmem_shared>> -> memref<32x80xf32, #tpu.memory_space<vmem_shared>>
      tpu.enqueue_dma source(%arg8 : memref<32x80xf32, #tpu.memory_space<vmem>>) target(%dma_start3A_201 : memref<32x80xf32, #tpu.memory_space<vmem_shared>>) target_semaphore(%run_scoped3A_197 : memref<!tpu.dma_semaphore, #tpu.memory_space<semaphore_mem>>)
      %dma_wait3A_202 = arith.constant 0 : i32
      %dma_wait3A_203 = tpu.memref_slice %arg9[%add3A_71, %dma_wait3A_202] : memref<10240x80xf32, #tpu.memory_space<vmem_shared>> -> memref<32x80xf32, #tpu.memory_space<vmem_shared>>
      %dma_wait3A_204 = arith.constant 0 : i32
      %dma_wait3A_205 = tpu.memref_slice %arg9[%add3A_71, %dma_wait3A_204] : memref<10240x80xf32, #tpu.memory_space<vmem_shared>> -> memref<32x80xf32, #tpu.memory_space<vmem_shared>>
      tpu.wait_dma2 semaphore(%run_scoped3A_197 : memref<!tpu.dma_semaphore, #tpu.memory_space<semaphore_mem>>) src(%arg8 : memref<32x80xf32, #tpu.memory_space<vmem>>) dst(%dma_wait3A_205 : memref<32x80xf32, #tpu.memory_space<vmem_shared>>)
      tpu.yield
    }) : () -> ()
    %mul3A_72 = arith.constant 640 : i32
    %mul3A_73 = arith.muli %arg1, %mul3A_72 : i32
    %add3A_74 = arith.constant 480 : i32
    %add3A_75 = arith.addi %mul3A_73, %add3A_74 : i32
    "tpu.region"() ({
      %run_scoped3A_197 = tpu.sem_alloc : memref<!tpu.dma_semaphore, #tpu.memory_space<semaphore_mem>>
      %dma_start3A_198 = arith.constant 0 : i32
      %dma_start3A_199 = tpu.memref_slice %arg9[%add3A_75, %dma_start3A_198] : memref<10240x80xf32, #tpu.memory_space<vmem_shared>> -> memref<32x80xf32, #tpu.memory_space<vmem_shared>>
      %dma_start3A_200 = arith.constant 0 : i32
      %dma_start3A_201 = tpu.memref_slice %arg9[%add3A_75, %dma_start3A_200] : memref<10240x80xf32, #tpu.memory_space<vmem_shared>> -> memref<32x80xf32, #tpu.memory_space<vmem_shared>>
      tpu.enqueue_dma source(%arg8 : memref<32x80xf32, #tpu.memory_space<vmem>>) target(%dma_start3A_201 : memref<32x80xf32, #tpu.memory_space<vmem_shared>>) target_semaphore(%run_scoped3A_197 : memref<!tpu.dma_semaphore, #tpu.memory_space<semaphore_mem>>)
      %dma_wait3A_202 = arith.constant 0 : i32
      %dma_wait3A_203 = tpu.memref_slice %arg9[%add3A_75, %dma_wait3A_202] : memref<10240x80xf32, #tpu.memory_space<vmem_shared>> -> memref<32x80xf32, #tpu.memory_space<vmem_shared>>
      %dma_wait3A_204 = arith.constant 0 : i32
      %dma_wait3A_205 = tpu.memref_slice %arg9[%add3A_75, %dma_wait3A_204] : memref<10240x80xf32, #tpu.memory_space<vmem_shared>> -> memref<32x80xf32, #tpu.memory_space<vmem_shared>>
      tpu.wait_dma2 semaphore(%run_scoped3A_197 : memref<!tpu.dma_semaphore, #tpu.memory_space<semaphore_mem>>) src(%arg8 : memref<32x80xf32, #tpu.memory_space<vmem>>) dst(%dma_wait3A_205 : memref<32x80xf32, #tpu.memory_space<vmem_shared>>)
      tpu.yield
    }) : () -> ()
    %mul3A_76 = arith.constant 640 : i32
    %mul3A_77 = arith.muli %arg1, %mul3A_76 : i32
    %add3A_78 = arith.constant 512 : i32
    %add3A_79 = arith.addi %mul3A_77, %add3A_78 : i32
    "tpu.region"() ({
      %run_scoped3A_197 = tpu.sem_alloc : memref<!tpu.dma_semaphore, #tpu.memory_space<semaphore_mem>>
      %dma_start3A_198 = arith.constant 0 : i32
      %dma_start3A_199 = tpu.memref_slice %arg9[%add3A_79, %dma_start3A_198] : memref<10240x80xf32, #tpu.memory_space<vmem_shared>> -> memref<32x80xf32, #tpu.memory_space<vmem_shared>>
      %dma_start3A_200 = arith.constant 0 : i32
      %dma_start3A_201 = tpu.memref_slice %arg9[%add3A_79, %dma_start3A_200] : memref<10240x80xf32, #tpu.memory_space<vmem_shared>> -> memref<32x80xf32, #tpu.memory_space<vmem_shared>>
      tpu.enqueue_dma source(%arg8 : memref<32x80xf32, #tpu.memory_space<vmem>>) target(%dma_start3A_201 : memref<32x80xf32, #tpu.memory_space<vmem_shared>>) target_semaphore(%run_scoped3A_197 : memref<!tpu.dma_semaphore, #tpu.memory_space<semaphore_mem>>)
      %dma_wait3A_202 = arith.constant 0 : i32
      %dma_wait3A_203 = tpu.memref_slice %arg9[%add3A_79, %dma_wait3A_202] : memref<10240x80xf32, #tpu.memory_space<vmem_shared>> -> memref<32x80xf32, #tpu.memory_space<vmem_shared>>
      %dma_wait3A_204 = arith.constant 0 : i32
      %dma_wait3A_205 = tpu.memref_slice %arg9[%add3A_79, %dma_wait3A_204] : memref<10240x80xf32, #tpu.memory_space<vmem_shared>> -> memref<32x80xf32, #tpu.memory_space<vmem_shared>>
      tpu.wait_dma2 semaphore(%run_scoped3A_197 : memref<!tpu.dma_semaphore, #tpu.memory_space<semaphore_mem>>) src(%arg8 : memref<32x80xf32, #tpu.memory_space<vmem>>) dst(%dma_wait3A_205 : memref<32x80xf32, #tpu.memory_space<vmem_shared>>)
      tpu.yield
    }) : () -> ()
    %mul3A_80 = arith.constant 640 : i32
    %mul3A_81 = arith.muli %arg1, %mul3A_80 : i32
    %add3A_82 = arith.constant 544 : i32
    %add3A_83 = arith.addi %mul3A_81, %add3A_82 : i32
    "tpu.region"() ({
      %run_scoped3A_197 = tpu.sem_alloc : memref<!tpu.dma_semaphore, #tpu.memory_space<semaphore_mem>>
      %dma_start3A_198 = arith.constant 0 : i32
      %dma_start3A_199 = tpu.memref_slice %arg9[%add3A_83, %dma_start3A_198] : memref<10240x80xf32, #tpu.memory_space<vmem_shared>> -> memref<32x80xf32, #tpu.memory_space<vmem_shared>>
      %dma_start3A_200 = arith.constant 0 : i32
      %dma_start3A_201 = tpu.memref_slice %arg9[%add3A_83, %dma_start3A_200] : memref<10240x80xf32, #tpu.memory_space<vmem_shared>> -> memref<32x80xf32, #tpu.memory_space<vmem_shared>>
      tpu.enqueue_dma source(%arg8 : memref<32x80xf32, #tpu.memory_space<vmem>>) target(%dma_start3A_201 : memref<32x80xf32, #tpu.memory_space<vmem_shared>>) target_semaphore(%run_scoped3A_197 : memref<!tpu.dma_semaphore, #tpu.memory_space<semaphore_mem>>)
      %dma_wait3A_202 = arith.constant 0 : i32
      %dma_wait3A_203 = tpu.memref_slice %arg9[%add3A_83, %dma_wait3A_202] : memref<10240x80xf32, #tpu.memory_space<vmem_shared>> -> memref<32x80xf32, #tpu.memory_space<vmem_shared>>
      %dma_wait3A_204 = arith.constant 0 : i32
      %dma_wait3A_205 = tpu.memref_slice %arg9[%add3A_83, %dma_wait3A_204] : memref<10240x80xf32, #tpu.memory_space<vmem_shared>> -> memref<32x80xf32, #tpu.memory_space<vmem_shared>>
      tpu.wait_dma2 semaphore(%run_scoped3A_197 : memref<!tpu.dma_semaphore, #tpu.memory_space<semaphore_mem>>) src(%arg8 : memref<32x80xf32, #tpu.memory_space<vmem>>) dst(%dma_wait3A_205 : memref<32x80xf32, #tpu.memory_space<vmem_shared>>)
      tpu.yield
    }) : () -> ()
    %mul3A_84 = arith.constant 640 : i32
    %mul3A_85 = arith.muli %arg1, %mul3A_84 : i32
    %add3A_86 = arith.constant 576 : i32
    %add3A_87 = arith.addi %mul3A_85, %add3A_86 : i32
    "tpu.region"() ({
      %run_scoped3A_197 = tpu.sem_alloc : memref<!tpu.dma_semaphore, #tpu.memory_space<semaphore_mem>>
      %dma_start3A_198 = arith.constant 0 : i32
      %dma_start3A_199 = tpu.memref_slice %arg9[%add3A_87, %dma_start3A_198] : memref<10240x80xf32, #tpu.memory_space<vmem_shared>> -> memref<32x80xf32, #tpu.memory_space<vmem_shared>>
      %dma_start3A_200 = arith.constant 0 : i32
      %dma_start3A_201 = tpu.memref_slice %arg9[%add3A_87, %dma_start3A_200] : memref<10240x80xf32, #tpu.memory_space<vmem_shared>> -> memref<32x80xf32, #tpu.memory_space<vmem_shared>>
      tpu.enqueue_dma source(%arg8 : memref<32x80xf32, #tpu.memory_space<vmem>>) target(%dma_start3A_201 : memref<32x80xf32, #tpu.memory_space<vmem_shared>>) target_semaphore(%run_scoped3A_197 : memref<!tpu.dma_semaphore, #tpu.memory_space<semaphore_mem>>)
      %dma_wait3A_202 = arith.constant 0 : i32
      %dma_wait3A_203 = tpu.memref_slice %arg9[%add3A_87, %dma_wait3A_202] : memref<10240x80xf32, #tpu.memory_space<vmem_shared>> -> memref<32x80xf32, #tpu.memory_space<vmem_shared>>
      %dma_wait3A_204 = arith.constant 0 : i32
      %dma_wait3A_205 = tpu.memref_slice %arg9[%add3A_87, %dma_wait3A_204] : memref<10240x80xf32, #tpu.memory_space<vmem_shared>> -> memref<32x80xf32, #tpu.memory_space<vmem_shared>>
      tpu.wait_dma2 semaphore(%run_scoped3A_197 : memref<!tpu.dma_semaphore, #tpu.memory_space<semaphore_mem>>) src(%arg8 : memref<32x80xf32, #tpu.memory_space<vmem>>) dst(%dma_wait3A_205 : memref<32x80xf32, #tpu.memory_space<vmem_shared>>)
      tpu.yield
    }) : () -> ()
    %mul3A_88 = arith.constant 640 : i32
    %mul3A_89 = arith.muli %arg1, %mul3A_88 : i32
    %add3A_90 = arith.constant 608 : i32
    %add3A_91 = arith.addi %mul3A_89, %add3A_90 : i32
    "tpu.region"() ({
      %run_scoped3A_197 = tpu.sem_alloc : memref<!tpu.dma_semaphore, #tpu.memory_space<semaphore_mem>>
      %dma_start3A_198 = arith.constant 0 : i32
      %dma_start3A_199 = tpu.memref_slice %arg9[%add3A_91, %dma_start3A_198] : memref<10240x80xf32, #tpu.memory_space<vmem_shared>> -> memref<32x80xf32, #tpu.memory_space<vmem_shared>>
      %dma_start3A_200 = arith.constant 0 : i32
      %dma_start3A_201 = tpu.memref_slice %arg9[%add3A_91, %dma_start3A_200] : memref<10240x80xf32, #tpu.memory_space<vmem_shared>> -> memref<32x80xf32, #tpu.memory_space<vmem_shared>>
      tpu.enqueue_dma source(%arg8 : memref<32x80xf32, #tpu.memory_space<vmem>>) target(%dma_start3A_201 : memref<32x80xf32, #tpu.memory_space<vmem_shared>>) target_semaphore(%run_scoped3A_197 : memref<!tpu.dma_semaphore, #tpu.memory_space<semaphore_mem>>)
      %dma_wait3A_202 = arith.constant 0 : i32
      %dma_wait3A_203 = tpu.memref_slice %arg9[%add3A_91, %dma_wait3A_202] : memref<10240x80xf32, #tpu.memory_space<vmem_shared>> -> memref<32x80xf32, #tpu.memory_space<vmem_shared>>
      %dma_wait3A_204 = arith.constant 0 : i32
      %dma_wait3A_205 = tpu.memref_slice %arg9[%add3A_91, %dma_wait3A_204] : memref<10240x80xf32, #tpu.memory_space<vmem_shared>> -> memref<32x80xf32, #tpu.memory_space<vmem_shared>>
      tpu.wait_dma2 semaphore(%run_scoped3A_197 : memref<!tpu.dma_semaphore, #tpu.memory_space<semaphore_mem>>) src(%arg8 : memref<32x80xf32, #tpu.memory_space<vmem>>) dst(%dma_wait3A_205 : memref<32x80xf32, #tpu.memory_space<vmem_shared>>)
      tpu.yield
    }) : () -> ()
    %barrier3A = arith.constant 0 : index
    tpu.barrier barrier_id(%barrier3A)
    %dma_start3A = arith.constant 0 : i32
    %dma_start3A_92 = arith.constant 0 : i32
    %dma_start3A_93 = arith.constant 0 : i32
    %dma_start3A_94 = arith.constant 0 : i32
    %dma_start3A_95 = tpu.memref_slice %arg7[%dma_start3A_92, %dma_start3A_93, %dma_start3A_94] : memref<8x80x80xf32, #tpu.memory_space<vmem>> -> memref<1x80x80xf32, #tpu.memory_space<vmem>>
    %dma_start3A_96 = tpu.memref_squeeze %dma_start3A_95 : memref<1x80x80xf32, #tpu.memory_space<vmem>> -> memref<80x80xf32, #tpu.memory_space<vmem>>
    %dma_start3A_97 = arith.constant 0 : i32
    %dma_start3A_98 = tpu.memref_slice %arg5[%dma_start3A, %dma_start3A_97] : memref<125x80xi32, #tpu.memory_space<vmem>> -> memref<1x80xi32, #tpu.memory_space<vmem>>
    %dma_start3A_99 = tpu.memref_squeeze %dma_start3A_98 : memref<1x80xi32, #tpu.memory_space<vmem>> -> memref<80xi32, #tpu.memory_space<vmem>>
    %dma_start3A_100 = arith.constant 0 : i32
    %dma_start3A_101 = arith.constant 0 : i32
    %dma_start3A_102 = tpu.memref_slice %arg2[%dma_start3A_100, %dma_start3A_101] : memref<10000x80xf32, #tpu.memory_space<hbm>> -> memref<10000x80xf32, #tpu.memory_space<hbm>>
    tpu.enqueue_indirect_dma source(%dma_start3A_102 : memref<10000x80xf32, #tpu.memory_space<hbm>>) target(%dma_start3A_96 : memref<80x80xf32, #tpu.memory_space<vmem>>) offsets(%dma_start3A_99 : memref<80xi32, #tpu.memory_space<vmem>>) semaphore(%arg10 : memref<!tpu.dma_semaphore, #tpu.memory_space<semaphore_mem>>)
    %dma_start3A_103 = arith.constant 1 : i32
    %dma_start3A_104 = arith.constant 1 : i32
    %dma_start3A_105 = arith.constant 0 : i32
    %dma_start3A_106 = arith.constant 0 : i32
    %dma_start3A_107 = tpu.memref_slice %arg7[%dma_start3A_104, %dma_start3A_105, %dma_start3A_106] : memref<8x80x80xf32, #tpu.memory_space<vmem>> -> memref<1x80x80xf32, #tpu.memory_space<vmem>>
    %dma_start3A_108 = tpu.memref_squeeze %dma_start3A_107 : memref<1x80x80xf32, #tpu.memory_space<vmem>> -> memref<80x80xf32, #tpu.memory_space<vmem>>
    %dma_start3A_109 = arith.constant 0 : i32
    %dma_start3A_110 = tpu.memref_slice %arg5[%dma_start3A_103, %dma_start3A_109] : memref<125x80xi32, #tpu.memory_space<vmem>> -> memref<1x80xi32, #tpu.memory_space<vmem>>
    %dma_start3A_111 = tpu.memref_squeeze %dma_start3A_110 : memref<1x80xi32, #tpu.memory_space<vmem>> -> memref<80xi32, #tpu.memory_space<vmem>>
    %dma_start3A_112 = arith.constant 0 : i32
    %dma_start3A_113 = arith.constant 0 : i32
    %dma_start3A_114 = tpu.memref_slice %arg2[%dma_start3A_112, %dma_start3A_113] : memref<10000x80xf32, #tpu.memory_space<hbm>> -> memref<10000x80xf32, #tpu.memory_space<hbm>>
    tpu.enqueue_indirect_dma source(%dma_start3A_114 : memref<10000x80xf32, #tpu.memory_space<hbm>>) target(%dma_start3A_108 : memref<80x80xf32, #tpu.memory_space<vmem>>) offsets(%dma_start3A_111 : memref<80xi32, #tpu.memory_space<vmem>>) semaphore(%arg10 : memref<!tpu.dma_semaphore, #tpu.memory_space<semaphore_mem>>)
    %dma_start3A_115 = arith.constant 2 : i32
    %dma_start3A_116 = arith.constant 2 : i32
    %dma_start3A_117 = arith.constant 0 : i32
    %dma_start3A_118 = arith.constant 0 : i32
    %dma_start3A_119 = tpu.memref_slice %arg7[%dma_start3A_116, %dma_start3A_117, %dma_start3A_118] : memref<8x80x80xf32, #tpu.memory_space<vmem>> -> memref<1x80x80xf32, #tpu.memory_space<vmem>>
    %dma_start3A_120 = tpu.memref_squeeze %dma_start3A_119 : memref<1x80x80xf32, #tpu.memory_space<vmem>> -> memref<80x80xf32, #tpu.memory_space<vmem>>
    %dma_start3A_121 = arith.constant 0 : i32
    %dma_start3A_122 = tpu.memref_slice %arg5[%dma_start3A_115, %dma_start3A_121] : memref<125x80xi32, #tpu.memory_space<vmem>> -> memref<1x80xi32, #tpu.memory_space<vmem>>
    %dma_start3A_123 = tpu.memref_squeeze %dma_start3A_122 : memref<1x80xi32, #tpu.memory_space<vmem>> -> memref<80xi32, #tpu.memory_space<vmem>>
    %dma_start3A_124 = arith.constant 0 : i32
    %dma_start3A_125 = arith.constant 0 : i32
    %dma_start3A_126 = tpu.memref_slice %arg2[%dma_start3A_124, %dma_start3A_125] : memref<10000x80xf32, #tpu.memory_space<hbm>> -> memref<10000x80xf32, #tpu.memory_space<hbm>>
    tpu.enqueue_indirect_dma source(%dma_start3A_126 : memref<10000x80xf32, #tpu.memory_space<hbm>>) target(%dma_start3A_120 : memref<80x80xf32, #tpu.memory_space<vmem>>) offsets(%dma_start3A_123 : memref<80xi32, #tpu.memory_space<vmem>>) semaphore(%arg10 : memref<!tpu.dma_semaphore, #tpu.memory_space<semaphore_mem>>)
    %dma_start3A_127 = arith.constant 3 : i32
    %dma_start3A_128 = arith.constant 3 : i32
    %dma_start3A_129 = arith.constant 0 : i32
    %dma_start3A_130 = arith.constant 0 : i32
    %dma_start3A_131 = tpu.memref_slice %arg7[%dma_start3A_128, %dma_start3A_129, %dma_start3A_130] : memref<8x80x80xf32, #tpu.memory_space<vmem>> -> memref<1x80x80xf32, #tpu.memory_space<vmem>>
    %dma_start3A_132 = tpu.memref_squeeze %dma_start3A_131 : memref<1x80x80xf32, #tpu.memory_space<vmem>> -> memref<80x80xf32, #tpu.memory_space<vmem>>
    %dma_start3A_133 = arith.constant 0 : i32
    %dma_start3A_134 = tpu.memref_slice %arg5[%dma_start3A_127, %dma_start3A_133] : memref<125x80xi32, #tpu.memory_space<vmem>> -> memref<1x80xi32, #tpu.memory_space<vmem>>
    %dma_start3A_135 = tpu.memref_squeeze %dma_start3A_134 : memref<1x80xi32, #tpu.memory_space<vmem>> -> memref<80xi32, #tpu.memory_space<vmem>>
    %dma_start3A_136 = arith.constant 0 : i32
    %dma_start3A_137 = arith.constant 0 : i32
    %dma_start3A_138 = tpu.memref_slice %arg2[%dma_start3A_136, %dma_start3A_137] : memref<10000x80xf32, #tpu.memory_space<hbm>> -> memref<10000x80xf32, #tpu.memory_space<hbm>>
    tpu.enqueue_indirect_dma source(%dma_start3A_138 : memref<10000x80xf32, #tpu.memory_space<hbm>>) target(%dma_start3A_132 : memref<80x80xf32, #tpu.memory_space<vmem>>) offsets(%dma_start3A_135 : memref<80xi32, #tpu.memory_space<vmem>>) semaphore(%arg10 : memref<!tpu.dma_semaphore, #tpu.memory_space<semaphore_mem>>)
    %dma_start3A_139 = arith.constant 4 : i32
    %dma_start3A_140 = arith.constant 4 : i32
    %dma_start3A_141 = arith.constant 0 : i32
    %dma_start3A_142 = arith.constant 0 : i32
    %dma_start3A_143 = tpu.memref_slice %arg7[%dma_start3A_140, %dma_start3A_141, %dma_start3A_142] : memref<8x80x80xf32, #tpu.memory_space<vmem>> -> memref<1x80x80xf32, #tpu.memory_space<vmem>>
    %dma_start3A_144 = tpu.memref_squeeze %dma_start3A_143 : memref<1x80x80xf32, #tpu.memory_space<vmem>> -> memref<80x80xf32, #tpu.memory_space<vmem>>
    %dma_start3A_145 = arith.constant 0 : i32
    %dma_start3A_146 = tpu.memref_slice %arg5[%dma_start3A_139, %dma_start3A_145] : memref<125x80xi32, #tpu.memory_space<vmem>> -> memref<1x80xi32, #tpu.memory_space<vmem>>
    %dma_start3A_147 = tpu.memref_squeeze %dma_start3A_146 : memref<1x80xi32, #tpu.memory_space<vmem>> -> memref<80xi32, #tpu.memory_space<vmem>>
    %dma_start3A_148 = arith.constant 0 : i32
    %dma_start3A_149 = arith.constant 0 : i32
    %dma_start3A_150 = tpu.memref_slice %arg2[%dma_start3A_148, %dma_start3A_149] : memref<10000x80xf32, #tpu.memory_space<hbm>> -> memref<10000x80xf32, #tpu.memory_space<hbm>>
    tpu.enqueue_indirect_dma source(%dma_start3A_150 : memref<10000x80xf32, #tpu.memory_space<hbm>>) target(%dma_start3A_144 : memref<80x80xf32, #tpu.memory_space<vmem>>) offsets(%dma_start3A_147 : memref<80xi32, #tpu.memory_space<vmem>>) semaphore(%arg10 : memref<!tpu.dma_semaphore, #tpu.memory_space<semaphore_mem>>)
    %dma_start3A_151 = arith.constant 5 : i32
    %dma_start3A_152 = arith.constant 5 : i32
    %dma_start3A_153 = arith.constant 0 : i32
    %dma_start3A_154 = arith.constant 0 : i32
    %dma_start3A_155 = tpu.memref_slice %arg7[%dma_start3A_152, %dma_start3A_153, %dma_start3A_154] : memref<8x80x80xf32, #tpu.memory_space<vmem>> -> memref<1x80x80xf32, #tpu.memory_space<vmem>>
    %dma_start3A_156 = tpu.memref_squeeze %dma_start3A_155 : memref<1x80x80xf32, #tpu.memory_space<vmem>> -> memref<80x80xf32, #tpu.memory_space<vmem>>
    %dma_start3A_157 = arith.constant 0 : i32
    %dma_start3A_158 = tpu.memref_slice %arg5[%dma_start3A_151, %dma_start3A_157] : memref<125x80xi32, #tpu.memory_space<vmem>> -> memref<1x80xi32, #tpu.memory_space<vmem>>
    %dma_start3A_159 = tpu.memref_squeeze %dma_start3A_158 : memref<1x80xi32, #tpu.memory_space<vmem>> -> memref<80xi32, #tpu.memory_space<vmem>>
    %dma_start3A_160 = arith.constant 0 : i32
    %dma_start3A_161 = arith.constant 0 : i32
    %dma_start3A_162 = tpu.memref_slice %arg2[%dma_start3A_160, %dma_start3A_161] : memref<10000x80xf32, #tpu.memory_space<hbm>> -> memref<10000x80xf32, #tpu.memory_space<hbm>>
    tpu.enqueue_indirect_dma source(%dma_start3A_162 : memref<10000x80xf32, #tpu.memory_space<hbm>>) target(%dma_start3A_156 : memref<80x80xf32, #tpu.memory_space<vmem>>) offsets(%dma_start3A_159 : memref<80xi32, #tpu.memory_space<vmem>>) semaphore(%arg10 : memref<!tpu.dma_semaphore, #tpu.memory_space<semaphore_mem>>)
    %scan3A_163 = arith.constant 0 : i32
    %scan3A_164 = arith.constant 0 : i32
    %scan3A_165 = arith.constant 125 : i32
    %scan3A_166 = arith.addi %scan3A_164, %scan3A_165 : i32
    %scan3A_167 = arith.constant 1 : i32
    scf.for %scan3A_197 = %scan3A_164 to %scan3A_166 step %scan3A_167  : i32 {
      %ge3A = arith.constant 2 : i32
      %ge3A_198 = arith.cmpi sge, %scan3A_197, %ge3A : i32
      %convert_element_type3A = arith.extui %ge3A_198 : i1 to i32
      %cond3A = arith.constant 0 : i32
      %cond3A_199 = arith.cmpi ne, %convert_element_type3A, %cond3A : i32
      scf.if %cond3A_199 {
        %sub3A = arith.constant 2 : i32
        %sub3A_227 = arith.subi %scan3A_197, %sub3A : i32
        %rem3A_228 = arith.constant 8 : i32
        %rem3A_229 = arith.remsi %sub3A_227, %rem3A_228 : i32
        %sub3A_230 = arith.constant 2 : i32
        %sub3A_231 = arith.subi %scan3A_197, %sub3A_230 : i32
        %dma_wait3A_232 = arith.constant 0 : i32
        %dma_wait3A_233 = arith.constant 0 : i32
        %dma_wait3A_234 = tpu.memref_slice %arg7[%rem3A_229, %dma_wait3A_232, %dma_wait3A_233] : memref<8x80x80xf32, #tpu.memory_space<vmem>> -> memref<1x80x80xf32, #tpu.memory_space<vmem>>
        %dma_wait3A_235 = tpu.memref_squeeze %dma_wait3A_234 : memref<1x80x80xf32, #tpu.memory_space<vmem>> -> memref<80x80xf32, #tpu.memory_space<vmem>>
        %dma_wait3A_236 = arith.constant 0 : i32
        %dma_wait3A_237 = tpu.memref_slice %arg6[%sub3A_231, %dma_wait3A_236] : memref<125x80xi32, #tpu.memory_space<vmem>> -> memref<1x80xi32, #tpu.memory_space<vmem>>
        %dma_wait3A_238 = tpu.memref_squeeze %dma_wait3A_237 : memref<1x80xi32, #tpu.memory_space<vmem>> -> memref<80xi32, #tpu.memory_space<vmem>>
        %dma_wait3A_239 = arith.constant 0 : i32
        %dma_wait3A_240 = arith.constant 0 : i32
        %dma_wait3A_241 = tpu.memref_slice %arg9[%dma_wait3A_239, %dma_wait3A_240] : memref<10240x80xf32, #tpu.memory_space<vmem_shared>> -> memref<10240x80xf32, #tpu.memory_space<vmem_shared>>
        tpu.wait_indirect_dma semaphore(%arg11 : memref<!tpu.dma_semaphore, #tpu.memory_space<semaphore_mem>>) src(%dma_wait3A_235 : memref<80x80xf32, #tpu.memory_space<vmem>>) dst(%dma_wait3A_241 : memref<10240x80xf32, #tpu.memory_space<vmem_shared>>)
      } else {
      }
      %add3A_200 = arith.constant 6 : i32
      %add3A_201 = arith.addi %scan3A_197, %add3A_200 : i32
      %lt3A = arith.constant 125 : i32
      %lt3A_202 = arith.cmpi slt, %add3A_201, %lt3A : i32
      %convert_element_type3A_203 = arith.extui %lt3A_202 : i1 to i32
      %cond3A_204 = arith.constant 0 : i32
      %cond3A_205 = arith.cmpi ne, %convert_element_type3A_203, %cond3A_204 : i32
      scf.if %cond3A_205 {
        %add3A_227 = arith.constant 6 : i32
        %add3A_228 = arith.addi %scan3A_197, %add3A_227 : i32
        %add3A_229 = arith.constant 6 : i32
        %add3A_230 = arith.addi %scan3A_197, %add3A_229 : i32
        %rem3A_231 = arith.constant 8 : i32
        %rem3A_232 = arith.remsi %add3A_230, %rem3A_231 : i32
        %dma_start3A_233 = arith.constant 0 : i32
        %dma_start3A_234 = arith.constant 0 : i32
        %dma_start3A_235 = tpu.memref_slice %arg7[%rem3A_232, %dma_start3A_233, %dma_start3A_234] : memref<8x80x80xf32, #tpu.memory_space<vmem>> -> memref<1x80x80xf32, #tpu.memory_space<vmem>>
        %dma_start3A_236 = tpu.memref_squeeze %dma_start3A_235 : memref<1x80x80xf32, #tpu.memory_space<vmem>> -> memref<80x80xf32, #tpu.memory_space<vmem>>
        %dma_start3A_237 = arith.constant 0 : i32
        %dma_start3A_238 = tpu.memref_slice %arg5[%add3A_228, %dma_start3A_237] : memref<125x80xi32, #tpu.memory_space<vmem>> -> memref<1x80xi32, #tpu.memory_space<vmem>>
        %dma_start3A_239 = tpu.memref_squeeze %dma_start3A_238 : memref<1x80xi32, #tpu.memory_space<vmem>> -> memref<80xi32, #tpu.memory_space<vmem>>
        %dma_start3A_240 = arith.constant 0 : i32
        %dma_start3A_241 = arith.constant 0 : i32
        %dma_start3A_242 = tpu.memref_slice %arg2[%dma_start3A_240, %dma_start3A_241] : memref<10000x80xf32, #tpu.memory_space<hbm>> -> memref<10000x80xf32, #tpu.memory_space<hbm>>
        tpu.enqueue_indirect_dma source(%dma_start3A_242 : memref<10000x80xf32, #tpu.memory_space<hbm>>) target(%dma_start3A_236 : memref<80x80xf32, #tpu.memory_space<vmem>>) offsets(%dma_start3A_239 : memref<80xi32, #tpu.memory_space<vmem>>) semaphore(%arg10 : memref<!tpu.dma_semaphore, #tpu.memory_space<semaphore_mem>>)
      } else {
      }
      %rem3A = arith.constant 8 : i32
      %rem3A_206 = arith.remsi %scan3A_197, %rem3A : i32
      %dma_wait3A_207 = arith.constant 0 : i32
      %dma_wait3A_208 = arith.constant 0 : i32
      %dma_wait3A_209 = tpu.memref_slice %arg7[%rem3A_206, %dma_wait3A_207, %dma_wait3A_208] : memref<8x80x80xf32, #tpu.memory_space<vmem>> -> memref<1x80x80xf32, #tpu.memory_space<vmem>>
      %dma_wait3A_210 = tpu.memref_squeeze %dma_wait3A_209 : memref<1x80x80xf32, #tpu.memory_space<vmem>> -> memref<80x80xf32, #tpu.memory_space<vmem>>
      %dma_wait3A_211 = arith.constant 0 : i32
      %dma_wait3A_212 = tpu.memref_slice %arg5[%scan3A_197, %dma_wait3A_211] : memref<125x80xi32, #tpu.memory_space<vmem>> -> memref<1x80xi32, #tpu.memory_space<vmem>>
      %dma_wait3A_213 = tpu.memref_squeeze %dma_wait3A_212 : memref<1x80xi32, #tpu.memory_space<vmem>> -> memref<80xi32, #tpu.memory_space<vmem>>
      %dma_wait3A_214 = arith.constant 0 : i32
      %dma_wait3A_215 = arith.constant 0 : i32
      %dma_wait3A_216 = tpu.memref_slice %arg2[%dma_wait3A_214, %dma_wait3A_215] : memref<10000x80xf32, #tpu.memory_space<hbm>> -> memref<10000x80xf32, #tpu.memory_space<hbm>>
      tpu.wait_indirect_dma semaphore(%arg10 : memref<!tpu.dma_semaphore, #tpu.memory_space<semaphore_mem>>) src(%dma_wait3A_216 : memref<10000x80xf32, #tpu.memory_space<hbm>>) dst(%dma_wait3A_210 : memref<80x80xf32, #tpu.memory_space<vmem>>)
      %dma_start3A_217 = arith.constant 0 : i32
      %dma_start3A_218 = arith.constant 0 : i32
      %dma_start3A_219 = tpu.memref_slice %arg7[%rem3A_206, %dma_start3A_217, %dma_start3A_218] : memref<8x80x80xf32, #tpu.memory_space<vmem>> -> memref<1x80x80xf32, #tpu.memory_space<vmem>>
      %dma_start3A_220 = tpu.memref_squeeze %dma_start3A_219 : memref<1x80x80xf32, #tpu.memory_space<vmem>> -> memref<80x80xf32, #tpu.memory_space<vmem>>
      %dma_start3A_221 = arith.constant 0 : i32
      %dma_start3A_222 = tpu.memref_slice %arg6[%scan3A_197, %dma_start3A_221] : memref<125x80xi32, #tpu.memory_space<vmem>> -> memref<1x80xi32, #tpu.memory_space<vmem>>
      %dma_start3A_223 = tpu.memref_squeeze %dma_start3A_222 : memref<1x80xi32, #tpu.memory_space<vmem>> -> memref<80xi32, #tpu.memory_space<vmem>>
      %dma_start3A_224 = arith.constant 0 : i32
      %dma_start3A_225 = arith.constant 0 : i32
      %dma_start3A_226 = tpu.memref_slice %arg9[%dma_start3A_224, %dma_start3A_225] : memref<10240x80xf32, #tpu.memory_space<vmem_shared>> -> memref<10240x80xf32, #tpu.memory_space<vmem_shared>>
      tpu.enqueue_indirect_dma source(%dma_start3A_220 : memref<80x80xf32, #tpu.memory_space<vmem>>) target(%dma_start3A_226 : memref<10240x80xf32, #tpu.memory_space<vmem_shared>>) offsets(%dma_start3A_223 : memref<80xi32, #tpu.memory_space<vmem>>) semaphore(%arg11 : memref<!tpu.dma_semaphore, #tpu.memory_space<semaphore_mem>>) {add = true}
    }
    %scan3A_168 = arith.constant 125 : i32
    %dma_wait3A = arith.constant 3 : i32
    %dma_wait3A_169 = arith.constant 123 : i32
    %dma_wait3A_170 = arith.constant 0 : i32
    %dma_wait3A_171 = arith.constant 0 : i32
    %dma_wait3A_172 = tpu.memref_slice %arg7[%dma_wait3A, %dma_wait3A_170, %dma_wait3A_171] : memref<8x80x80xf32, #tpu.memory_space<vmem>> -> memref<1x80x80xf32, #tpu.memory_space<vmem>>
    %dma_wait3A_173 = tpu.memref_squeeze %dma_wait3A_172 : memref<1x80x80xf32, #tpu.memory_space<vmem>> -> memref<80x80xf32, #tpu.memory_space<vmem>>
    %dma_wait3A_174 = arith.constant 0 : i32
    %dma_wait3A_175 = tpu.memref_slice %arg6[%dma_wait3A_169, %dma_wait3A_174] : memref<125x80xi32, #tpu.memory_space<vmem>> -> memref<1x80xi32, #tpu.memory_space<vmem>>
    %dma_wait3A_176 = tpu.memref_squeeze %dma_wait3A_175 : memref<1x80xi32, #tpu.memory_space<vmem>> -> memref<80xi32, #tpu.memory_space<vmem>>
    %dma_wait3A_177 = arith.constant 0 : i32
    %dma_wait3A_178 = arith.constant 0 : i32
    %dma_wait3A_179 = tpu.memref_slice %arg9[%dma_wait3A_177, %dma_wait3A_178] : memref<10240x80xf32, #tpu.memory_space<vmem_shared>> -> memref<10240x80xf32, #tpu.memory_space<vmem_shared>>
    tpu.wait_indirect_dma semaphore(%arg11 : memref<!tpu.dma_semaphore, #tpu.memory_space<semaphore_mem>>) src(%dma_wait3A_173 : memref<80x80xf32, #tpu.memory_space<vmem>>) dst(%dma_wait3A_179 : memref<10240x80xf32, #tpu.memory_space<vmem_shared>>)
    %dma_wait3A_180 = arith.constant 4 : i32
    %dma_wait3A_181 = arith.constant 124 : i32
    %dma_wait3A_182 = arith.constant 0 : i32
    %dma_wait3A_183 = arith.constant 0 : i32
    %dma_wait3A_184 = tpu.memref_slice %arg7[%dma_wait3A_180, %dma_wait3A_182, %dma_wait3A_183] : memref<8x80x80xf32, #tpu.memory_space<vmem>> -> memref<1x80x80xf32, #tpu.memory_space<vmem>>
    %dma_wait3A_185 = tpu.memref_squeeze %dma_wait3A_184 : memref<1x80x80xf32, #tpu.memory_space<vmem>> -> memref<80x80xf32, #tpu.memory_space<vmem>>
    %dma_wait3A_186 = arith.constant 0 : i32
    %dma_wait3A_187 = tpu.memref_slice %arg6[%dma_wait3A_181, %dma_wait3A_186] : memref<125x80xi32, #tpu.memory_space<vmem>> -> memref<1x80xi32, #tpu.memory_space<vmem>>
    %dma_wait3A_188 = tpu.memref_squeeze %dma_wait3A_187 : memref<1x80xi32, #tpu.memory_space<vmem>> -> memref<80xi32, #tpu.memory_space<vmem>>
    %dma_wait3A_189 = arith.constant 0 : i32
    %dma_wait3A_190 = arith.constant 0 : i32
    %dma_wait3A_191 = tpu.memref_slice %arg9[%dma_wait3A_189, %dma_wait3A_190] : memref<10240x80xf32, #tpu.memory_space<vmem_shared>> -> memref<10240x80xf32, #tpu.memory_space<vmem_shared>>
    tpu.wait_indirect_dma semaphore(%arg11 : memref<!tpu.dma_semaphore, #tpu.memory_space<semaphore_mem>>) src(%dma_wait3A_185 : memref<80x80xf32, #tpu.memory_space<vmem>>) dst(%dma_wait3A_191 : memref<10240x80xf32, #tpu.memory_space<vmem_shared>>)
    %barrier3A_192 = arith.constant 0 : index
    tpu.barrier barrier_id(%barrier3A_192)
    %mul3A_193 = arith.constant 640 : i32
    %mul3A_194 = arith.muli %arg1, %mul3A_193 : i32
    %mul3A_195 = arith.constant 640 : i32
    %mul3A_196 = arith.muli %arg1, %mul3A_195 : i32
    "tpu.region"() ({
      %run_scoped3A_197 = tpu.sem_alloc : memref<!tpu.dma_semaphore, #tpu.memory_space<semaphore_mem>>
      %dma_start3A_198 = arith.constant 0 : i32
      %dma_start3A_199 = tpu.memref_slice %arg4[%arg0, %mul3A_196, %dma_start3A_198] : memref<2x10240x80xf32, #tpu.memory_space<hbm>> -> memref<1x640x80xf32, #tpu.memory_space<hbm>>
      %dma_start3A_200 = tpu.memref_squeeze %dma_start3A_199 : memref<1x640x80xf32, #tpu.memory_space<hbm>> -> memref<640x80xf32, #tpu.memory_space<hbm>>
      %dma_start3A_201 = arith.constant 0 : i32
      %dma_start3A_202 = tpu.memref_slice %arg9[%mul3A_194, %dma_start3A_201] : memref<10240x80xf32, #tpu.memory_space<vmem_shared>> -> memref<640x80xf32, #tpu.memory_space<vmem_shared>>
      tpu.enqueue_dma source(%dma_start3A_202 : memref<640x80xf32, #tpu.memory_space<vmem_shared>>) target(%dma_start3A_200 : memref<640x80xf32, #tpu.memory_space<hbm>>) target_semaphore(%run_scoped3A_197 : memref<!tpu.dma_semaphore, #tpu.memory_space<semaphore_mem>>)
      %dma_wait3A_203 = arith.constant 0 : i32
      %dma_wait3A_204 = tpu.memref_slice %arg4[%arg0, %mul3A_196, %dma_wait3A_203] : memref<2x10240x80xf32, #tpu.memory_space<hbm>> -> memref<1x640x80xf32, #tpu.memory_space<hbm>>
      %dma_wait3A_205 = tpu.memref_squeeze %dma_wait3A_204 : memref<1x640x80xf32, #tpu.memory_space<hbm>> -> memref<640x80xf32, #tpu.memory_space<hbm>>
      %dma_wait3A_206 = arith.constant 0 : i32
      %dma_wait3A_207 = tpu.memref_slice %arg9[%mul3A_194, %dma_wait3A_206] : memref<10240x80xf32, #tpu.memory_space<vmem_shared>> -> memref<640x80xf32, #tpu.memory_space<vmem_shared>>
      tpu.wait_dma2 semaphore(%run_scoped3A_197 : memref<!tpu.dma_semaphore, #tpu.memory_space<semaphore_mem>>) src(%dma_wait3A_207 : memref<640x80xf32, #tpu.memory_space<vmem_shared>>) dst(%dma_wait3A_205 : memref<640x80xf32, #tpu.memory_space<hbm>>)
      tpu.yield
    }) : () -> ()
    return
  }
}

#map = affine_map<(d0, d1) -> (0, 0)>
#map1 = affine_map<(d0, d1) -> (0, 0, 0)>
module attributes {stable_mosaic.version = 14 : i64} {
  func.func @scatter_pass(%arg0: i32, %arg1: i32, %arg2: memref<10000x64xf32, #tpu.memory_space<hbm>>, %arg3: memref<2x4000x80xi32, #tpu.memory_space<hbm>>, %arg4: memref<2x10240x64xf32, #tpu.memory_space<hbm>>, %arg5: memref<125x80xi32, #tpu.memory_space<vmem>>, %arg6: memref<125x80xi32, #tpu.memory_space<vmem>>, %arg7: memref<10x80x64xf32, #tpu.memory_space<vmem>>, %arg8: memref<32x64xf32, #tpu.memory_space<vmem>>, %arg9: memref<10240x64xf32, #tpu.memory_space<vmem_shared>>, %arg10: memref<!tpu.dma_semaphore, #tpu.memory_space<semaphore_mem>>, %arg11: memref<!tpu.dma_semaphore, #tpu.memory_space<semaphore_mem>>) attributes {dimension_semantics = [#tpu.dimension_semantics<core_parallel>, #tpu.dimension_semantics<subcore_parallel>], iteration_bounds = array<i64: 2, 16>, scalar_prefetch = 0 : i64, scratch_operands = 7 : i64, tpu.core_type = #tpu.core_type<sc_vector_subcore>, window_params = [{transform_indices = #map}, {transform_indices = #map1}, {transform_indices = #map1}]} {
    %mul3A = arith.constant 2 : i32
    %mul3A_0 = arith.muli %arg1, %mul3A : i32
    %add3A = arith.addi %mul3A_0, %arg0 : i32
    %mul3A_1 = arith.constant 125 : i32
    %mul3A_2 = arith.muli %add3A, %mul3A_1 : i32
    %run_scoped3A = arith.constant 0 : i32
    "tpu.region"() ({
      %run_scoped3A_221 = tpu.sem_alloc : memref<!tpu.dma_semaphore, #tpu.memory_space<semaphore_mem>>
      %dma_start3A_222 = arith.constant 0 : i32
      %dma_start3A_223 = tpu.memref_slice %arg3[%run_scoped3A, %mul3A_2, %dma_start3A_222] : memref<2x4000x80xi32, #tpu.memory_space<hbm>> -> memref<1x125x80xi32, #tpu.memory_space<hbm>>
      %dma_start3A_224 = tpu.memref_squeeze %dma_start3A_223 : memref<1x125x80xi32, #tpu.memory_space<hbm>> -> memref<125x80xi32, #tpu.memory_space<hbm>>
      %dma_start3A_225 = arith.constant 0 : i32
      %dma_start3A_226 = tpu.memref_slice %arg3[%run_scoped3A, %mul3A_2, %dma_start3A_225] : memref<2x4000x80xi32, #tpu.memory_space<hbm>> -> memref<1x125x80xi32, #tpu.memory_space<hbm>>
      %dma_start3A_227 = tpu.memref_squeeze %dma_start3A_226 : memref<1x125x80xi32, #tpu.memory_space<hbm>> -> memref<125x80xi32, #tpu.memory_space<hbm>>
      tpu.enqueue_dma source(%dma_start3A_227 : memref<125x80xi32, #tpu.memory_space<hbm>>) target(%arg5 : memref<125x80xi32, #tpu.memory_space<vmem>>) target_semaphore(%run_scoped3A_221 : memref<!tpu.dma_semaphore, #tpu.memory_space<semaphore_mem>>)
      %dma_wait3A_228 = arith.constant 0 : i32
      %dma_wait3A_229 = tpu.memref_slice %arg3[%run_scoped3A, %mul3A_2, %dma_wait3A_228] : memref<2x4000x80xi32, #tpu.memory_space<hbm>> -> memref<1x125x80xi32, #tpu.memory_space<hbm>>
      %dma_wait3A_230 = tpu.memref_squeeze %dma_wait3A_229 : memref<1x125x80xi32, #tpu.memory_space<hbm>> -> memref<125x80xi32, #tpu.memory_space<hbm>>
      %dma_wait3A_231 = arith.constant 0 : i32
      %dma_wait3A_232 = tpu.memref_slice %arg3[%run_scoped3A, %mul3A_2, %dma_wait3A_231] : memref<2x4000x80xi32, #tpu.memory_space<hbm>> -> memref<1x125x80xi32, #tpu.memory_space<hbm>>
      %dma_wait3A_233 = tpu.memref_squeeze %dma_wait3A_232 : memref<1x125x80xi32, #tpu.memory_space<hbm>> -> memref<125x80xi32, #tpu.memory_space<hbm>>
      tpu.wait_dma2 semaphore(%run_scoped3A_221 : memref<!tpu.dma_semaphore, #tpu.memory_space<semaphore_mem>>) src(%dma_wait3A_233 : memref<125x80xi32, #tpu.memory_space<hbm>>) dst(%arg5 : memref<125x80xi32, #tpu.memory_space<vmem>>)
      tpu.yield
    }) : () -> ()
    %mul3A_3 = arith.constant 125 : i32
    %mul3A_4 = arith.muli %add3A, %mul3A_3 : i32
    %run_scoped3A_5 = arith.constant 1 : i32
    "tpu.region"() ({
      %run_scoped3A_221 = tpu.sem_alloc : memref<!tpu.dma_semaphore, #tpu.memory_space<semaphore_mem>>
      %dma_start3A_222 = arith.constant 0 : i32
      %dma_start3A_223 = tpu.memref_slice %arg3[%run_scoped3A_5, %mul3A_4, %dma_start3A_222] : memref<2x4000x80xi32, #tpu.memory_space<hbm>> -> memref<1x125x80xi32, #tpu.memory_space<hbm>>
      %dma_start3A_224 = tpu.memref_squeeze %dma_start3A_223 : memref<1x125x80xi32, #tpu.memory_space<hbm>> -> memref<125x80xi32, #tpu.memory_space<hbm>>
      %dma_start3A_225 = arith.constant 0 : i32
      %dma_start3A_226 = tpu.memref_slice %arg3[%run_scoped3A_5, %mul3A_4, %dma_start3A_225] : memref<2x4000x80xi32, #tpu.memory_space<hbm>> -> memref<1x125x80xi32, #tpu.memory_space<hbm>>
      %dma_start3A_227 = tpu.memref_squeeze %dma_start3A_226 : memref<1x125x80xi32, #tpu.memory_space<hbm>> -> memref<125x80xi32, #tpu.memory_space<hbm>>
      tpu.enqueue_dma source(%dma_start3A_227 : memref<125x80xi32, #tpu.memory_space<hbm>>) target(%arg6 : memref<125x80xi32, #tpu.memory_space<vmem>>) target_semaphore(%run_scoped3A_221 : memref<!tpu.dma_semaphore, #tpu.memory_space<semaphore_mem>>)
      %dma_wait3A_228 = arith.constant 0 : i32
      %dma_wait3A_229 = tpu.memref_slice %arg3[%run_scoped3A_5, %mul3A_4, %dma_wait3A_228] : memref<2x4000x80xi32, #tpu.memory_space<hbm>> -> memref<1x125x80xi32, #tpu.memory_space<hbm>>
      %dma_wait3A_230 = tpu.memref_squeeze %dma_wait3A_229 : memref<1x125x80xi32, #tpu.memory_space<hbm>> -> memref<125x80xi32, #tpu.memory_space<hbm>>
      %dma_wait3A_231 = arith.constant 0 : i32
      %dma_wait3A_232 = tpu.memref_slice %arg3[%run_scoped3A_5, %mul3A_4, %dma_wait3A_231] : memref<2x4000x80xi32, #tpu.memory_space<hbm>> -> memref<1x125x80xi32, #tpu.memory_space<hbm>>
      %dma_wait3A_233 = tpu.memref_squeeze %dma_wait3A_232 : memref<1x125x80xi32, #tpu.memory_space<hbm>> -> memref<125x80xi32, #tpu.memory_space<hbm>>
      tpu.wait_dma2 semaphore(%run_scoped3A_221 : memref<!tpu.dma_semaphore, #tpu.memory_space<semaphore_mem>>) src(%dma_wait3A_233 : memref<125x80xi32, #tpu.memory_space<hbm>>) dst(%arg6 : memref<125x80xi32, #tpu.memory_space<vmem>>)
      tpu.yield
    }) : () -> ()
    %broadcast_in_dim3A = arith.constant 0.000000e+00 : f32
    %broadcast_in_dim3A_6 = vector.broadcast %broadcast_in_dim3A : f32 to vector<16xf32>
    %scan3A = arith.constant 0 : i32
    %scan3A_7 = arith.constant 0 : i32
    %scan3A_8 = arith.constant 32 : i32
    %scan3A_9 = arith.addi %scan3A_7, %scan3A_8 : i32
    %scan3A_10 = arith.constant 1 : i32
    scf.for %scan3A_221 = %scan3A_7 to %scan3A_9 step %scan3A_10  : i32 {
      %swap3A = arith.index_cast %scan3A_221 : i32 to index
      %swap3A_222 = arith.constant 0 : index
      %swap3A_223 = tpu.vector_load %arg8[%swap3A, %swap3A_222] {strides = array<i32>} : memref<32x64xf32, #tpu.memory_space<vmem>>, vector<1x16xf32>,
      %swap3A_224 = vector.shape_cast %swap3A_223 : vector<1x16xf32> to vector<16xf32>
      %swap3A_225 = vector.shape_cast %broadcast_in_dim3A_6 : vector<16xf32> to vector<1x16xf32>
      tpu.vector_store %arg8[%swap3A, %swap3A_222], %swap3A_225 {strides = array<i32>} : memref<32x64xf32, #tpu.memory_space<vmem>>, vector<1x16xf32>,
      %swap3A_226 = arith.index_cast %scan3A_221 : i32 to index
      %swap3A_227 = arith.constant 16 : index
      %swap3A_228 = tpu.vector_load %arg8[%swap3A_226, %swap3A_227] {strides = array<i32>} : memref<32x64xf32, #tpu.memory_space<vmem>>, vector<1x16xf32>,
      %swap3A_229 = vector.shape_cast %swap3A_228 : vector<1x16xf32> to vector<16xf32>
      %swap3A_230 = vector.shape_cast %broadcast_in_dim3A_6 : vector<16xf32> to vector<1x16xf32>
      tpu.vector_store %arg8[%swap3A_226, %swap3A_227], %swap3A_230 {strides = array<i32>} : memref<32x64xf32, #tpu.memory_space<vmem>>, vector<1x16xf32>,
      %swap3A_231 = arith.index_cast %scan3A_221 : i32 to index
      %swap3A_232 = arith.constant 32 : index
      %swap3A_233 = tpu.vector_load %arg8[%swap3A_231, %swap3A_232] {strides = array<i32>} : memref<32x64xf32, #tpu.memory_space<vmem>>, vector<1x16xf32>,
      %swap3A_234 = vector.shape_cast %swap3A_233 : vector<1x16xf32> to vector<16xf32>
      %swap3A_235 = vector.shape_cast %broadcast_in_dim3A_6 : vector<16xf32> to vector<1x16xf32>
      tpu.vector_store %arg8[%swap3A_231, %swap3A_232], %swap3A_235 {strides = array<i32>} : memref<32x64xf32, #tpu.memory_space<vmem>>, vector<1x16xf32>,
      %swap3A_236 = arith.index_cast %scan3A_221 : i32 to index
      %swap3A_237 = arith.constant 48 : index
      %swap3A_238 = tpu.vector_load %arg8[%swap3A_236, %swap3A_237] {strides = array<i32>} : memref<32x64xf32, #tpu.memory_space<vmem>>, vector<1x16xf32>,
      %swap3A_239 = vector.shape_cast %swap3A_238 : vector<1x16xf32> to vector<16xf32>
      %swap3A_240 = vector.shape_cast %broadcast_in_dim3A_6 : vector<16xf32> to vector<1x16xf32>
      tpu.vector_store %arg8[%swap3A_236, %swap3A_237], %swap3A_240 {strides = array<i32>} : memref<32x64xf32, #tpu.memory_space<vmem>>, vector<1x16xf32>,
    }
    %scan3A_11 = arith.constant 32 : i32
    %mul3A_12 = arith.constant 640 : i32
    %mul3A_13 = arith.muli %arg1, %mul3A_12 : i32
    %add3A_14 = arith.constant 0 : i32
    %add3A_15 = arith.addi %mul3A_13, %add3A_14 : i32
    "tpu.region"() ({
      %run_scoped3A_221 = tpu.sem_alloc : memref<!tpu.dma_semaphore, #tpu.memory_space<semaphore_mem>>
      %dma_start3A_222 = arith.constant 0 : i32
      %dma_start3A_223 = tpu.memref_slice %arg9[%add3A_15, %dma_start3A_222] : memref<10240x64xf32, #tpu.memory_space<vmem_shared>> -> memref<32x64xf32, #tpu.memory_space<vmem_shared>>
      %dma_start3A_224 = arith.constant 0 : i32
      %dma_start3A_225 = tpu.memref_slice %arg9[%add3A_15, %dma_start3A_224] : memref<10240x64xf32, #tpu.memory_space<vmem_shared>> -> memref<32x64xf32, #tpu.memory_space<vmem_shared>>
      tpu.enqueue_dma source(%arg8 : memref<32x64xf32, #tpu.memory_space<vmem>>) target(%dma_start3A_225 : memref<32x64xf32, #tpu.memory_space<vmem_shared>>) target_semaphore(%run_scoped3A_221 : memref<!tpu.dma_semaphore, #tpu.memory_space<semaphore_mem>>)
      %dma_wait3A_226 = arith.constant 0 : i32
      %dma_wait3A_227 = tpu.memref_slice %arg9[%add3A_15, %dma_wait3A_226] : memref<10240x64xf32, #tpu.memory_space<vmem_shared>> -> memref<32x64xf32, #tpu.memory_space<vmem_shared>>
      %dma_wait3A_228 = arith.constant 0 : i32
      %dma_wait3A_229 = tpu.memref_slice %arg9[%add3A_15, %dma_wait3A_228] : memref<10240x64xf32, #tpu.memory_space<vmem_shared>> -> memref<32x64xf32, #tpu.memory_space<vmem_shared>>
      tpu.wait_dma2 semaphore(%run_scoped3A_221 : memref<!tpu.dma_semaphore, #tpu.memory_space<semaphore_mem>>) src(%arg8 : memref<32x64xf32, #tpu.memory_space<vmem>>) dst(%dma_wait3A_229 : memref<32x64xf32, #tpu.memory_space<vmem_shared>>)
      tpu.yield
    }) : () -> ()
    %mul3A_16 = arith.constant 640 : i32
    %mul3A_17 = arith.muli %arg1, %mul3A_16 : i32
    %add3A_18 = arith.constant 32 : i32
    %add3A_19 = arith.addi %mul3A_17, %add3A_18 : i32
    "tpu.region"() ({
      %run_scoped3A_221 = tpu.sem_alloc : memref<!tpu.dma_semaphore, #tpu.memory_space<semaphore_mem>>
      %dma_start3A_222 = arith.constant 0 : i32
      %dma_start3A_223 = tpu.memref_slice %arg9[%add3A_19, %dma_start3A_222] : memref<10240x64xf32, #tpu.memory_space<vmem_shared>> -> memref<32x64xf32, #tpu.memory_space<vmem_shared>>
      %dma_start3A_224 = arith.constant 0 : i32
      %dma_start3A_225 = tpu.memref_slice %arg9[%add3A_19, %dma_start3A_224] : memref<10240x64xf32, #tpu.memory_space<vmem_shared>> -> memref<32x64xf32, #tpu.memory_space<vmem_shared>>
      tpu.enqueue_dma source(%arg8 : memref<32x64xf32, #tpu.memory_space<vmem>>) target(%dma_start3A_225 : memref<32x64xf32, #tpu.memory_space<vmem_shared>>) target_semaphore(%run_scoped3A_221 : memref<!tpu.dma_semaphore, #tpu.memory_space<semaphore_mem>>)
      %dma_wait3A_226 = arith.constant 0 : i32
      %dma_wait3A_227 = tpu.memref_slice %arg9[%add3A_19, %dma_wait3A_226] : memref<10240x64xf32, #tpu.memory_space<vmem_shared>> -> memref<32x64xf32, #tpu.memory_space<vmem_shared>>
      %dma_wait3A_228 = arith.constant 0 : i32
      %dma_wait3A_229 = tpu.memref_slice %arg9[%add3A_19, %dma_wait3A_228] : memref<10240x64xf32, #tpu.memory_space<vmem_shared>> -> memref<32x64xf32, #tpu.memory_space<vmem_shared>>
      tpu.wait_dma2 semaphore(%run_scoped3A_221 : memref<!tpu.dma_semaphore, #tpu.memory_space<semaphore_mem>>) src(%arg8 : memref<32x64xf32, #tpu.memory_space<vmem>>) dst(%dma_wait3A_229 : memref<32x64xf32, #tpu.memory_space<vmem_shared>>)
      tpu.yield
    }) : () -> ()
    %mul3A_20 = arith.constant 640 : i32
    %mul3A_21 = arith.muli %arg1, %mul3A_20 : i32
    %add3A_22 = arith.constant 64 : i32
    %add3A_23 = arith.addi %mul3A_21, %add3A_22 : i32
    "tpu.region"() ({
      %run_scoped3A_221 = tpu.sem_alloc : memref<!tpu.dma_semaphore, #tpu.memory_space<semaphore_mem>>
      %dma_start3A_222 = arith.constant 0 : i32
      %dma_start3A_223 = tpu.memref_slice %arg9[%add3A_23, %dma_start3A_222] : memref<10240x64xf32, #tpu.memory_space<vmem_shared>> -> memref<32x64xf32, #tpu.memory_space<vmem_shared>>
      %dma_start3A_224 = arith.constant 0 : i32
      %dma_start3A_225 = tpu.memref_slice %arg9[%add3A_23, %dma_start3A_224] : memref<10240x64xf32, #tpu.memory_space<vmem_shared>> -> memref<32x64xf32, #tpu.memory_space<vmem_shared>>
      tpu.enqueue_dma source(%arg8 : memref<32x64xf32, #tpu.memory_space<vmem>>) target(%dma_start3A_225 : memref<32x64xf32, #tpu.memory_space<vmem_shared>>) target_semaphore(%run_scoped3A_221 : memref<!tpu.dma_semaphore, #tpu.memory_space<semaphore_mem>>)
      %dma_wait3A_226 = arith.constant 0 : i32
      %dma_wait3A_227 = tpu.memref_slice %arg9[%add3A_23, %dma_wait3A_226] : memref<10240x64xf32, #tpu.memory_space<vmem_shared>> -> memref<32x64xf32, #tpu.memory_space<vmem_shared>>
      %dma_wait3A_228 = arith.constant 0 : i32
      %dma_wait3A_229 = tpu.memref_slice %arg9[%add3A_23, %dma_wait3A_228] : memref<10240x64xf32, #tpu.memory_space<vmem_shared>> -> memref<32x64xf32, #tpu.memory_space<vmem_shared>>
      tpu.wait_dma2 semaphore(%run_scoped3A_221 : memref<!tpu.dma_semaphore, #tpu.memory_space<semaphore_mem>>) src(%arg8 : memref<32x64xf32, #tpu.memory_space<vmem>>) dst(%dma_wait3A_229 : memref<32x64xf32, #tpu.memory_space<vmem_shared>>)
      tpu.yield
    }) : () -> ()
    %mul3A_24 = arith.constant 640 : i32
    %mul3A_25 = arith.muli %arg1, %mul3A_24 : i32
    %add3A_26 = arith.constant 96 : i32
    %add3A_27 = arith.addi %mul3A_25, %add3A_26 : i32
    "tpu.region"() ({
      %run_scoped3A_221 = tpu.sem_alloc : memref<!tpu.dma_semaphore, #tpu.memory_space<semaphore_mem>>
      %dma_start3A_222 = arith.constant 0 : i32
      %dma_start3A_223 = tpu.memref_slice %arg9[%add3A_27, %dma_start3A_222] : memref<10240x64xf32, #tpu.memory_space<vmem_shared>> -> memref<32x64xf32, #tpu.memory_space<vmem_shared>>
      %dma_start3A_224 = arith.constant 0 : i32
      %dma_start3A_225 = tpu.memref_slice %arg9[%add3A_27, %dma_start3A_224] : memref<10240x64xf32, #tpu.memory_space<vmem_shared>> -> memref<32x64xf32, #tpu.memory_space<vmem_shared>>
      tpu.enqueue_dma source(%arg8 : memref<32x64xf32, #tpu.memory_space<vmem>>) target(%dma_start3A_225 : memref<32x64xf32, #tpu.memory_space<vmem_shared>>) target_semaphore(%run_scoped3A_221 : memref<!tpu.dma_semaphore, #tpu.memory_space<semaphore_mem>>)
      %dma_wait3A_226 = arith.constant 0 : i32
      %dma_wait3A_227 = tpu.memref_slice %arg9[%add3A_27, %dma_wait3A_226] : memref<10240x64xf32, #tpu.memory_space<vmem_shared>> -> memref<32x64xf32, #tpu.memory_space<vmem_shared>>
      %dma_wait3A_228 = arith.constant 0 : i32
      %dma_wait3A_229 = tpu.memref_slice %arg9[%add3A_27, %dma_wait3A_228] : memref<10240x64xf32, #tpu.memory_space<vmem_shared>> -> memref<32x64xf32, #tpu.memory_space<vmem_shared>>
      tpu.wait_dma2 semaphore(%run_scoped3A_221 : memref<!tpu.dma_semaphore, #tpu.memory_space<semaphore_mem>>) src(%arg8 : memref<32x64xf32, #tpu.memory_space<vmem>>) dst(%dma_wait3A_229 : memref<32x64xf32, #tpu.memory_space<vmem_shared>>)
      tpu.yield
    }) : () -> ()
    %mul3A_28 = arith.constant 640 : i32
    %mul3A_29 = arith.muli %arg1, %mul3A_28 : i32
    %add3A_30 = arith.constant 128 : i32
    %add3A_31 = arith.addi %mul3A_29, %add3A_30 : i32
    "tpu.region"() ({
      %run_scoped3A_221 = tpu.sem_alloc : memref<!tpu.dma_semaphore, #tpu.memory_space<semaphore_mem>>
      %dma_start3A_222 = arith.constant 0 : i32
      %dma_start3A_223 = tpu.memref_slice %arg9[%add3A_31, %dma_start3A_222] : memref<10240x64xf32, #tpu.memory_space<vmem_shared>> -> memref<32x64xf32, #tpu.memory_space<vmem_shared>>
      %dma_start3A_224 = arith.constant 0 : i32
      %dma_start3A_225 = tpu.memref_slice %arg9[%add3A_31, %dma_start3A_224] : memref<10240x64xf32, #tpu.memory_space<vmem_shared>> -> memref<32x64xf32, #tpu.memory_space<vmem_shared>>
      tpu.enqueue_dma source(%arg8 : memref<32x64xf32, #tpu.memory_space<vmem>>) target(%dma_start3A_225 : memref<32x64xf32, #tpu.memory_space<vmem_shared>>) target_semaphore(%run_scoped3A_221 : memref<!tpu.dma_semaphore, #tpu.memory_space<semaphore_mem>>)
      %dma_wait3A_226 = arith.constant 0 : i32
      %dma_wait3A_227 = tpu.memref_slice %arg9[%add3A_31, %dma_wait3A_226] : memref<10240x64xf32, #tpu.memory_space<vmem_shared>> -> memref<32x64xf32, #tpu.memory_space<vmem_shared>>
      %dma_wait3A_228 = arith.constant 0 : i32
      %dma_wait3A_229 = tpu.memref_slice %arg9[%add3A_31, %dma_wait3A_228] : memref<10240x64xf32, #tpu.memory_space<vmem_shared>> -> memref<32x64xf32, #tpu.memory_space<vmem_shared>>
      tpu.wait_dma2 semaphore(%run_scoped3A_221 : memref<!tpu.dma_semaphore, #tpu.memory_space<semaphore_mem>>) src(%arg8 : memref<32x64xf32, #tpu.memory_space<vmem>>) dst(%dma_wait3A_229 : memref<32x64xf32, #tpu.memory_space<vmem_shared>>)
      tpu.yield
    }) : () -> ()
    %mul3A_32 = arith.constant 640 : i32
    %mul3A_33 = arith.muli %arg1, %mul3A_32 : i32
    %add3A_34 = arith.constant 160 : i32
    %add3A_35 = arith.addi %mul3A_33, %add3A_34 : i32
    "tpu.region"() ({
      %run_scoped3A_221 = tpu.sem_alloc : memref<!tpu.dma_semaphore, #tpu.memory_space<semaphore_mem>>
      %dma_start3A_222 = arith.constant 0 : i32
      %dma_start3A_223 = tpu.memref_slice %arg9[%add3A_35, %dma_start3A_222] : memref<10240x64xf32, #tpu.memory_space<vmem_shared>> -> memref<32x64xf32, #tpu.memory_space<vmem_shared>>
      %dma_start3A_224 = arith.constant 0 : i32
      %dma_start3A_225 = tpu.memref_slice %arg9[%add3A_35, %dma_start3A_224] : memref<10240x64xf32, #tpu.memory_space<vmem_shared>> -> memref<32x64xf32, #tpu.memory_space<vmem_shared>>
      tpu.enqueue_dma source(%arg8 : memref<32x64xf32, #tpu.memory_space<vmem>>) target(%dma_start3A_225 : memref<32x64xf32, #tpu.memory_space<vmem_shared>>) target_semaphore(%run_scoped3A_221 : memref<!tpu.dma_semaphore, #tpu.memory_space<semaphore_mem>>)
      %dma_wait3A_226 = arith.constant 0 : i32
      %dma_wait3A_227 = tpu.memref_slice %arg9[%add3A_35, %dma_wait3A_226] : memref<10240x64xf32, #tpu.memory_space<vmem_shared>> -> memref<32x64xf32, #tpu.memory_space<vmem_shared>>
      %dma_wait3A_228 = arith.constant 0 : i32
      %dma_wait3A_229 = tpu.memref_slice %arg9[%add3A_35, %dma_wait3A_228] : memref<10240x64xf32, #tpu.memory_space<vmem_shared>> -> memref<32x64xf32, #tpu.memory_space<vmem_shared>>
      tpu.wait_dma2 semaphore(%run_scoped3A_221 : memref<!tpu.dma_semaphore, #tpu.memory_space<semaphore_mem>>) src(%arg8 : memref<32x64xf32, #tpu.memory_space<vmem>>) dst(%dma_wait3A_229 : memref<32x64xf32, #tpu.memory_space<vmem_shared>>)
      tpu.yield
    }) : () -> ()
    %mul3A_36 = arith.constant 640 : i32
    %mul3A_37 = arith.muli %arg1, %mul3A_36 : i32
    %add3A_38 = arith.constant 192 : i32
    %add3A_39 = arith.addi %mul3A_37, %add3A_38 : i32
    "tpu.region"() ({
      %run_scoped3A_221 = tpu.sem_alloc : memref<!tpu.dma_semaphore, #tpu.memory_space<semaphore_mem>>
      %dma_start3A_222 = arith.constant 0 : i32
      %dma_start3A_223 = tpu.memref_slice %arg9[%add3A_39, %dma_start3A_222] : memref<10240x64xf32, #tpu.memory_space<vmem_shared>> -> memref<32x64xf32, #tpu.memory_space<vmem_shared>>
      %dma_start3A_224 = arith.constant 0 : i32
      %dma_start3A_225 = tpu.memref_slice %arg9[%add3A_39, %dma_start3A_224] : memref<10240x64xf32, #tpu.memory_space<vmem_shared>> -> memref<32x64xf32, #tpu.memory_space<vmem_shared>>
      tpu.enqueue_dma source(%arg8 : memref<32x64xf32, #tpu.memory_space<vmem>>) target(%dma_start3A_225 : memref<32x64xf32, #tpu.memory_space<vmem_shared>>) target_semaphore(%run_scoped3A_221 : memref<!tpu.dma_semaphore, #tpu.memory_space<semaphore_mem>>)
      %dma_wait3A_226 = arith.constant 0 : i32
      %dma_wait3A_227 = tpu.memref_slice %arg9[%add3A_39, %dma_wait3A_226] : memref<10240x64xf32, #tpu.memory_space<vmem_shared>> -> memref<32x64xf32, #tpu.memory_space<vmem_shared>>
      %dma_wait3A_228 = arith.constant 0 : i32
      %dma_wait3A_229 = tpu.memref_slice %arg9[%add3A_39, %dma_wait3A_228] : memref<10240x64xf32, #tpu.memory_space<vmem_shared>> -> memref<32x64xf32, #tpu.memory_space<vmem_shared>>
      tpu.wait_dma2 semaphore(%run_scoped3A_221 : memref<!tpu.dma_semaphore, #tpu.memory_space<semaphore_mem>>) src(%arg8 : memref<32x64xf32, #tpu.memory_space<vmem>>) dst(%dma_wait3A_229 : memref<32x64xf32, #tpu.memory_space<vmem_shared>>)
      tpu.yield
    }) : () -> ()
    %mul3A_40 = arith.constant 640 : i32
    %mul3A_41 = arith.muli %arg1, %mul3A_40 : i32
    %add3A_42 = arith.constant 224 : i32
    %add3A_43 = arith.addi %mul3A_41, %add3A_42 : i32
    "tpu.region"() ({
      %run_scoped3A_221 = tpu.sem_alloc : memref<!tpu.dma_semaphore, #tpu.memory_space<semaphore_mem>>
      %dma_start3A_222 = arith.constant 0 : i32
      %dma_start3A_223 = tpu.memref_slice %arg9[%add3A_43, %dma_start3A_222] : memref<10240x64xf32, #tpu.memory_space<vmem_shared>> -> memref<32x64xf32, #tpu.memory_space<vmem_shared>>
      %dma_start3A_224 = arith.constant 0 : i32
      %dma_start3A_225 = tpu.memref_slice %arg9[%add3A_43, %dma_start3A_224] : memref<10240x64xf32, #tpu.memory_space<vmem_shared>> -> memref<32x64xf32, #tpu.memory_space<vmem_shared>>
      tpu.enqueue_dma source(%arg8 : memref<32x64xf32, #tpu.memory_space<vmem>>) target(%dma_start3A_225 : memref<32x64xf32, #tpu.memory_space<vmem_shared>>) target_semaphore(%run_scoped3A_221 : memref<!tpu.dma_semaphore, #tpu.memory_space<semaphore_mem>>)
      %dma_wait3A_226 = arith.constant 0 : i32
      %dma_wait3A_227 = tpu.memref_slice %arg9[%add3A_43, %dma_wait3A_226] : memref<10240x64xf32, #tpu.memory_space<vmem_shared>> -> memref<32x64xf32, #tpu.memory_space<vmem_shared>>
      %dma_wait3A_228 = arith.constant 0 : i32
      %dma_wait3A_229 = tpu.memref_slice %arg9[%add3A_43, %dma_wait3A_228] : memref<10240x64xf32, #tpu.memory_space<vmem_shared>> -> memref<32x64xf32, #tpu.memory_space<vmem_shared>>
      tpu.wait_dma2 semaphore(%run_scoped3A_221 : memref<!tpu.dma_semaphore, #tpu.memory_space<semaphore_mem>>) src(%arg8 : memref<32x64xf32, #tpu.memory_space<vmem>>) dst(%dma_wait3A_229 : memref<32x64xf32, #tpu.memory_space<vmem_shared>>)
      tpu.yield
    }) : () -> ()
    %mul3A_44 = arith.constant 640 : i32
    %mul3A_45 = arith.muli %arg1, %mul3A_44 : i32
    %add3A_46 = arith.constant 256 : i32
    %add3A_47 = arith.addi %mul3A_45, %add3A_46 : i32
    "tpu.region"() ({
      %run_scoped3A_221 = tpu.sem_alloc : memref<!tpu.dma_semaphore, #tpu.memory_space<semaphore_mem>>
      %dma_start3A_222 = arith.constant 0 : i32
      %dma_start3A_223 = tpu.memref_slice %arg9[%add3A_47, %dma_start3A_222] : memref<10240x64xf32, #tpu.memory_space<vmem_shared>> -> memref<32x64xf32, #tpu.memory_space<vmem_shared>>
      %dma_start3A_224 = arith.constant 0 : i32
      %dma_start3A_225 = tpu.memref_slice %arg9[%add3A_47, %dma_start3A_224] : memref<10240x64xf32, #tpu.memory_space<vmem_shared>> -> memref<32x64xf32, #tpu.memory_space<vmem_shared>>
      tpu.enqueue_dma source(%arg8 : memref<32x64xf32, #tpu.memory_space<vmem>>) target(%dma_start3A_225 : memref<32x64xf32, #tpu.memory_space<vmem_shared>>) target_semaphore(%run_scoped3A_221 : memref<!tpu.dma_semaphore, #tpu.memory_space<semaphore_mem>>)
      %dma_wait3A_226 = arith.constant 0 : i32
      %dma_wait3A_227 = tpu.memref_slice %arg9[%add3A_47, %dma_wait3A_226] : memref<10240x64xf32, #tpu.memory_space<vmem_shared>> -> memref<32x64xf32, #tpu.memory_space<vmem_shared>>
      %dma_wait3A_228 = arith.constant 0 : i32
      %dma_wait3A_229 = tpu.memref_slice %arg9[%add3A_47, %dma_wait3A_228] : memref<10240x64xf32, #tpu.memory_space<vmem_shared>> -> memref<32x64xf32, #tpu.memory_space<vmem_shared>>
      tpu.wait_dma2 semaphore(%run_scoped3A_221 : memref<!tpu.dma_semaphore, #tpu.memory_space<semaphore_mem>>) src(%arg8 : memref<32x64xf32, #tpu.memory_space<vmem>>) dst(%dma_wait3A_229 : memref<32x64xf32, #tpu.memory_space<vmem_shared>>)
      tpu.yield
    }) : () -> ()
    %mul3A_48 = arith.constant 640 : i32
    %mul3A_49 = arith.muli %arg1, %mul3A_48 : i32
    %add3A_50 = arith.constant 288 : i32
    %add3A_51 = arith.addi %mul3A_49, %add3A_50 : i32
    "tpu.region"() ({
      %run_scoped3A_221 = tpu.sem_alloc : memref<!tpu.dma_semaphore, #tpu.memory_space<semaphore_mem>>
      %dma_start3A_222 = arith.constant 0 : i32
      %dma_start3A_223 = tpu.memref_slice %arg9[%add3A_51, %dma_start3A_222] : memref<10240x64xf32, #tpu.memory_space<vmem_shared>> -> memref<32x64xf32, #tpu.memory_space<vmem_shared>>
      %dma_start3A_224 = arith.constant 0 : i32
      %dma_start3A_225 = tpu.memref_slice %arg9[%add3A_51, %dma_start3A_224] : memref<10240x64xf32, #tpu.memory_space<vmem_shared>> -> memref<32x64xf32, #tpu.memory_space<vmem_shared>>
      tpu.enqueue_dma source(%arg8 : memref<32x64xf32, #tpu.memory_space<vmem>>) target(%dma_start3A_225 : memref<32x64xf32, #tpu.memory_space<vmem_shared>>) target_semaphore(%run_scoped3A_221 : memref<!tpu.dma_semaphore, #tpu.memory_space<semaphore_mem>>)
      %dma_wait3A_226 = arith.constant 0 : i32
      %dma_wait3A_227 = tpu.memref_slice %arg9[%add3A_51, %dma_wait3A_226] : memref<10240x64xf32, #tpu.memory_space<vmem_shared>> -> memref<32x64xf32, #tpu.memory_space<vmem_shared>>
      %dma_wait3A_228 = arith.constant 0 : i32
      %dma_wait3A_229 = tpu.memref_slice %arg9[%add3A_51, %dma_wait3A_228] : memref<10240x64xf32, #tpu.memory_space<vmem_shared>> -> memref<32x64xf32, #tpu.memory_space<vmem_shared>>
      tpu.wait_dma2 semaphore(%run_scoped3A_221 : memref<!tpu.dma_semaphore, #tpu.memory_space<semaphore_mem>>) src(%arg8 : memref<32x64xf32, #tpu.memory_space<vmem>>) dst(%dma_wait3A_229 : memref<32x64xf32, #tpu.memory_space<vmem_shared>>)
      tpu.yield
    }) : () -> ()
    %mul3A_52 = arith.constant 640 : i32
    %mul3A_53 = arith.muli %arg1, %mul3A_52 : i32
    %add3A_54 = arith.constant 320 : i32
    %add3A_55 = arith.addi %mul3A_53, %add3A_54 : i32
    "tpu.region"() ({
      %run_scoped3A_221 = tpu.sem_alloc : memref<!tpu.dma_semaphore, #tpu.memory_space<semaphore_mem>>
      %dma_start3A_222 = arith.constant 0 : i32
      %dma_start3A_223 = tpu.memref_slice %arg9[%add3A_55, %dma_start3A_222] : memref<10240x64xf32, #tpu.memory_space<vmem_shared>> -> memref<32x64xf32, #tpu.memory_space<vmem_shared>>
      %dma_start3A_224 = arith.constant 0 : i32
      %dma_start3A_225 = tpu.memref_slice %arg9[%add3A_55, %dma_start3A_224] : memref<10240x64xf32, #tpu.memory_space<vmem_shared>> -> memref<32x64xf32, #tpu.memory_space<vmem_shared>>
      tpu.enqueue_dma source(%arg8 : memref<32x64xf32, #tpu.memory_space<vmem>>) target(%dma_start3A_225 : memref<32x64xf32, #tpu.memory_space<vmem_shared>>) target_semaphore(%run_scoped3A_221 : memref<!tpu.dma_semaphore, #tpu.memory_space<semaphore_mem>>)
      %dma_wait3A_226 = arith.constant 0 : i32
      %dma_wait3A_227 = tpu.memref_slice %arg9[%add3A_55, %dma_wait3A_226] : memref<10240x64xf32, #tpu.memory_space<vmem_shared>> -> memref<32x64xf32, #tpu.memory_space<vmem_shared>>
      %dma_wait3A_228 = arith.constant 0 : i32
      %dma_wait3A_229 = tpu.memref_slice %arg9[%add3A_55, %dma_wait3A_228] : memref<10240x64xf32, #tpu.memory_space<vmem_shared>> -> memref<32x64xf32, #tpu.memory_space<vmem_shared>>
      tpu.wait_dma2 semaphore(%run_scoped3A_221 : memref<!tpu.dma_semaphore, #tpu.memory_space<semaphore_mem>>) src(%arg8 : memref<32x64xf32, #tpu.memory_space<vmem>>) dst(%dma_wait3A_229 : memref<32x64xf32, #tpu.memory_space<vmem_shared>>)
      tpu.yield
    }) : () -> ()
    %mul3A_56 = arith.constant 640 : i32
    %mul3A_57 = arith.muli %arg1, %mul3A_56 : i32
    %add3A_58 = arith.constant 352 : i32
    %add3A_59 = arith.addi %mul3A_57, %add3A_58 : i32
    "tpu.region"() ({
      %run_scoped3A_221 = tpu.sem_alloc : memref<!tpu.dma_semaphore, #tpu.memory_space<semaphore_mem>>
      %dma_start3A_222 = arith.constant 0 : i32
      %dma_start3A_223 = tpu.memref_slice %arg9[%add3A_59, %dma_start3A_222] : memref<10240x64xf32, #tpu.memory_space<vmem_shared>> -> memref<32x64xf32, #tpu.memory_space<vmem_shared>>
      %dma_start3A_224 = arith.constant 0 : i32
      %dma_start3A_225 = tpu.memref_slice %arg9[%add3A_59, %dma_start3A_224] : memref<10240x64xf32, #tpu.memory_space<vmem_shared>> -> memref<32x64xf32, #tpu.memory_space<vmem_shared>>
      tpu.enqueue_dma source(%arg8 : memref<32x64xf32, #tpu.memory_space<vmem>>) target(%dma_start3A_225 : memref<32x64xf32, #tpu.memory_space<vmem_shared>>) target_semaphore(%run_scoped3A_221 : memref<!tpu.dma_semaphore, #tpu.memory_space<semaphore_mem>>)
      %dma_wait3A_226 = arith.constant 0 : i32
      %dma_wait3A_227 = tpu.memref_slice %arg9[%add3A_59, %dma_wait3A_226] : memref<10240x64xf32, #tpu.memory_space<vmem_shared>> -> memref<32x64xf32, #tpu.memory_space<vmem_shared>>
      %dma_wait3A_228 = arith.constant 0 : i32
      %dma_wait3A_229 = tpu.memref_slice %arg9[%add3A_59, %dma_wait3A_228] : memref<10240x64xf32, #tpu.memory_space<vmem_shared>> -> memref<32x64xf32, #tpu.memory_space<vmem_shared>>
      tpu.wait_dma2 semaphore(%run_scoped3A_221 : memref<!tpu.dma_semaphore, #tpu.memory_space<semaphore_mem>>) src(%arg8 : memref<32x64xf32, #tpu.memory_space<vmem>>) dst(%dma_wait3A_229 : memref<32x64xf32, #tpu.memory_space<vmem_shared>>)
      tpu.yield
    }) : () -> ()
    %mul3A_60 = arith.constant 640 : i32
    %mul3A_61 = arith.muli %arg1, %mul3A_60 : i32
    %add3A_62 = arith.constant 384 : i32
    %add3A_63 = arith.addi %mul3A_61, %add3A_62 : i32
    "tpu.region"() ({
      %run_scoped3A_221 = tpu.sem_alloc : memref<!tpu.dma_semaphore, #tpu.memory_space<semaphore_mem>>
      %dma_start3A_222 = arith.constant 0 : i32
      %dma_start3A_223 = tpu.memref_slice %arg9[%add3A_63, %dma_start3A_222] : memref<10240x64xf32, #tpu.memory_space<vmem_shared>> -> memref<32x64xf32, #tpu.memory_space<vmem_shared>>
      %dma_start3A_224 = arith.constant 0 : i32
      %dma_start3A_225 = tpu.memref_slice %arg9[%add3A_63, %dma_start3A_224] : memref<10240x64xf32, #tpu.memory_space<vmem_shared>> -> memref<32x64xf32, #tpu.memory_space<vmem_shared>>
      tpu.enqueue_dma source(%arg8 : memref<32x64xf32, #tpu.memory_space<vmem>>) target(%dma_start3A_225 : memref<32x64xf32, #tpu.memory_space<vmem_shared>>) target_semaphore(%run_scoped3A_221 : memref<!tpu.dma_semaphore, #tpu.memory_space<semaphore_mem>>)
      %dma_wait3A_226 = arith.constant 0 : i32
      %dma_wait3A_227 = tpu.memref_slice %arg9[%add3A_63, %dma_wait3A_226] : memref<10240x64xf32, #tpu.memory_space<vmem_shared>> -> memref<32x64xf32, #tpu.memory_space<vmem_shared>>
      %dma_wait3A_228 = arith.constant 0 : i32
      %dma_wait3A_229 = tpu.memref_slice %arg9[%add3A_63, %dma_wait3A_228] : memref<10240x64xf32, #tpu.memory_space<vmem_shared>> -> memref<32x64xf32, #tpu.memory_space<vmem_shared>>
      tpu.wait_dma2 semaphore(%run_scoped3A_221 : memref<!tpu.dma_semaphore, #tpu.memory_space<semaphore_mem>>) src(%arg8 : memref<32x64xf32, #tpu.memory_space<vmem>>) dst(%dma_wait3A_229 : memref<32x64xf32, #tpu.memory_space<vmem_shared>>)
      tpu.yield
    }) : () -> ()
    %mul3A_64 = arith.constant 640 : i32
    %mul3A_65 = arith.muli %arg1, %mul3A_64 : i32
    %add3A_66 = arith.constant 416 : i32
    %add3A_67 = arith.addi %mul3A_65, %add3A_66 : i32
    "tpu.region"() ({
      %run_scoped3A_221 = tpu.sem_alloc : memref<!tpu.dma_semaphore, #tpu.memory_space<semaphore_mem>>
      %dma_start3A_222 = arith.constant 0 : i32
      %dma_start3A_223 = tpu.memref_slice %arg9[%add3A_67, %dma_start3A_222] : memref<10240x64xf32, #tpu.memory_space<vmem_shared>> -> memref<32x64xf32, #tpu.memory_space<vmem_shared>>
      %dma_start3A_224 = arith.constant 0 : i32
      %dma_start3A_225 = tpu.memref_slice %arg9[%add3A_67, %dma_start3A_224] : memref<10240x64xf32, #tpu.memory_space<vmem_shared>> -> memref<32x64xf32, #tpu.memory_space<vmem_shared>>
      tpu.enqueue_dma source(%arg8 : memref<32x64xf32, #tpu.memory_space<vmem>>) target(%dma_start3A_225 : memref<32x64xf32, #tpu.memory_space<vmem_shared>>) target_semaphore(%run_scoped3A_221 : memref<!tpu.dma_semaphore, #tpu.memory_space<semaphore_mem>>)
      %dma_wait3A_226 = arith.constant 0 : i32
      %dma_wait3A_227 = tpu.memref_slice %arg9[%add3A_67, %dma_wait3A_226] : memref<10240x64xf32, #tpu.memory_space<vmem_shared>> -> memref<32x64xf32, #tpu.memory_space<vmem_shared>>
      %dma_wait3A_228 = arith.constant 0 : i32
      %dma_wait3A_229 = tpu.memref_slice %arg9[%add3A_67, %dma_wait3A_228] : memref<10240x64xf32, #tpu.memory_space<vmem_shared>> -> memref<32x64xf32, #tpu.memory_space<vmem_shared>>
      tpu.wait_dma2 semaphore(%run_scoped3A_221 : memref<!tpu.dma_semaphore, #tpu.memory_space<semaphore_mem>>) src(%arg8 : memref<32x64xf32, #tpu.memory_space<vmem>>) dst(%dma_wait3A_229 : memref<32x64xf32, #tpu.memory_space<vmem_shared>>)
      tpu.yield
    }) : () -> ()
    %mul3A_68 = arith.constant 640 : i32
    %mul3A_69 = arith.muli %arg1, %mul3A_68 : i32
    %add3A_70 = arith.constant 448 : i32
    %add3A_71 = arith.addi %mul3A_69, %add3A_70 : i32
    "tpu.region"() ({
      %run_scoped3A_221 = tpu.sem_alloc : memref<!tpu.dma_semaphore, #tpu.memory_space<semaphore_mem>>
      %dma_start3A_222 = arith.constant 0 : i32
      %dma_start3A_223 = tpu.memref_slice %arg9[%add3A_71, %dma_start3A_222] : memref<10240x64xf32, #tpu.memory_space<vmem_shared>> -> memref<32x64xf32, #tpu.memory_space<vmem_shared>>
      %dma_start3A_224 = arith.constant 0 : i32
      %dma_start3A_225 = tpu.memref_slice %arg9[%add3A_71, %dma_start3A_224] : memref<10240x64xf32, #tpu.memory_space<vmem_shared>> -> memref<32x64xf32, #tpu.memory_space<vmem_shared>>
      tpu.enqueue_dma source(%arg8 : memref<32x64xf32, #tpu.memory_space<vmem>>) target(%dma_start3A_225 : memref<32x64xf32, #tpu.memory_space<vmem_shared>>) target_semaphore(%run_scoped3A_221 : memref<!tpu.dma_semaphore, #tpu.memory_space<semaphore_mem>>)
      %dma_wait3A_226 = arith.constant 0 : i32
      %dma_wait3A_227 = tpu.memref_slice %arg9[%add3A_71, %dma_wait3A_226] : memref<10240x64xf32, #tpu.memory_space<vmem_shared>> -> memref<32x64xf32, #tpu.memory_space<vmem_shared>>
      %dma_wait3A_228 = arith.constant 0 : i32
      %dma_wait3A_229 = tpu.memref_slice %arg9[%add3A_71, %dma_wait3A_228] : memref<10240x64xf32, #tpu.memory_space<vmem_shared>> -> memref<32x64xf32, #tpu.memory_space<vmem_shared>>
      tpu.wait_dma2 semaphore(%run_scoped3A_221 : memref<!tpu.dma_semaphore, #tpu.memory_space<semaphore_mem>>) src(%arg8 : memref<32x64xf32, #tpu.memory_space<vmem>>) dst(%dma_wait3A_229 : memref<32x64xf32, #tpu.memory_space<vmem_shared>>)
      tpu.yield
    }) : () -> ()
    %mul3A_72 = arith.constant 640 : i32
    %mul3A_73 = arith.muli %arg1, %mul3A_72 : i32
    %add3A_74 = arith.constant 480 : i32
    %add3A_75 = arith.addi %mul3A_73, %add3A_74 : i32
    "tpu.region"() ({
      %run_scoped3A_221 = tpu.sem_alloc : memref<!tpu.dma_semaphore, #tpu.memory_space<semaphore_mem>>
      %dma_start3A_222 = arith.constant 0 : i32
      %dma_start3A_223 = tpu.memref_slice %arg9[%add3A_75, %dma_start3A_222] : memref<10240x64xf32, #tpu.memory_space<vmem_shared>> -> memref<32x64xf32, #tpu.memory_space<vmem_shared>>
      %dma_start3A_224 = arith.constant 0 : i32
      %dma_start3A_225 = tpu.memref_slice %arg9[%add3A_75, %dma_start3A_224] : memref<10240x64xf32, #tpu.memory_space<vmem_shared>> -> memref<32x64xf32, #tpu.memory_space<vmem_shared>>
      tpu.enqueue_dma source(%arg8 : memref<32x64xf32, #tpu.memory_space<vmem>>) target(%dma_start3A_225 : memref<32x64xf32, #tpu.memory_space<vmem_shared>>) target_semaphore(%run_scoped3A_221 : memref<!tpu.dma_semaphore, #tpu.memory_space<semaphore_mem>>)
      %dma_wait3A_226 = arith.constant 0 : i32
      %dma_wait3A_227 = tpu.memref_slice %arg9[%add3A_75, %dma_wait3A_226] : memref<10240x64xf32, #tpu.memory_space<vmem_shared>> -> memref<32x64xf32, #tpu.memory_space<vmem_shared>>
      %dma_wait3A_228 = arith.constant 0 : i32
      %dma_wait3A_229 = tpu.memref_slice %arg9[%add3A_75, %dma_wait3A_228] : memref<10240x64xf32, #tpu.memory_space<vmem_shared>> -> memref<32x64xf32, #tpu.memory_space<vmem_shared>>
      tpu.wait_dma2 semaphore(%run_scoped3A_221 : memref<!tpu.dma_semaphore, #tpu.memory_space<semaphore_mem>>) src(%arg8 : memref<32x64xf32, #tpu.memory_space<vmem>>) dst(%dma_wait3A_229 : memref<32x64xf32, #tpu.memory_space<vmem_shared>>)
      tpu.yield
    }) : () -> ()
    %mul3A_76 = arith.constant 640 : i32
    %mul3A_77 = arith.muli %arg1, %mul3A_76 : i32
    %add3A_78 = arith.constant 512 : i32
    %add3A_79 = arith.addi %mul3A_77, %add3A_78 : i32
    "tpu.region"() ({
      %run_scoped3A_221 = tpu.sem_alloc : memref<!tpu.dma_semaphore, #tpu.memory_space<semaphore_mem>>
      %dma_start3A_222 = arith.constant 0 : i32
      %dma_start3A_223 = tpu.memref_slice %arg9[%add3A_79, %dma_start3A_222] : memref<10240x64xf32, #tpu.memory_space<vmem_shared>> -> memref<32x64xf32, #tpu.memory_space<vmem_shared>>
      %dma_start3A_224 = arith.constant 0 : i32
      %dma_start3A_225 = tpu.memref_slice %arg9[%add3A_79, %dma_start3A_224] : memref<10240x64xf32, #tpu.memory_space<vmem_shared>> -> memref<32x64xf32, #tpu.memory_space<vmem_shared>>
      tpu.enqueue_dma source(%arg8 : memref<32x64xf32, #tpu.memory_space<vmem>>) target(%dma_start3A_225 : memref<32x64xf32, #tpu.memory_space<vmem_shared>>) target_semaphore(%run_scoped3A_221 : memref<!tpu.dma_semaphore, #tpu.memory_space<semaphore_mem>>)
      %dma_wait3A_226 = arith.constant 0 : i32
      %dma_wait3A_227 = tpu.memref_slice %arg9[%add3A_79, %dma_wait3A_226] : memref<10240x64xf32, #tpu.memory_space<vmem_shared>> -> memref<32x64xf32, #tpu.memory_space<vmem_shared>>
      %dma_wait3A_228 = arith.constant 0 : i32
      %dma_wait3A_229 = tpu.memref_slice %arg9[%add3A_79, %dma_wait3A_228] : memref<10240x64xf32, #tpu.memory_space<vmem_shared>> -> memref<32x64xf32, #tpu.memory_space<vmem_shared>>
      tpu.wait_dma2 semaphore(%run_scoped3A_221 : memref<!tpu.dma_semaphore, #tpu.memory_space<semaphore_mem>>) src(%arg8 : memref<32x64xf32, #tpu.memory_space<vmem>>) dst(%dma_wait3A_229 : memref<32x64xf32, #tpu.memory_space<vmem_shared>>)
      tpu.yield
    }) : () -> ()
    %mul3A_80 = arith.constant 640 : i32
    %mul3A_81 = arith.muli %arg1, %mul3A_80 : i32
    %add3A_82 = arith.constant 544 : i32
    %add3A_83 = arith.addi %mul3A_81, %add3A_82 : i32
    "tpu.region"() ({
      %run_scoped3A_221 = tpu.sem_alloc : memref<!tpu.dma_semaphore, #tpu.memory_space<semaphore_mem>>
      %dma_start3A_222 = arith.constant 0 : i32
      %dma_start3A_223 = tpu.memref_slice %arg9[%add3A_83, %dma_start3A_222] : memref<10240x64xf32, #tpu.memory_space<vmem_shared>> -> memref<32x64xf32, #tpu.memory_space<vmem_shared>>
      %dma_start3A_224 = arith.constant 0 : i32
      %dma_start3A_225 = tpu.memref_slice %arg9[%add3A_83, %dma_start3A_224] : memref<10240x64xf32, #tpu.memory_space<vmem_shared>> -> memref<32x64xf32, #tpu.memory_space<vmem_shared>>
      tpu.enqueue_dma source(%arg8 : memref<32x64xf32, #tpu.memory_space<vmem>>) target(%dma_start3A_225 : memref<32x64xf32, #tpu.memory_space<vmem_shared>>) target_semaphore(%run_scoped3A_221 : memref<!tpu.dma_semaphore, #tpu.memory_space<semaphore_mem>>)
      %dma_wait3A_226 = arith.constant 0 : i32
      %dma_wait3A_227 = tpu.memref_slice %arg9[%add3A_83, %dma_wait3A_226] : memref<10240x64xf32, #tpu.memory_space<vmem_shared>> -> memref<32x64xf32, #tpu.memory_space<vmem_shared>>
      %dma_wait3A_228 = arith.constant 0 : i32
      %dma_wait3A_229 = tpu.memref_slice %arg9[%add3A_83, %dma_wait3A_228] : memref<10240x64xf32, #tpu.memory_space<vmem_shared>> -> memref<32x64xf32, #tpu.memory_space<vmem_shared>>
      tpu.wait_dma2 semaphore(%run_scoped3A_221 : memref<!tpu.dma_semaphore, #tpu.memory_space<semaphore_mem>>) src(%arg8 : memref<32x64xf32, #tpu.memory_space<vmem>>) dst(%dma_wait3A_229 : memref<32x64xf32, #tpu.memory_space<vmem_shared>>)
      tpu.yield
    }) : () -> ()
    %mul3A_84 = arith.constant 640 : i32
    %mul3A_85 = arith.muli %arg1, %mul3A_84 : i32
    %add3A_86 = arith.constant 576 : i32
    %add3A_87 = arith.addi %mul3A_85, %add3A_86 : i32
    "tpu.region"() ({
      %run_scoped3A_221 = tpu.sem_alloc : memref<!tpu.dma_semaphore, #tpu.memory_space<semaphore_mem>>
      %dma_start3A_222 = arith.constant 0 : i32
      %dma_start3A_223 = tpu.memref_slice %arg9[%add3A_87, %dma_start3A_222] : memref<10240x64xf32, #tpu.memory_space<vmem_shared>> -> memref<32x64xf32, #tpu.memory_space<vmem_shared>>
      %dma_start3A_224 = arith.constant 0 : i32
      %dma_start3A_225 = tpu.memref_slice %arg9[%add3A_87, %dma_start3A_224] : memref<10240x64xf32, #tpu.memory_space<vmem_shared>> -> memref<32x64xf32, #tpu.memory_space<vmem_shared>>
      tpu.enqueue_dma source(%arg8 : memref<32x64xf32, #tpu.memory_space<vmem>>) target(%dma_start3A_225 : memref<32x64xf32, #tpu.memory_space<vmem_shared>>) target_semaphore(%run_scoped3A_221 : memref<!tpu.dma_semaphore, #tpu.memory_space<semaphore_mem>>)
      %dma_wait3A_226 = arith.constant 0 : i32
      %dma_wait3A_227 = tpu.memref_slice %arg9[%add3A_87, %dma_wait3A_226] : memref<10240x64xf32, #tpu.memory_space<vmem_shared>> -> memref<32x64xf32, #tpu.memory_space<vmem_shared>>
      %dma_wait3A_228 = arith.constant 0 : i32
      %dma_wait3A_229 = tpu.memref_slice %arg9[%add3A_87, %dma_wait3A_228] : memref<10240x64xf32, #tpu.memory_space<vmem_shared>> -> memref<32x64xf32, #tpu.memory_space<vmem_shared>>
      tpu.wait_dma2 semaphore(%run_scoped3A_221 : memref<!tpu.dma_semaphore, #tpu.memory_space<semaphore_mem>>) src(%arg8 : memref<32x64xf32, #tpu.memory_space<vmem>>) dst(%dma_wait3A_229 : memref<32x64xf32, #tpu.memory_space<vmem_shared>>)
      tpu.yield
    }) : () -> ()
    %mul3A_88 = arith.constant 640 : i32
    %mul3A_89 = arith.muli %arg1, %mul3A_88 : i32
    %add3A_90 = arith.constant 608 : i32
    %add3A_91 = arith.addi %mul3A_89, %add3A_90 : i32
    "tpu.region"() ({
      %run_scoped3A_221 = tpu.sem_alloc : memref<!tpu.dma_semaphore, #tpu.memory_space<semaphore_mem>>
      %dma_start3A_222 = arith.constant 0 : i32
      %dma_start3A_223 = tpu.memref_slice %arg9[%add3A_91, %dma_start3A_222] : memref<10240x64xf32, #tpu.memory_space<vmem_shared>> -> memref<32x64xf32, #tpu.memory_space<vmem_shared>>
      %dma_start3A_224 = arith.constant 0 : i32
      %dma_start3A_225 = tpu.memref_slice %arg9[%add3A_91, %dma_start3A_224] : memref<10240x64xf32, #tpu.memory_space<vmem_shared>> -> memref<32x64xf32, #tpu.memory_space<vmem_shared>>
      tpu.enqueue_dma source(%arg8 : memref<32x64xf32, #tpu.memory_space<vmem>>) target(%dma_start3A_225 : memref<32x64xf32, #tpu.memory_space<vmem_shared>>) target_semaphore(%run_scoped3A_221 : memref<!tpu.dma_semaphore, #tpu.memory_space<semaphore_mem>>)
      %dma_wait3A_226 = arith.constant 0 : i32
      %dma_wait3A_227 = tpu.memref_slice %arg9[%add3A_91, %dma_wait3A_226] : memref<10240x64xf32, #tpu.memory_space<vmem_shared>> -> memref<32x64xf32, #tpu.memory_space<vmem_shared>>
      %dma_wait3A_228 = arith.constant 0 : i32
      %dma_wait3A_229 = tpu.memref_slice %arg9[%add3A_91, %dma_wait3A_228] : memref<10240x64xf32, #tpu.memory_space<vmem_shared>> -> memref<32x64xf32, #tpu.memory_space<vmem_shared>>
      tpu.wait_dma2 semaphore(%run_scoped3A_221 : memref<!tpu.dma_semaphore, #tpu.memory_space<semaphore_mem>>) src(%arg8 : memref<32x64xf32, #tpu.memory_space<vmem>>) dst(%dma_wait3A_229 : memref<32x64xf32, #tpu.memory_space<vmem_shared>>)
      tpu.yield
    }) : () -> ()
    %barrier3A = arith.constant 0 : index
    tpu.barrier barrier_id(%barrier3A)
    %dma_start3A = arith.constant 0 : i32
    %dma_start3A_92 = arith.constant 0 : i32
    %dma_start3A_93 = arith.constant 0 : i32
    %dma_start3A_94 = arith.constant 0 : i32
    %dma_start3A_95 = tpu.memref_slice %arg7[%dma_start3A_92, %dma_start3A_93, %dma_start3A_94] : memref<10x80x64xf32, #tpu.memory_space<vmem>> -> memref<1x80x64xf32, #tpu.memory_space<vmem>>
    %dma_start3A_96 = tpu.memref_squeeze %dma_start3A_95 : memref<1x80x64xf32, #tpu.memory_space<vmem>> -> memref<80x64xf32, #tpu.memory_space<vmem>>
    %dma_start3A_97 = arith.constant 0 : i32
    %dma_start3A_98 = tpu.memref_slice %arg5[%dma_start3A, %dma_start3A_97] : memref<125x80xi32, #tpu.memory_space<vmem>> -> memref<1x80xi32, #tpu.memory_space<vmem>>
    %dma_start3A_99 = tpu.memref_squeeze %dma_start3A_98 : memref<1x80xi32, #tpu.memory_space<vmem>> -> memref<80xi32, #tpu.memory_space<vmem>>
    %dma_start3A_100 = arith.constant 0 : i32
    %dma_start3A_101 = arith.constant 0 : i32
    %dma_start3A_102 = tpu.memref_slice %arg2[%dma_start3A_100, %dma_start3A_101] : memref<10000x64xf32, #tpu.memory_space<hbm>> -> memref<10000x64xf32, #tpu.memory_space<hbm>>
    tpu.enqueue_indirect_dma source(%dma_start3A_102 : memref<10000x64xf32, #tpu.memory_space<hbm>>) target(%dma_start3A_96 : memref<80x64xf32, #tpu.memory_space<vmem>>) offsets(%dma_start3A_99 : memref<80xi32, #tpu.memory_space<vmem>>) semaphore(%arg10 : memref<!tpu.dma_semaphore, #tpu.memory_space<semaphore_mem>>)
    %dma_start3A_103 = arith.constant 1 : i32
    %dma_start3A_104 = arith.constant 1 : i32
    %dma_start3A_105 = arith.constant 0 : i32
    %dma_start3A_106 = arith.constant 0 : i32
    %dma_start3A_107 = tpu.memref_slice %arg7[%dma_start3A_104, %dma_start3A_105, %dma_start3A_106] : memref<10x80x64xf32, #tpu.memory_space<vmem>> -> memref<1x80x64xf32, #tpu.memory_space<vmem>>
    %dma_start3A_108 = tpu.memref_squeeze %dma_start3A_107 : memref<1x80x64xf32, #tpu.memory_space<vmem>> -> memref<80x64xf32, #tpu.memory_space<vmem>>
    %dma_start3A_109 = arith.constant 0 : i32
    %dma_start3A_110 = tpu.memref_slice %arg5[%dma_start3A_103, %dma_start3A_109] : memref<125x80xi32, #tpu.memory_space<vmem>> -> memref<1x80xi32, #tpu.memory_space<vmem>>
    %dma_start3A_111 = tpu.memref_squeeze %dma_start3A_110 : memref<1x80xi32, #tpu.memory_space<vmem>> -> memref<80xi32, #tpu.memory_space<vmem>>
    %dma_start3A_112 = arith.constant 0 : i32
    %dma_start3A_113 = arith.constant 0 : i32
    %dma_start3A_114 = tpu.memref_slice %arg2[%dma_start3A_112, %dma_start3A_113] : memref<10000x64xf32, #tpu.memory_space<hbm>> -> memref<10000x64xf32, #tpu.memory_space<hbm>>
    tpu.enqueue_indirect_dma source(%dma_start3A_114 : memref<10000x64xf32, #tpu.memory_space<hbm>>) target(%dma_start3A_108 : memref<80x64xf32, #tpu.memory_space<vmem>>) offsets(%dma_start3A_111 : memref<80xi32, #tpu.memory_space<vmem>>) semaphore(%arg10 : memref<!tpu.dma_semaphore, #tpu.memory_space<semaphore_mem>>)
    %dma_start3A_115 = arith.constant 2 : i32
    %dma_start3A_116 = arith.constant 2 : i32
    %dma_start3A_117 = arith.constant 0 : i32
    %dma_start3A_118 = arith.constant 0 : i32
    %dma_start3A_119 = tpu.memref_slice %arg7[%dma_start3A_116, %dma_start3A_117, %dma_start3A_118] : memref<10x80x64xf32, #tpu.memory_space<vmem>> -> memref<1x80x64xf32, #tpu.memory_space<vmem>>
    %dma_start3A_120 = tpu.memref_squeeze %dma_start3A_119 : memref<1x80x64xf32, #tpu.memory_space<vmem>> -> memref<80x64xf32, #tpu.memory_space<vmem>>
    %dma_start3A_121 = arith.constant 0 : i32
    %dma_start3A_122 = tpu.memref_slice %arg5[%dma_start3A_115, %dma_start3A_121] : memref<125x80xi32, #tpu.memory_space<vmem>> -> memref<1x80xi32, #tpu.memory_space<vmem>>
    %dma_start3A_123 = tpu.memref_squeeze %dma_start3A_122 : memref<1x80xi32, #tpu.memory_space<vmem>> -> memref<80xi32, #tpu.memory_space<vmem>>
    %dma_start3A_124 = arith.constant 0 : i32
    %dma_start3A_125 = arith.constant 0 : i32
    %dma_start3A_126 = tpu.memref_slice %arg2[%dma_start3A_124, %dma_start3A_125] : memref<10000x64xf32, #tpu.memory_space<hbm>> -> memref<10000x64xf32, #tpu.memory_space<hbm>>
    tpu.enqueue_indirect_dma source(%dma_start3A_126 : memref<10000x64xf32, #tpu.memory_space<hbm>>) target(%dma_start3A_120 : memref<80x64xf32, #tpu.memory_space<vmem>>) offsets(%dma_start3A_123 : memref<80xi32, #tpu.memory_space<vmem>>) semaphore(%arg10 : memref<!tpu.dma_semaphore, #tpu.memory_space<semaphore_mem>>)
    %dma_start3A_127 = arith.constant 3 : i32
    %dma_start3A_128 = arith.constant 3 : i32
    %dma_start3A_129 = arith.constant 0 : i32
    %dma_start3A_130 = arith.constant 0 : i32
    %dma_start3A_131 = tpu.memref_slice %arg7[%dma_start3A_128, %dma_start3A_129, %dma_start3A_130] : memref<10x80x64xf32, #tpu.memory_space<vmem>> -> memref<1x80x64xf32, #tpu.memory_space<vmem>>
    %dma_start3A_132 = tpu.memref_squeeze %dma_start3A_131 : memref<1x80x64xf32, #tpu.memory_space<vmem>> -> memref<80x64xf32, #tpu.memory_space<vmem>>
    %dma_start3A_133 = arith.constant 0 : i32
    %dma_start3A_134 = tpu.memref_slice %arg5[%dma_start3A_127, %dma_start3A_133] : memref<125x80xi32, #tpu.memory_space<vmem>> -> memref<1x80xi32, #tpu.memory_space<vmem>>
    %dma_start3A_135 = tpu.memref_squeeze %dma_start3A_134 : memref<1x80xi32, #tpu.memory_space<vmem>> -> memref<80xi32, #tpu.memory_space<vmem>>
    %dma_start3A_136 = arith.constant 0 : i32
    %dma_start3A_137 = arith.constant 0 : i32
    %dma_start3A_138 = tpu.memref_slice %arg2[%dma_start3A_136, %dma_start3A_137] : memref<10000x64xf32, #tpu.memory_space<hbm>> -> memref<10000x64xf32, #tpu.memory_space<hbm>>
    tpu.enqueue_indirect_dma source(%dma_start3A_138 : memref<10000x64xf32, #tpu.memory_space<hbm>>) target(%dma_start3A_132 : memref<80x64xf32, #tpu.memory_space<vmem>>) offsets(%dma_start3A_135 : memref<80xi32, #tpu.memory_space<vmem>>) semaphore(%arg10 : memref<!tpu.dma_semaphore, #tpu.memory_space<semaphore_mem>>)
    %dma_start3A_139 = arith.constant 4 : i32
    %dma_start3A_140 = arith.constant 4 : i32
    %dma_start3A_141 = arith.constant 0 : i32
    %dma_start3A_142 = arith.constant 0 : i32
    %dma_start3A_143 = tpu.memref_slice %arg7[%dma_start3A_140, %dma_start3A_141, %dma_start3A_142] : memref<10x80x64xf32, #tpu.memory_space<vmem>> -> memref<1x80x64xf32, #tpu.memory_space<vmem>>
    %dma_start3A_144 = tpu.memref_squeeze %dma_start3A_143 : memref<1x80x64xf32, #tpu.memory_space<vmem>> -> memref<80x64xf32, #tpu.memory_space<vmem>>
    %dma_start3A_145 = arith.constant 0 : i32
    %dma_start3A_146 = tpu.memref_slice %arg5[%dma_start3A_139, %dma_start3A_145] : memref<125x80xi32, #tpu.memory_space<vmem>> -> memref<1x80xi32, #tpu.memory_space<vmem>>
    %dma_start3A_147 = tpu.memref_squeeze %dma_start3A_146 : memref<1x80xi32, #tpu.memory_space<vmem>> -> memref<80xi32, #tpu.memory_space<vmem>>
    %dma_start3A_148 = arith.constant 0 : i32
    %dma_start3A_149 = arith.constant 0 : i32
    %dma_start3A_150 = tpu.memref_slice %arg2[%dma_start3A_148, %dma_start3A_149] : memref<10000x64xf32, #tpu.memory_space<hbm>> -> memref<10000x64xf32, #tpu.memory_space<hbm>>
    tpu.enqueue_indirect_dma source(%dma_start3A_150 : memref<10000x64xf32, #tpu.memory_space<hbm>>) target(%dma_start3A_144 : memref<80x64xf32, #tpu.memory_space<vmem>>) offsets(%dma_start3A_147 : memref<80xi32, #tpu.memory_space<vmem>>) semaphore(%arg10 : memref<!tpu.dma_semaphore, #tpu.memory_space<semaphore_mem>>)
    %dma_start3A_151 = arith.constant 5 : i32
    %dma_start3A_152 = arith.constant 5 : i32
    %dma_start3A_153 = arith.constant 0 : i32
    %dma_start3A_154 = arith.constant 0 : i32
    %dma_start3A_155 = tpu.memref_slice %arg7[%dma_start3A_152, %dma_start3A_153, %dma_start3A_154] : memref<10x80x64xf32, #tpu.memory_space<vmem>> -> memref<1x80x64xf32, #tpu.memory_space<vmem>>
    %dma_start3A_156 = tpu.memref_squeeze %dma_start3A_155 : memref<1x80x64xf32, #tpu.memory_space<vmem>> -> memref<80x64xf32, #tpu.memory_space<vmem>>
    %dma_start3A_157 = arith.constant 0 : i32
    %dma_start3A_158 = tpu.memref_slice %arg5[%dma_start3A_151, %dma_start3A_157] : memref<125x80xi32, #tpu.memory_space<vmem>> -> memref<1x80xi32, #tpu.memory_space<vmem>>
    %dma_start3A_159 = tpu.memref_squeeze %dma_start3A_158 : memref<1x80xi32, #tpu.memory_space<vmem>> -> memref<80xi32, #tpu.memory_space<vmem>>
    %dma_start3A_160 = arith.constant 0 : i32
    %dma_start3A_161 = arith.constant 0 : i32
    %dma_start3A_162 = tpu.memref_slice %arg2[%dma_start3A_160, %dma_start3A_161] : memref<10000x64xf32, #tpu.memory_space<hbm>> -> memref<10000x64xf32, #tpu.memory_space<hbm>>
    tpu.enqueue_indirect_dma source(%dma_start3A_162 : memref<10000x64xf32, #tpu.memory_space<hbm>>) target(%dma_start3A_156 : memref<80x64xf32, #tpu.memory_space<vmem>>) offsets(%dma_start3A_159 : memref<80xi32, #tpu.memory_space<vmem>>) semaphore(%arg10 : memref<!tpu.dma_semaphore, #tpu.memory_space<semaphore_mem>>)
    %dma_start3A_163 = arith.constant 6 : i32
    %dma_start3A_164 = arith.constant 6 : i32
    %dma_start3A_165 = arith.constant 0 : i32
    %dma_start3A_166 = arith.constant 0 : i32
    %dma_start3A_167 = tpu.memref_slice %arg7[%dma_start3A_164, %dma_start3A_165, %dma_start3A_166] : memref<10x80x64xf32, #tpu.memory_space<vmem>> -> memref<1x80x64xf32, #tpu.memory_space<vmem>>
    %dma_start3A_168 = tpu.memref_squeeze %dma_start3A_167 : memref<1x80x64xf32, #tpu.memory_space<vmem>> -> memref<80x64xf32, #tpu.memory_space<vmem>>
    %dma_start3A_169 = arith.constant 0 : i32
    %dma_start3A_170 = tpu.memref_slice %arg5[%dma_start3A_163, %dma_start3A_169] : memref<125x80xi32, #tpu.memory_space<vmem>> -> memref<1x80xi32, #tpu.memory_space<vmem>>
    %dma_start3A_171 = tpu.memref_squeeze %dma_start3A_170 : memref<1x80xi32, #tpu.memory_space<vmem>> -> memref<80xi32, #tpu.memory_space<vmem>>
    %dma_start3A_172 = arith.constant 0 : i32
    %dma_start3A_173 = arith.constant 0 : i32
    %dma_start3A_174 = tpu.memref_slice %arg2[%dma_start3A_172, %dma_start3A_173] : memref<10000x64xf32, #tpu.memory_space<hbm>> -> memref<10000x64xf32, #tpu.memory_space<hbm>>
    tpu.enqueue_indirect_dma source(%dma_start3A_174 : memref<10000x64xf32, #tpu.memory_space<hbm>>) target(%dma_start3A_168 : memref<80x64xf32, #tpu.memory_space<vmem>>) offsets(%dma_start3A_171 : memref<80xi32, #tpu.memory_space<vmem>>) semaphore(%arg10 : memref<!tpu.dma_semaphore, #tpu.memory_space<semaphore_mem>>)
    %dma_start3A_175 = arith.constant 7 : i32
    %dma_start3A_176 = arith.constant 7 : i32
    %dma_start3A_177 = arith.constant 0 : i32
    %dma_start3A_178 = arith.constant 0 : i32
    %dma_start3A_179 = tpu.memref_slice %arg7[%dma_start3A_176, %dma_start3A_177, %dma_start3A_178] : memref<10x80x64xf32, #tpu.memory_space<vmem>> -> memref<1x80x64xf32, #tpu.memory_space<vmem>>
    %dma_start3A_180 = tpu.memref_squeeze %dma_start3A_179 : memref<1x80x64xf32, #tpu.memory_space<vmem>> -> memref<80x64xf32, #tpu.memory_space<vmem>>
    %dma_start3A_181 = arith.constant 0 : i32
    %dma_start3A_182 = tpu.memref_slice %arg5[%dma_start3A_175, %dma_start3A_181] : memref<125x80xi32, #tpu.memory_space<vmem>> -> memref<1x80xi32, #tpu.memory_space<vmem>>
    %dma_start3A_183 = tpu.memref_squeeze %dma_start3A_182 : memref<1x80xi32, #tpu.memory_space<vmem>> -> memref<80xi32, #tpu.memory_space<vmem>>
    %dma_start3A_184 = arith.constant 0 : i32
    %dma_start3A_185 = arith.constant 0 : i32
    %dma_start3A_186 = tpu.memref_slice %arg2[%dma_start3A_184, %dma_start3A_185] : memref<10000x64xf32, #tpu.memory_space<hbm>> -> memref<10000x64xf32, #tpu.memory_space<hbm>>
    tpu.enqueue_indirect_dma source(%dma_start3A_186 : memref<10000x64xf32, #tpu.memory_space<hbm>>) target(%dma_start3A_180 : memref<80x64xf32, #tpu.memory_space<vmem>>) offsets(%dma_start3A_183 : memref<80xi32, #tpu.memory_space<vmem>>) semaphore(%arg10 : memref<!tpu.dma_semaphore, #tpu.memory_space<semaphore_mem>>)
    %scan3A_187 = arith.constant 0 : i32
    %scan3A_188 = arith.constant 0 : i32
    %scan3A_189 = arith.constant 125 : i32
    %scan3A_190 = arith.addi %scan3A_188, %scan3A_189 : i32
    %scan3A_191 = arith.constant 1 : i32
    scf.for %scan3A_221 = %scan3A_188 to %scan3A_190 step %scan3A_191  : i32 {
      %ge3A = arith.constant 2 : i32
      %ge3A_222 = arith.cmpi sge, %scan3A_221, %ge3A : i32
      %convert_element_type3A = arith.extui %ge3A_222 : i1 to i32
      %cond3A = arith.constant 0 : i32
      %cond3A_223 = arith.cmpi ne, %convert_element_type3A, %cond3A : i32
      scf.if %cond3A_223 {
        %sub3A = arith.constant 2 : i32
        %sub3A_251 = arith.subi %scan3A_221, %sub3A : i32
        %rem3A_252 = arith.constant 10 : i32
        %rem3A_253 = arith.remsi %sub3A_251, %rem3A_252 : i32
        %sub3A_254 = arith.constant 2 : i32
        %sub3A_255 = arith.subi %scan3A_221, %sub3A_254 : i32
        %dma_wait3A_256 = arith.constant 0 : i32
        %dma_wait3A_257 = arith.constant 0 : i32
        %dma_wait3A_258 = tpu.memref_slice %arg7[%rem3A_253, %dma_wait3A_256, %dma_wait3A_257] : memref<10x80x64xf32, #tpu.memory_space<vmem>> -> memref<1x80x64xf32, #tpu.memory_space<vmem>>
        %dma_wait3A_259 = tpu.memref_squeeze %dma_wait3A_258 : memref<1x80x64xf32, #tpu.memory_space<vmem>> -> memref<80x64xf32, #tpu.memory_space<vmem>>
        %dma_wait3A_260 = arith.constant 0 : i32
        %dma_wait3A_261 = tpu.memref_slice %arg6[%sub3A_255, %dma_wait3A_260] : memref<125x80xi32, #tpu.memory_space<vmem>> -> memref<1x80xi32, #tpu.memory_space<vmem>>
        %dma_wait3A_262 = tpu.memref_squeeze %dma_wait3A_261 : memref<1x80xi32, #tpu.memory_space<vmem>> -> memref<80xi32, #tpu.memory_space<vmem>>
        %dma_wait3A_263 = arith.constant 0 : i32
        %dma_wait3A_264 = arith.constant 0 : i32
        %dma_wait3A_265 = tpu.memref_slice %arg9[%dma_wait3A_263, %dma_wait3A_264] : memref<10240x64xf32, #tpu.memory_space<vmem_shared>> -> memref<10240x64xf32, #tpu.memory_space<vmem_shared>>
        tpu.wait_indirect_dma semaphore(%arg11 : memref<!tpu.dma_semaphore, #tpu.memory_space<semaphore_mem>>) src(%dma_wait3A_259 : memref<80x64xf32, #tpu.memory_space<vmem>>) dst(%dma_wait3A_265 : memref<10240x64xf32, #tpu.memory_space<vmem_shared>>)
      } else {
      }
      %add3A_224 = arith.constant 8 : i32
      %add3A_225 = arith.addi %scan3A_221, %add3A_224 : i32
      %lt3A = arith.constant 125 : i32
      %lt3A_226 = arith.cmpi slt, %add3A_225, %lt3A : i32
      %convert_element_type3A_227 = arith.extui %lt3A_226 : i1 to i32
      %cond3A_228 = arith.constant 0 : i32
      %cond3A_229 = arith.cmpi ne, %convert_element_type3A_227, %cond3A_228 : i32
      scf.if %cond3A_229 {
        %add3A_251 = arith.constant 8 : i32
        %add3A_252 = arith.addi %scan3A_221, %add3A_251 : i32
        %add3A_253 = arith.constant 8 : i32
        %add3A_254 = arith.addi %scan3A_221, %add3A_253 : i32
        %rem3A_255 = arith.constant 10 : i32
        %rem3A_256 = arith.remsi %add3A_254, %rem3A_255 : i32
        %dma_start3A_257 = arith.constant 0 : i32
        %dma_start3A_258 = arith.constant 0 : i32
        %dma_start3A_259 = tpu.memref_slice %arg7[%rem3A_256, %dma_start3A_257, %dma_start3A_258] : memref<10x80x64xf32, #tpu.memory_space<vmem>> -> memref<1x80x64xf32, #tpu.memory_space<vmem>>
        %dma_start3A_260 = tpu.memref_squeeze %dma_start3A_259 : memref<1x80x64xf32, #tpu.memory_space<vmem>> -> memref<80x64xf32, #tpu.memory_space<vmem>>
        %dma_start3A_261 = arith.constant 0 : i32
        %dma_start3A_262 = tpu.memref_slice %arg5[%add3A_252, %dma_start3A_261] : memref<125x80xi32, #tpu.memory_space<vmem>> -> memref<1x80xi32, #tpu.memory_space<vmem>>
        %dma_start3A_263 = tpu.memref_squeeze %dma_start3A_262 : memref<1x80xi32, #tpu.memory_space<vmem>> -> memref<80xi32, #tpu.memory_space<vmem>>
        %dma_start3A_264 = arith.constant 0 : i32
        %dma_start3A_265 = arith.constant 0 : i32
        %dma_start3A_266 = tpu.memref_slice %arg2[%dma_start3A_264, %dma_start3A_265] : memref<10000x64xf32, #tpu.memory_space<hbm>> -> memref<10000x64xf32, #tpu.memory_space<hbm>>
        tpu.enqueue_indirect_dma source(%dma_start3A_266 : memref<10000x64xf32, #tpu.memory_space<hbm>>) target(%dma_start3A_260 : memref<80x64xf32, #tpu.memory_space<vmem>>) offsets(%dma_start3A_263 : memref<80xi32, #tpu.memory_space<vmem>>) semaphore(%arg10 : memref<!tpu.dma_semaphore, #tpu.memory_space<semaphore_mem>>)
      } else {
      }
      %rem3A = arith.constant 10 : i32
      %rem3A_230 = arith.remsi %scan3A_221, %rem3A : i32
      %dma_wait3A_231 = arith.constant 0 : i32
      %dma_wait3A_232 = arith.constant 0 : i32
      %dma_wait3A_233 = tpu.memref_slice %arg7[%rem3A_230, %dma_wait3A_231, %dma_wait3A_232] : memref<10x80x64xf32, #tpu.memory_space<vmem>> -> memref<1x80x64xf32, #tpu.memory_space<vmem>>
      %dma_wait3A_234 = tpu.memref_squeeze %dma_wait3A_233 : memref<1x80x64xf32, #tpu.memory_space<vmem>> -> memref<80x64xf32, #tpu.memory_space<vmem>>
      %dma_wait3A_235 = arith.constant 0 : i32
      %dma_wait3A_236 = tpu.memref_slice %arg5[%scan3A_221, %dma_wait3A_235] : memref<125x80xi32, #tpu.memory_space<vmem>> -> memref<1x80xi32, #tpu.memory_space<vmem>>
      %dma_wait3A_237 = tpu.memref_squeeze %dma_wait3A_236 : memref<1x80xi32, #tpu.memory_space<vmem>> -> memref<80xi32, #tpu.memory_space<vmem>>
      %dma_wait3A_238 = arith.constant 0 : i32
      %dma_wait3A_239 = arith.constant 0 : i32
      %dma_wait3A_240 = tpu.memref_slice %arg2[%dma_wait3A_238, %dma_wait3A_239] : memref<10000x64xf32, #tpu.memory_space<hbm>> -> memref<10000x64xf32, #tpu.memory_space<hbm>>
      tpu.wait_indirect_dma semaphore(%arg10 : memref<!tpu.dma_semaphore, #tpu.memory_space<semaphore_mem>>) src(%dma_wait3A_240 : memref<10000x64xf32, #tpu.memory_space<hbm>>) dst(%dma_wait3A_234 : memref<80x64xf32, #tpu.memory_space<vmem>>)
      %dma_start3A_241 = arith.constant 0 : i32
      %dma_start3A_242 = arith.constant 0 : i32
      %dma_start3A_243 = tpu.memref_slice %arg7[%rem3A_230, %dma_start3A_241, %dma_start3A_242] : memref<10x80x64xf32, #tpu.memory_space<vmem>> -> memref<1x80x64xf32, #tpu.memory_space<vmem>>
      %dma_start3A_244 = tpu.memref_squeeze %dma_start3A_243 : memref<1x80x64xf32, #tpu.memory_space<vmem>> -> memref<80x64xf32, #tpu.memory_space<vmem>>
      %dma_start3A_245 = arith.constant 0 : i32
      %dma_start3A_246 = tpu.memref_slice %arg6[%scan3A_221, %dma_start3A_245] : memref<125x80xi32, #tpu.memory_space<vmem>> -> memref<1x80xi32, #tpu.memory_space<vmem>>
      %dma_start3A_247 = tpu.memref_squeeze %dma_start3A_246 : memref<1x80xi32, #tpu.memory_space<vmem>> -> memref<80xi32, #tpu.memory_space<vmem>>
      %dma_start3A_248 = arith.constant 0 : i32
      %dma_start3A_249 = arith.constant 0 : i32
      %dma_start3A_250 = tpu.memref_slice %arg9[%dma_start3A_248, %dma_start3A_249] : memref<10240x64xf32, #tpu.memory_space<vmem_shared>> -> memref<10240x64xf32, #tpu.memory_space<vmem_shared>>
      tpu.enqueue_indirect_dma source(%dma_start3A_244 : memref<80x64xf32, #tpu.memory_space<vmem>>) target(%dma_start3A_250 : memref<10240x64xf32, #tpu.memory_space<vmem_shared>>) offsets(%dma_start3A_247 : memref<80xi32, #tpu.memory_space<vmem>>) semaphore(%arg11 : memref<!tpu.dma_semaphore, #tpu.memory_space<semaphore_mem>>) {add = true}
    }
    %scan3A_192 = arith.constant 125 : i32
    %dma_wait3A = arith.constant 3 : i32
    %dma_wait3A_193 = arith.constant 123 : i32
    %dma_wait3A_194 = arith.constant 0 : i32
    %dma_wait3A_195 = arith.constant 0 : i32
    %dma_wait3A_196 = tpu.memref_slice %arg7[%dma_wait3A, %dma_wait3A_194, %dma_wait3A_195] : memref<10x80x64xf32, #tpu.memory_space<vmem>> -> memref<1x80x64xf32, #tpu.memory_space<vmem>>
    %dma_wait3A_197 = tpu.memref_squeeze %dma_wait3A_196 : memref<1x80x64xf32, #tpu.memory_space<vmem>> -> memref<80x64xf32, #tpu.memory_space<vmem>>
    %dma_wait3A_198 = arith.constant 0 : i32
    %dma_wait3A_199 = tpu.memref_slice %arg6[%dma_wait3A_193, %dma_wait3A_198] : memref<125x80xi32, #tpu.memory_space<vmem>> -> memref<1x80xi32, #tpu.memory_space<vmem>>
    %dma_wait3A_200 = tpu.memref_squeeze %dma_wait3A_199 : memref<1x80xi32, #tpu.memory_space<vmem>> -> memref<80xi32, #tpu.memory_space<vmem>>
    %dma_wait3A_201 = arith.constant 0 : i32
    %dma_wait3A_202 = arith.constant 0 : i32
    %dma_wait3A_203 = tpu.memref_slice %arg9[%dma_wait3A_201, %dma_wait3A_202] : memref<10240x64xf32, #tpu.memory_space<vmem_shared>> -> memref<10240x64xf32, #tpu.memory_space<vmem_shared>>
    tpu.wait_indirect_dma semaphore(%arg11 : memref<!tpu.dma_semaphore, #tpu.memory_space<semaphore_mem>>) src(%dma_wait3A_197 : memref<80x64xf32, #tpu.memory_space<vmem>>) dst(%dma_wait3A_203 : memref<10240x64xf32, #tpu.memory_space<vmem_shared>>)
    %dma_wait3A_204 = arith.constant 4 : i32
    %dma_wait3A_205 = arith.constant 124 : i32
    %dma_wait3A_206 = arith.constant 0 : i32
    %dma_wait3A_207 = arith.constant 0 : i32
    %dma_wait3A_208 = tpu.memref_slice %arg7[%dma_wait3A_204, %dma_wait3A_206, %dma_wait3A_207] : memref<10x80x64xf32, #tpu.memory_space<vmem>> -> memref<1x80x64xf32, #tpu.memory_space<vmem>>
    %dma_wait3A_209 = tpu.memref_squeeze %dma_wait3A_208 : memref<1x80x64xf32, #tpu.memory_space<vmem>> -> memref<80x64xf32, #tpu.memory_space<vmem>>
    %dma_wait3A_210 = arith.constant 0 : i32
    %dma_wait3A_211 = tpu.memref_slice %arg6[%dma_wait3A_205, %dma_wait3A_210] : memref<125x80xi32, #tpu.memory_space<vmem>> -> memref<1x80xi32, #tpu.memory_space<vmem>>
    %dma_wait3A_212 = tpu.memref_squeeze %dma_wait3A_211 : memref<1x80xi32, #tpu.memory_space<vmem>> -> memref<80xi32, #tpu.memory_space<vmem>>
    %dma_wait3A_213 = arith.constant 0 : i32
    %dma_wait3A_214 = arith.constant 0 : i32
    %dma_wait3A_215 = tpu.memref_slice %arg9[%dma_wait3A_213, %dma_wait3A_214] : memref<10240x64xf32, #tpu.memory_space<vmem_shared>> -> memref<10240x64xf32, #tpu.memory_space<vmem_shared>>
    tpu.wait_indirect_dma semaphore(%arg11 : memref<!tpu.dma_semaphore, #tpu.memory_space<semaphore_mem>>) src(%dma_wait3A_209 : memref<80x64xf32, #tpu.memory_space<vmem>>) dst(%dma_wait3A_215 : memref<10240x64xf32, #tpu.memory_space<vmem_shared>>)
    %barrier3A_216 = arith.constant 0 : index
    tpu.barrier barrier_id(%barrier3A_216)
    %mul3A_217 = arith.constant 640 : i32
    %mul3A_218 = arith.muli %arg1, %mul3A_217 : i32
    %mul3A_219 = arith.constant 640 : i32
    %mul3A_220 = arith.muli %arg1, %mul3A_219 : i32
    "tpu.region"() ({
      %run_scoped3A_221 = tpu.sem_alloc : memref<!tpu.dma_semaphore, #tpu.memory_space<semaphore_mem>>
      %dma_start3A_222 = arith.constant 0 : i32
      %dma_start3A_223 = tpu.memref_slice %arg4[%arg0, %mul3A_220, %dma_start3A_222] : memref<2x10240x64xf32, #tpu.memory_space<hbm>> -> memref<1x640x64xf32, #tpu.memory_space<hbm>>
      %dma_start3A_224 = tpu.memref_squeeze %dma_start3A_223 : memref<1x640x64xf32, #tpu.memory_space<hbm>> -> memref<640x64xf32, #tpu.memory_space<hbm>>
      %dma_start3A_225 = arith.constant 0 : i32
      %dma_start3A_226 = tpu.memref_slice %arg9[%mul3A_218, %dma_start3A_225] : memref<10240x64xf32, #tpu.memory_space<vmem_shared>> -> memref<640x64xf32, #tpu.memory_space<vmem_shared>>
      tpu.enqueue_dma source(%dma_start3A_226 : memref<640x64xf32, #tpu.memory_space<vmem_shared>>) target(%dma_start3A_224 : memref<640x64xf32, #tpu.memory_space<hbm>>) target_semaphore(%run_scoped3A_221 : memref<!tpu.dma_semaphore, #tpu.memory_space<semaphore_mem>>)
      %dma_wait3A_227 = arith.constant 0 : i32
      %dma_wait3A_228 = tpu.memref_slice %arg4[%arg0, %mul3A_220, %dma_wait3A_227] : memref<2x10240x64xf32, #tpu.memory_space<hbm>> -> memref<1x640x64xf32, #tpu.memory_space<hbm>>
      %dma_wait3A_229 = tpu.memref_squeeze %dma_wait3A_228 : memref<1x640x64xf32, #tpu.memory_space<hbm>> -> memref<640x64xf32, #tpu.memory_space<hbm>>
      %dma_wait3A_230 = arith.constant 0 : i32
      %dma_wait3A_231 = tpu.memref_slice %arg9[%mul3A_218, %dma_wait3A_230] : memref<10240x64xf32, #tpu.memory_space<vmem_shared>> -> memref<640x64xf32, #tpu.memory_space<vmem_shared>>
      tpu.wait_dma2 semaphore(%run_scoped3A_221 : memref<!tpu.dma_semaphore, #tpu.memory_space<semaphore_mem>>) src(%dma_wait3A_231 : memref<640x64xf32, #tpu.memory_space<vmem_shared>>) dst(%dma_wait3A_229 : memref<640x64xf32, #tpu.memory_space<hbm>>)
      tpu.yield
    }) : () -> ()
    return
  }
}

#map = affine_map<(d0, d1) -> (0, 0)>
#map1 = affine_map<(d0, d1) -> (0, 0, 0)>
module attributes {stable_mosaic.version = 14 : i64} {
  func.func @scatter_pass(%arg0: i32, %arg1: i32, %arg2: memref<10000x16xf32, #tpu.memory_space<hbm>>, %arg3: memref<2x4000x80xi32, #tpu.memory_space<hbm>>, %arg4: memref<2x10240x16xf32, #tpu.memory_space<hbm>>, %arg5: memref<125x80xi32, #tpu.memory_space<vmem>>, %arg6: memref<125x80xi32, #tpu.memory_space<vmem>>, %arg7: memref<12x80x16xf32, #tpu.memory_space<vmem>>, %arg8: memref<32x16xf32, #tpu.memory_space<vmem>>, %arg9: memref<10240x16xf32, #tpu.memory_space<vmem_shared>>, %arg10: memref<!tpu.dma_semaphore, #tpu.memory_space<semaphore_mem>>, %arg11: memref<!tpu.dma_semaphore, #tpu.memory_space<semaphore_mem>>) attributes {dimension_semantics = [#tpu.dimension_semantics<core_parallel>, #tpu.dimension_semantics<subcore_parallel>], iteration_bounds = array<i64: 2, 16>, scalar_prefetch = 0 : i64, scratch_operands = 7 : i64, tpu.core_type = #tpu.core_type<sc_vector_subcore>, window_params = [{transform_indices = #map}, {transform_indices = #map1}, {transform_indices = #map1}]} {
    %mul3A = arith.constant 2 : i32
    %mul3A_0 = arith.muli %arg1, %mul3A : i32
    %add3A = arith.addi %mul3A_0, %arg0 : i32
    %mul3A_1 = arith.constant 125 : i32
    %mul3A_2 = arith.muli %add3A, %mul3A_1 : i32
    %run_scoped3A = arith.constant 0 : i32
    "tpu.region"() ({
      %run_scoped3A_245 = tpu.sem_alloc : memref<!tpu.dma_semaphore, #tpu.memory_space<semaphore_mem>>
      %dma_start3A_246 = arith.constant 0 : i32
      %dma_start3A_247 = tpu.memref_slice %arg3[%run_scoped3A, %mul3A_2, %dma_start3A_246] : memref<2x4000x80xi32, #tpu.memory_space<hbm>> -> memref<1x125x80xi32, #tpu.memory_space<hbm>>
      %dma_start3A_248 = tpu.memref_squeeze %dma_start3A_247 : memref<1x125x80xi32, #tpu.memory_space<hbm>> -> memref<125x80xi32, #tpu.memory_space<hbm>>
      %dma_start3A_249 = arith.constant 0 : i32
      %dma_start3A_250 = tpu.memref_slice %arg3[%run_scoped3A, %mul3A_2, %dma_start3A_249] : memref<2x4000x80xi32, #tpu.memory_space<hbm>> -> memref<1x125x80xi32, #tpu.memory_space<hbm>>
      %dma_start3A_251 = tpu.memref_squeeze %dma_start3A_250 : memref<1x125x80xi32, #tpu.memory_space<hbm>> -> memref<125x80xi32, #tpu.memory_space<hbm>>
      tpu.enqueue_dma source(%dma_start3A_251 : memref<125x80xi32, #tpu.memory_space<hbm>>) target(%arg5 : memref<125x80xi32, #tpu.memory_space<vmem>>) target_semaphore(%run_scoped3A_245 : memref<!tpu.dma_semaphore, #tpu.memory_space<semaphore_mem>>)
      %dma_wait3A_252 = arith.constant 0 : i32
      %dma_wait3A_253 = tpu.memref_slice %arg3[%run_scoped3A, %mul3A_2, %dma_wait3A_252] : memref<2x4000x80xi32, #tpu.memory_space<hbm>> -> memref<1x125x80xi32, #tpu.memory_space<hbm>>
      %dma_wait3A_254 = tpu.memref_squeeze %dma_wait3A_253 : memref<1x125x80xi32, #tpu.memory_space<hbm>> -> memref<125x80xi32, #tpu.memory_space<hbm>>
      %dma_wait3A_255 = arith.constant 0 : i32
      %dma_wait3A_256 = tpu.memref_slice %arg3[%run_scoped3A, %mul3A_2, %dma_wait3A_255] : memref<2x4000x80xi32, #tpu.memory_space<hbm>> -> memref<1x125x80xi32, #tpu.memory_space<hbm>>
      %dma_wait3A_257 = tpu.memref_squeeze %dma_wait3A_256 : memref<1x125x80xi32, #tpu.memory_space<hbm>> -> memref<125x80xi32, #tpu.memory_space<hbm>>
      tpu.wait_dma2 semaphore(%run_scoped3A_245 : memref<!tpu.dma_semaphore, #tpu.memory_space<semaphore_mem>>) src(%dma_wait3A_257 : memref<125x80xi32, #tpu.memory_space<hbm>>) dst(%arg5 : memref<125x80xi32, #tpu.memory_space<vmem>>)
      tpu.yield
    }) : () -> ()
    %mul3A_3 = arith.constant 125 : i32
    %mul3A_4 = arith.muli %add3A, %mul3A_3 : i32
    %run_scoped3A_5 = arith.constant 1 : i32
    "tpu.region"() ({
      %run_scoped3A_245 = tpu.sem_alloc : memref<!tpu.dma_semaphore, #tpu.memory_space<semaphore_mem>>
      %dma_start3A_246 = arith.constant 0 : i32
      %dma_start3A_247 = tpu.memref_slice %arg3[%run_scoped3A_5, %mul3A_4, %dma_start3A_246] : memref<2x4000x80xi32, #tpu.memory_space<hbm>> -> memref<1x125x80xi32, #tpu.memory_space<hbm>>
      %dma_start3A_248 = tpu.memref_squeeze %dma_start3A_247 : memref<1x125x80xi32, #tpu.memory_space<hbm>> -> memref<125x80xi32, #tpu.memory_space<hbm>>
      %dma_start3A_249 = arith.constant 0 : i32
      %dma_start3A_250 = tpu.memref_slice %arg3[%run_scoped3A_5, %mul3A_4, %dma_start3A_249] : memref<2x4000x80xi32, #tpu.memory_space<hbm>> -> memref<1x125x80xi32, #tpu.memory_space<hbm>>
      %dma_start3A_251 = tpu.memref_squeeze %dma_start3A_250 : memref<1x125x80xi32, #tpu.memory_space<hbm>> -> memref<125x80xi32, #tpu.memory_space<hbm>>
      tpu.enqueue_dma source(%dma_start3A_251 : memref<125x80xi32, #tpu.memory_space<hbm>>) target(%arg6 : memref<125x80xi32, #tpu.memory_space<vmem>>) target_semaphore(%run_scoped3A_245 : memref<!tpu.dma_semaphore, #tpu.memory_space<semaphore_mem>>)
      %dma_wait3A_252 = arith.constant 0 : i32
      %dma_wait3A_253 = tpu.memref_slice %arg3[%run_scoped3A_5, %mul3A_4, %dma_wait3A_252] : memref<2x4000x80xi32, #tpu.memory_space<hbm>> -> memref<1x125x80xi32, #tpu.memory_space<hbm>>
      %dma_wait3A_254 = tpu.memref_squeeze %dma_wait3A_253 : memref<1x125x80xi32, #tpu.memory_space<hbm>> -> memref<125x80xi32, #tpu.memory_space<hbm>>
      %dma_wait3A_255 = arith.constant 0 : i32
      %dma_wait3A_256 = tpu.memref_slice %arg3[%run_scoped3A_5, %mul3A_4, %dma_wait3A_255] : memref<2x4000x80xi32, #tpu.memory_space<hbm>> -> memref<1x125x80xi32, #tpu.memory_space<hbm>>
      %dma_wait3A_257 = tpu.memref_squeeze %dma_wait3A_256 : memref<1x125x80xi32, #tpu.memory_space<hbm>> -> memref<125x80xi32, #tpu.memory_space<hbm>>
      tpu.wait_dma2 semaphore(%run_scoped3A_245 : memref<!tpu.dma_semaphore, #tpu.memory_space<semaphore_mem>>) src(%dma_wait3A_257 : memref<125x80xi32, #tpu.memory_space<hbm>>) dst(%arg6 : memref<125x80xi32, #tpu.memory_space<vmem>>)
      tpu.yield
    }) : () -> ()
    %broadcast_in_dim3A = arith.constant 0.000000e+00 : f32
    %broadcast_in_dim3A_6 = vector.broadcast %broadcast_in_dim3A : f32 to vector<16xf32>
    %scan3A = arith.constant 0 : i32
    %scan3A_7 = arith.constant 0 : i32
    %scan3A_8 = arith.constant 32 : i32
    %scan3A_9 = arith.addi %scan3A_7, %scan3A_8 : i32
    %scan3A_10 = arith.constant 1 : i32
    scf.for %scan3A_245 = %scan3A_7 to %scan3A_9 step %scan3A_10  : i32 {
      %swap3A = arith.index_cast %scan3A_245 : i32 to index
      %swap3A_246 = arith.constant 0 : index
      %swap3A_247 = tpu.vector_load %arg8[%swap3A, %swap3A_246] {strides = array<i32>} : memref<32x16xf32, #tpu.memory_space<vmem>>, vector<1x16xf32>,
      %swap3A_248 = vector.shape_cast %swap3A_247 : vector<1x16xf32> to vector<16xf32>
      %swap3A_249 = vector.shape_cast %broadcast_in_dim3A_6 : vector<16xf32> to vector<1x16xf32>
      tpu.vector_store %arg8[%swap3A, %swap3A_246], %swap3A_249 {strides = array<i32>} : memref<32x16xf32, #tpu.memory_space<vmem>>, vector<1x16xf32>,
    }
    %scan3A_11 = arith.constant 32 : i32
    %mul3A_12 = arith.constant 640 : i32
    %mul3A_13 = arith.muli %arg1, %mul3A_12 : i32
    %add3A_14 = arith.constant 0 : i32
    %add3A_15 = arith.addi %mul3A_13, %add3A_14 : i32
    "tpu.region"() ({
      %run_scoped3A_245 = tpu.sem_alloc : memref<!tpu.dma_semaphore, #tpu.memory_space<semaphore_mem>>
      %dma_start3A_246 = arith.constant 0 : i32
      %dma_start3A_247 = tpu.memref_slice %arg9[%add3A_15, %dma_start3A_246] : memref<10240x16xf32, #tpu.memory_space<vmem_shared>> -> memref<32x16xf32, #tpu.memory_space<vmem_shared>>
      %dma_start3A_248 = arith.constant 0 : i32
      %dma_start3A_249 = tpu.memref_slice %arg9[%add3A_15, %dma_start3A_248] : memref<10240x16xf32, #tpu.memory_space<vmem_shared>> -> memref<32x16xf32, #tpu.memory_space<vmem_shared>>
      tpu.enqueue_dma source(%arg8 : memref<32x16xf32, #tpu.memory_space<vmem>>) target(%dma_start3A_249 : memref<32x16xf32, #tpu.memory_space<vmem_shared>>) target_semaphore(%run_scoped3A_245 : memref<!tpu.dma_semaphore, #tpu.memory_space<semaphore_mem>>)
      %dma_wait3A_250 = arith.constant 0 : i32
      %dma_wait3A_251 = tpu.memref_slice %arg9[%add3A_15, %dma_wait3A_250] : memref<10240x16xf32, #tpu.memory_space<vmem_shared>> -> memref<32x16xf32, #tpu.memory_space<vmem_shared>>
      %dma_wait3A_252 = arith.constant 0 : i32
      %dma_wait3A_253 = tpu.memref_slice %arg9[%add3A_15, %dma_wait3A_252] : memref<10240x16xf32, #tpu.memory_space<vmem_shared>> -> memref<32x16xf32, #tpu.memory_space<vmem_shared>>
      tpu.wait_dma2 semaphore(%run_scoped3A_245 : memref<!tpu.dma_semaphore, #tpu.memory_space<semaphore_mem>>) src(%arg8 : memref<32x16xf32, #tpu.memory_space<vmem>>) dst(%dma_wait3A_253 : memref<32x16xf32, #tpu.memory_space<vmem_shared>>)
      tpu.yield
    }) : () -> ()
    %mul3A_16 = arith.constant 640 : i32
    %mul3A_17 = arith.muli %arg1, %mul3A_16 : i32
    %add3A_18 = arith.constant 32 : i32
    %add3A_19 = arith.addi %mul3A_17, %add3A_18 : i32
    "tpu.region"() ({
      %run_scoped3A_245 = tpu.sem_alloc : memref<!tpu.dma_semaphore, #tpu.memory_space<semaphore_mem>>
      %dma_start3A_246 = arith.constant 0 : i32
      %dma_start3A_247 = tpu.memref_slice %arg9[%add3A_19, %dma_start3A_246] : memref<10240x16xf32, #tpu.memory_space<vmem_shared>> -> memref<32x16xf32, #tpu.memory_space<vmem_shared>>
      %dma_start3A_248 = arith.constant 0 : i32
      %dma_start3A_249 = tpu.memref_slice %arg9[%add3A_19, %dma_start3A_248] : memref<10240x16xf32, #tpu.memory_space<vmem_shared>> -> memref<32x16xf32, #tpu.memory_space<vmem_shared>>
      tpu.enqueue_dma source(%arg8 : memref<32x16xf32, #tpu.memory_space<vmem>>) target(%dma_start3A_249 : memref<32x16xf32, #tpu.memory_space<vmem_shared>>) target_semaphore(%run_scoped3A_245 : memref<!tpu.dma_semaphore, #tpu.memory_space<semaphore_mem>>)
      %dma_wait3A_250 = arith.constant 0 : i32
      %dma_wait3A_251 = tpu.memref_slice %arg9[%add3A_19, %dma_wait3A_250] : memref<10240x16xf32, #tpu.memory_space<vmem_shared>> -> memref<32x16xf32, #tpu.memory_space<vmem_shared>>
      %dma_wait3A_252 = arith.constant 0 : i32
      %dma_wait3A_253 = tpu.memref_slice %arg9[%add3A_19, %dma_wait3A_252] : memref<10240x16xf32, #tpu.memory_space<vmem_shared>> -> memref<32x16xf32, #tpu.memory_space<vmem_shared>>
      tpu.wait_dma2 semaphore(%run_scoped3A_245 : memref<!tpu.dma_semaphore, #tpu.memory_space<semaphore_mem>>) src(%arg8 : memref<32x16xf32, #tpu.memory_space<vmem>>) dst(%dma_wait3A_253 : memref<32x16xf32, #tpu.memory_space<vmem_shared>>)
      tpu.yield
    }) : () -> ()
    %mul3A_20 = arith.constant 640 : i32
    %mul3A_21 = arith.muli %arg1, %mul3A_20 : i32
    %add3A_22 = arith.constant 64 : i32
    %add3A_23 = arith.addi %mul3A_21, %add3A_22 : i32
    "tpu.region"() ({
      %run_scoped3A_245 = tpu.sem_alloc : memref<!tpu.dma_semaphore, #tpu.memory_space<semaphore_mem>>
      %dma_start3A_246 = arith.constant 0 : i32
      %dma_start3A_247 = tpu.memref_slice %arg9[%add3A_23, %dma_start3A_246] : memref<10240x16xf32, #tpu.memory_space<vmem_shared>> -> memref<32x16xf32, #tpu.memory_space<vmem_shared>>
      %dma_start3A_248 = arith.constant 0 : i32
      %dma_start3A_249 = tpu.memref_slice %arg9[%add3A_23, %dma_start3A_248] : memref<10240x16xf32, #tpu.memory_space<vmem_shared>> -> memref<32x16xf32, #tpu.memory_space<vmem_shared>>
      tpu.enqueue_dma source(%arg8 : memref<32x16xf32, #tpu.memory_space<vmem>>) target(%dma_start3A_249 : memref<32x16xf32, #tpu.memory_space<vmem_shared>>) target_semaphore(%run_scoped3A_245 : memref<!tpu.dma_semaphore, #tpu.memory_space<semaphore_mem>>)
      %dma_wait3A_250 = arith.constant 0 : i32
      %dma_wait3A_251 = tpu.memref_slice %arg9[%add3A_23, %dma_wait3A_250] : memref<10240x16xf32, #tpu.memory_space<vmem_shared>> -> memref<32x16xf32, #tpu.memory_space<vmem_shared>>
      %dma_wait3A_252 = arith.constant 0 : i32
      %dma_wait3A_253 = tpu.memref_slice %arg9[%add3A_23, %dma_wait3A_252] : memref<10240x16xf32, #tpu.memory_space<vmem_shared>> -> memref<32x16xf32, #tpu.memory_space<vmem_shared>>
      tpu.wait_dma2 semaphore(%run_scoped3A_245 : memref<!tpu.dma_semaphore, #tpu.memory_space<semaphore_mem>>) src(%arg8 : memref<32x16xf32, #tpu.memory_space<vmem>>) dst(%dma_wait3A_253 : memref<32x16xf32, #tpu.memory_space<vmem_shared>>)
      tpu.yield
    }) : () -> ()
    %mul3A_24 = arith.constant 640 : i32
    %mul3A_25 = arith.muli %arg1, %mul3A_24 : i32
    %add3A_26 = arith.constant 96 : i32
    %add3A_27 = arith.addi %mul3A_25, %add3A_26 : i32
    "tpu.region"() ({
      %run_scoped3A_245 = tpu.sem_alloc : memref<!tpu.dma_semaphore, #tpu.memory_space<semaphore_mem>>
      %dma_start3A_246 = arith.constant 0 : i32
      %dma_start3A_247 = tpu.memref_slice %arg9[%add3A_27, %dma_start3A_246] : memref<10240x16xf32, #tpu.memory_space<vmem_shared>> -> memref<32x16xf32, #tpu.memory_space<vmem_shared>>
      %dma_start3A_248 = arith.constant 0 : i32
      %dma_start3A_249 = tpu.memref_slice %arg9[%add3A_27, %dma_start3A_248] : memref<10240x16xf32, #tpu.memory_space<vmem_shared>> -> memref<32x16xf32, #tpu.memory_space<vmem_shared>>
      tpu.enqueue_dma source(%arg8 : memref<32x16xf32, #tpu.memory_space<vmem>>) target(%dma_start3A_249 : memref<32x16xf32, #tpu.memory_space<vmem_shared>>) target_semaphore(%run_scoped3A_245 : memref<!tpu.dma_semaphore, #tpu.memory_space<semaphore_mem>>)
      %dma_wait3A_250 = arith.constant 0 : i32
      %dma_wait3A_251 = tpu.memref_slice %arg9[%add3A_27, %dma_wait3A_250] : memref<10240x16xf32, #tpu.memory_space<vmem_shared>> -> memref<32x16xf32, #tpu.memory_space<vmem_shared>>
      %dma_wait3A_252 = arith.constant 0 : i32
      %dma_wait3A_253 = tpu.memref_slice %arg9[%add3A_27, %dma_wait3A_252] : memref<10240x16xf32, #tpu.memory_space<vmem_shared>> -> memref<32x16xf32, #tpu.memory_space<vmem_shared>>
      tpu.wait_dma2 semaphore(%run_scoped3A_245 : memref<!tpu.dma_semaphore, #tpu.memory_space<semaphore_mem>>) src(%arg8 : memref<32x16xf32, #tpu.memory_space<vmem>>) dst(%dma_wait3A_253 : memref<32x16xf32, #tpu.memory_space<vmem_shared>>)
      tpu.yield
    }) : () -> ()
    %mul3A_28 = arith.constant 640 : i32
    %mul3A_29 = arith.muli %arg1, %mul3A_28 : i32
    %add3A_30 = arith.constant 128 : i32
    %add3A_31 = arith.addi %mul3A_29, %add3A_30 : i32
    "tpu.region"() ({
      %run_scoped3A_245 = tpu.sem_alloc : memref<!tpu.dma_semaphore, #tpu.memory_space<semaphore_mem>>
      %dma_start3A_246 = arith.constant 0 : i32
      %dma_start3A_247 = tpu.memref_slice %arg9[%add3A_31, %dma_start3A_246] : memref<10240x16xf32, #tpu.memory_space<vmem_shared>> -> memref<32x16xf32, #tpu.memory_space<vmem_shared>>
      %dma_start3A_248 = arith.constant 0 : i32
      %dma_start3A_249 = tpu.memref_slice %arg9[%add3A_31, %dma_start3A_248] : memref<10240x16xf32, #tpu.memory_space<vmem_shared>> -> memref<32x16xf32, #tpu.memory_space<vmem_shared>>
      tpu.enqueue_dma source(%arg8 : memref<32x16xf32, #tpu.memory_space<vmem>>) target(%dma_start3A_249 : memref<32x16xf32, #tpu.memory_space<vmem_shared>>) target_semaphore(%run_scoped3A_245 : memref<!tpu.dma_semaphore, #tpu.memory_space<semaphore_mem>>)
      %dma_wait3A_250 = arith.constant 0 : i32
      %dma_wait3A_251 = tpu.memref_slice %arg9[%add3A_31, %dma_wait3A_250] : memref<10240x16xf32, #tpu.memory_space<vmem_shared>> -> memref<32x16xf32, #tpu.memory_space<vmem_shared>>
      %dma_wait3A_252 = arith.constant 0 : i32
      %dma_wait3A_253 = tpu.memref_slice %arg9[%add3A_31, %dma_wait3A_252] : memref<10240x16xf32, #tpu.memory_space<vmem_shared>> -> memref<32x16xf32, #tpu.memory_space<vmem_shared>>
      tpu.wait_dma2 semaphore(%run_scoped3A_245 : memref<!tpu.dma_semaphore, #tpu.memory_space<semaphore_mem>>) src(%arg8 : memref<32x16xf32, #tpu.memory_space<vmem>>) dst(%dma_wait3A_253 : memref<32x16xf32, #tpu.memory_space<vmem_shared>>)
      tpu.yield
    }) : () -> ()
    %mul3A_32 = arith.constant 640 : i32
    %mul3A_33 = arith.muli %arg1, %mul3A_32 : i32
    %add3A_34 = arith.constant 160 : i32
    %add3A_35 = arith.addi %mul3A_33, %add3A_34 : i32
    "tpu.region"() ({
      %run_scoped3A_245 = tpu.sem_alloc : memref<!tpu.dma_semaphore, #tpu.memory_space<semaphore_mem>>
      %dma_start3A_246 = arith.constant 0 : i32
      %dma_start3A_247 = tpu.memref_slice %arg9[%add3A_35, %dma_start3A_246] : memref<10240x16xf32, #tpu.memory_space<vmem_shared>> -> memref<32x16xf32, #tpu.memory_space<vmem_shared>>
      %dma_start3A_248 = arith.constant 0 : i32
      %dma_start3A_249 = tpu.memref_slice %arg9[%add3A_35, %dma_start3A_248] : memref<10240x16xf32, #tpu.memory_space<vmem_shared>> -> memref<32x16xf32, #tpu.memory_space<vmem_shared>>
      tpu.enqueue_dma source(%arg8 : memref<32x16xf32, #tpu.memory_space<vmem>>) target(%dma_start3A_249 : memref<32x16xf32, #tpu.memory_space<vmem_shared>>) target_semaphore(%run_scoped3A_245 : memref<!tpu.dma_semaphore, #tpu.memory_space<semaphore_mem>>)
      %dma_wait3A_250 = arith.constant 0 : i32
      %dma_wait3A_251 = tpu.memref_slice %arg9[%add3A_35, %dma_wait3A_250] : memref<10240x16xf32, #tpu.memory_space<vmem_shared>> -> memref<32x16xf32, #tpu.memory_space<vmem_shared>>
      %dma_wait3A_252 = arith.constant 0 : i32
      %dma_wait3A_253 = tpu.memref_slice %arg9[%add3A_35, %dma_wait3A_252] : memref<10240x16xf32, #tpu.memory_space<vmem_shared>> -> memref<32x16xf32, #tpu.memory_space<vmem_shared>>
      tpu.wait_dma2 semaphore(%run_scoped3A_245 : memref<!tpu.dma_semaphore, #tpu.memory_space<semaphore_mem>>) src(%arg8 : memref<32x16xf32, #tpu.memory_space<vmem>>) dst(%dma_wait3A_253 : memref<32x16xf32, #tpu.memory_space<vmem_shared>>)
      tpu.yield
    }) : () -> ()
    %mul3A_36 = arith.constant 640 : i32
    %mul3A_37 = arith.muli %arg1, %mul3A_36 : i32
    %add3A_38 = arith.constant 192 : i32
    %add3A_39 = arith.addi %mul3A_37, %add3A_38 : i32
    "tpu.region"() ({
      %run_scoped3A_245 = tpu.sem_alloc : memref<!tpu.dma_semaphore, #tpu.memory_space<semaphore_mem>>
      %dma_start3A_246 = arith.constant 0 : i32
      %dma_start3A_247 = tpu.memref_slice %arg9[%add3A_39, %dma_start3A_246] : memref<10240x16xf32, #tpu.memory_space<vmem_shared>> -> memref<32x16xf32, #tpu.memory_space<vmem_shared>>
      %dma_start3A_248 = arith.constant 0 : i32
      %dma_start3A_249 = tpu.memref_slice %arg9[%add3A_39, %dma_start3A_248] : memref<10240x16xf32, #tpu.memory_space<vmem_shared>> -> memref<32x16xf32, #tpu.memory_space<vmem_shared>>
      tpu.enqueue_dma source(%arg8 : memref<32x16xf32, #tpu.memory_space<vmem>>) target(%dma_start3A_249 : memref<32x16xf32, #tpu.memory_space<vmem_shared>>) target_semaphore(%run_scoped3A_245 : memref<!tpu.dma_semaphore, #tpu.memory_space<semaphore_mem>>)
      %dma_wait3A_250 = arith.constant 0 : i32
      %dma_wait3A_251 = tpu.memref_slice %arg9[%add3A_39, %dma_wait3A_250] : memref<10240x16xf32, #tpu.memory_space<vmem_shared>> -> memref<32x16xf32, #tpu.memory_space<vmem_shared>>
      %dma_wait3A_252 = arith.constant 0 : i32
      %dma_wait3A_253 = tpu.memref_slice %arg9[%add3A_39, %dma_wait3A_252] : memref<10240x16xf32, #tpu.memory_space<vmem_shared>> -> memref<32x16xf32, #tpu.memory_space<vmem_shared>>
      tpu.wait_dma2 semaphore(%run_scoped3A_245 : memref<!tpu.dma_semaphore, #tpu.memory_space<semaphore_mem>>) src(%arg8 : memref<32x16xf32, #tpu.memory_space<vmem>>) dst(%dma_wait3A_253 : memref<32x16xf32, #tpu.memory_space<vmem_shared>>)
      tpu.yield
    }) : () -> ()
    %mul3A_40 = arith.constant 640 : i32
    %mul3A_41 = arith.muli %arg1, %mul3A_40 : i32
    %add3A_42 = arith.constant 224 : i32
    %add3A_43 = arith.addi %mul3A_41, %add3A_42 : i32
    "tpu.region"() ({
      %run_scoped3A_245 = tpu.sem_alloc : memref<!tpu.dma_semaphore, #tpu.memory_space<semaphore_mem>>
      %dma_start3A_246 = arith.constant 0 : i32
      %dma_start3A_247 = tpu.memref_slice %arg9[%add3A_43, %dma_start3A_246] : memref<10240x16xf32, #tpu.memory_space<vmem_shared>> -> memref<32x16xf32, #tpu.memory_space<vmem_shared>>
      %dma_start3A_248 = arith.constant 0 : i32
      %dma_start3A_249 = tpu.memref_slice %arg9[%add3A_43, %dma_start3A_248] : memref<10240x16xf32, #tpu.memory_space<vmem_shared>> -> memref<32x16xf32, #tpu.memory_space<vmem_shared>>
      tpu.enqueue_dma source(%arg8 : memref<32x16xf32, #tpu.memory_space<vmem>>) target(%dma_start3A_249 : memref<32x16xf32, #tpu.memory_space<vmem_shared>>) target_semaphore(%run_scoped3A_245 : memref<!tpu.dma_semaphore, #tpu.memory_space<semaphore_mem>>)
      %dma_wait3A_250 = arith.constant 0 : i32
      %dma_wait3A_251 = tpu.memref_slice %arg9[%add3A_43, %dma_wait3A_250] : memref<10240x16xf32, #tpu.memory_space<vmem_shared>> -> memref<32x16xf32, #tpu.memory_space<vmem_shared>>
      %dma_wait3A_252 = arith.constant 0 : i32
      %dma_wait3A_253 = tpu.memref_slice %arg9[%add3A_43, %dma_wait3A_252] : memref<10240x16xf32, #tpu.memory_space<vmem_shared>> -> memref<32x16xf32, #tpu.memory_space<vmem_shared>>
      tpu.wait_dma2 semaphore(%run_scoped3A_245 : memref<!tpu.dma_semaphore, #tpu.memory_space<semaphore_mem>>) src(%arg8 : memref<32x16xf32, #tpu.memory_space<vmem>>) dst(%dma_wait3A_253 : memref<32x16xf32, #tpu.memory_space<vmem_shared>>)
      tpu.yield
    }) : () -> ()
    %mul3A_44 = arith.constant 640 : i32
    %mul3A_45 = arith.muli %arg1, %mul3A_44 : i32
    %add3A_46 = arith.constant 256 : i32
    %add3A_47 = arith.addi %mul3A_45, %add3A_46 : i32
    "tpu.region"() ({
      %run_scoped3A_245 = tpu.sem_alloc : memref<!tpu.dma_semaphore, #tpu.memory_space<semaphore_mem>>
      %dma_start3A_246 = arith.constant 0 : i32
      %dma_start3A_247 = tpu.memref_slice %arg9[%add3A_47, %dma_start3A_246] : memref<10240x16xf32, #tpu.memory_space<vmem_shared>> -> memref<32x16xf32, #tpu.memory_space<vmem_shared>>
      %dma_start3A_248 = arith.constant 0 : i32
      %dma_start3A_249 = tpu.memref_slice %arg9[%add3A_47, %dma_start3A_248] : memref<10240x16xf32, #tpu.memory_space<vmem_shared>> -> memref<32x16xf32, #tpu.memory_space<vmem_shared>>
      tpu.enqueue_dma source(%arg8 : memref<32x16xf32, #tpu.memory_space<vmem>>) target(%dma_start3A_249 : memref<32x16xf32, #tpu.memory_space<vmem_shared>>) target_semaphore(%run_scoped3A_245 : memref<!tpu.dma_semaphore, #tpu.memory_space<semaphore_mem>>)
      %dma_wait3A_250 = arith.constant 0 : i32
      %dma_wait3A_251 = tpu.memref_slice %arg9[%add3A_47, %dma_wait3A_250] : memref<10240x16xf32, #tpu.memory_space<vmem_shared>> -> memref<32x16xf32, #tpu.memory_space<vmem_shared>>
      %dma_wait3A_252 = arith.constant 0 : i32
      %dma_wait3A_253 = tpu.memref_slice %arg9[%add3A_47, %dma_wait3A_252] : memref<10240x16xf32, #tpu.memory_space<vmem_shared>> -> memref<32x16xf32, #tpu.memory_space<vmem_shared>>
      tpu.wait_dma2 semaphore(%run_scoped3A_245 : memref<!tpu.dma_semaphore, #tpu.memory_space<semaphore_mem>>) src(%arg8 : memref<32x16xf32, #tpu.memory_space<vmem>>) dst(%dma_wait3A_253 : memref<32x16xf32, #tpu.memory_space<vmem_shared>>)
      tpu.yield
    }) : () -> ()
    %mul3A_48 = arith.constant 640 : i32
    %mul3A_49 = arith.muli %arg1, %mul3A_48 : i32
    %add3A_50 = arith.constant 288 : i32
    %add3A_51 = arith.addi %mul3A_49, %add3A_50 : i32
    "tpu.region"() ({
      %run_scoped3A_245 = tpu.sem_alloc : memref<!tpu.dma_semaphore, #tpu.memory_space<semaphore_mem>>
      %dma_start3A_246 = arith.constant 0 : i32
      %dma_start3A_247 = tpu.memref_slice %arg9[%add3A_51, %dma_start3A_246] : memref<10240x16xf32, #tpu.memory_space<vmem_shared>> -> memref<32x16xf32, #tpu.memory_space<vmem_shared>>
      %dma_start3A_248 = arith.constant 0 : i32
      %dma_start3A_249 = tpu.memref_slice %arg9[%add3A_51, %dma_start3A_248] : memref<10240x16xf32, #tpu.memory_space<vmem_shared>> -> memref<32x16xf32, #tpu.memory_space<vmem_shared>>
      tpu.enqueue_dma source(%arg8 : memref<32x16xf32, #tpu.memory_space<vmem>>) target(%dma_start3A_249 : memref<32x16xf32, #tpu.memory_space<vmem_shared>>) target_semaphore(%run_scoped3A_245 : memref<!tpu.dma_semaphore, #tpu.memory_space<semaphore_mem>>)
      %dma_wait3A_250 = arith.constant 0 : i32
      %dma_wait3A_251 = tpu.memref_slice %arg9[%add3A_51, %dma_wait3A_250] : memref<10240x16xf32, #tpu.memory_space<vmem_shared>> -> memref<32x16xf32, #tpu.memory_space<vmem_shared>>
      %dma_wait3A_252 = arith.constant 0 : i32
      %dma_wait3A_253 = tpu.memref_slice %arg9[%add3A_51, %dma_wait3A_252] : memref<10240x16xf32, #tpu.memory_space<vmem_shared>> -> memref<32x16xf32, #tpu.memory_space<vmem_shared>>
      tpu.wait_dma2 semaphore(%run_scoped3A_245 : memref<!tpu.dma_semaphore, #tpu.memory_space<semaphore_mem>>) src(%arg8 : memref<32x16xf32, #tpu.memory_space<vmem>>) dst(%dma_wait3A_253 : memref<32x16xf32, #tpu.memory_space<vmem_shared>>)
      tpu.yield
    }) : () -> ()
    %mul3A_52 = arith.constant 640 : i32
    %mul3A_53 = arith.muli %arg1, %mul3A_52 : i32
    %add3A_54 = arith.constant 320 : i32
    %add3A_55 = arith.addi %mul3A_53, %add3A_54 : i32
    "tpu.region"() ({
      %run_scoped3A_245 = tpu.sem_alloc : memref<!tpu.dma_semaphore, #tpu.memory_space<semaphore_mem>>
      %dma_start3A_246 = arith.constant 0 : i32
      %dma_start3A_247 = tpu.memref_slice %arg9[%add3A_55, %dma_start3A_246] : memref<10240x16xf32, #tpu.memory_space<vmem_shared>> -> memref<32x16xf32, #tpu.memory_space<vmem_shared>>
      %dma_start3A_248 = arith.constant 0 : i32
      %dma_start3A_249 = tpu.memref_slice %arg9[%add3A_55, %dma_start3A_248] : memref<10240x16xf32, #tpu.memory_space<vmem_shared>> -> memref<32x16xf32, #tpu.memory_space<vmem_shared>>
      tpu.enqueue_dma source(%arg8 : memref<32x16xf32, #tpu.memory_space<vmem>>) target(%dma_start3A_249 : memref<32x16xf32, #tpu.memory_space<vmem_shared>>) target_semaphore(%run_scoped3A_245 : memref<!tpu.dma_semaphore, #tpu.memory_space<semaphore_mem>>)
      %dma_wait3A_250 = arith.constant 0 : i32
      %dma_wait3A_251 = tpu.memref_slice %arg9[%add3A_55, %dma_wait3A_250] : memref<10240x16xf32, #tpu.memory_space<vmem_shared>> -> memref<32x16xf32, #tpu.memory_space<vmem_shared>>
      %dma_wait3A_252 = arith.constant 0 : i32
      %dma_wait3A_253 = tpu.memref_slice %arg9[%add3A_55, %dma_wait3A_252] : memref<10240x16xf32, #tpu.memory_space<vmem_shared>> -> memref<32x16xf32, #tpu.memory_space<vmem_shared>>
      tpu.wait_dma2 semaphore(%run_scoped3A_245 : memref<!tpu.dma_semaphore, #tpu.memory_space<semaphore_mem>>) src(%arg8 : memref<32x16xf32, #tpu.memory_space<vmem>>) dst(%dma_wait3A_253 : memref<32x16xf32, #tpu.memory_space<vmem_shared>>)
      tpu.yield
    }) : () -> ()
    %mul3A_56 = arith.constant 640 : i32
    %mul3A_57 = arith.muli %arg1, %mul3A_56 : i32
    %add3A_58 = arith.constant 352 : i32
    %add3A_59 = arith.addi %mul3A_57, %add3A_58 : i32
    "tpu.region"() ({
      %run_scoped3A_245 = tpu.sem_alloc : memref<!tpu.dma_semaphore, #tpu.memory_space<semaphore_mem>>
      %dma_start3A_246 = arith.constant 0 : i32
      %dma_start3A_247 = tpu.memref_slice %arg9[%add3A_59, %dma_start3A_246] : memref<10240x16xf32, #tpu.memory_space<vmem_shared>> -> memref<32x16xf32, #tpu.memory_space<vmem_shared>>
      %dma_start3A_248 = arith.constant 0 : i32
      %dma_start3A_249 = tpu.memref_slice %arg9[%add3A_59, %dma_start3A_248] : memref<10240x16xf32, #tpu.memory_space<vmem_shared>> -> memref<32x16xf32, #tpu.memory_space<vmem_shared>>
      tpu.enqueue_dma source(%arg8 : memref<32x16xf32, #tpu.memory_space<vmem>>) target(%dma_start3A_249 : memref<32x16xf32, #tpu.memory_space<vmem_shared>>) target_semaphore(%run_scoped3A_245 : memref<!tpu.dma_semaphore, #tpu.memory_space<semaphore_mem>>)
      %dma_wait3A_250 = arith.constant 0 : i32
      %dma_wait3A_251 = tpu.memref_slice %arg9[%add3A_59, %dma_wait3A_250] : memref<10240x16xf32, #tpu.memory_space<vmem_shared>> -> memref<32x16xf32, #tpu.memory_space<vmem_shared>>
      %dma_wait3A_252 = arith.constant 0 : i32
      %dma_wait3A_253 = tpu.memref_slice %arg9[%add3A_59, %dma_wait3A_252] : memref<10240x16xf32, #tpu.memory_space<vmem_shared>> -> memref<32x16xf32, #tpu.memory_space<vmem_shared>>
      tpu.wait_dma2 semaphore(%run_scoped3A_245 : memref<!tpu.dma_semaphore, #tpu.memory_space<semaphore_mem>>) src(%arg8 : memref<32x16xf32, #tpu.memory_space<vmem>>) dst(%dma_wait3A_253 : memref<32x16xf32, #tpu.memory_space<vmem_shared>>)
      tpu.yield
    }) : () -> ()
    %mul3A_60 = arith.constant 640 : i32
    %mul3A_61 = arith.muli %arg1, %mul3A_60 : i32
    %add3A_62 = arith.constant 384 : i32
    %add3A_63 = arith.addi %mul3A_61, %add3A_62 : i32
    "tpu.region"() ({
      %run_scoped3A_245 = tpu.sem_alloc : memref<!tpu.dma_semaphore, #tpu.memory_space<semaphore_mem>>
      %dma_start3A_246 = arith.constant 0 : i32
      %dma_start3A_247 = tpu.memref_slice %arg9[%add3A_63, %dma_start3A_246] : memref<10240x16xf32, #tpu.memory_space<vmem_shared>> -> memref<32x16xf32, #tpu.memory_space<vmem_shared>>
      %dma_start3A_248 = arith.constant 0 : i32
      %dma_start3A_249 = tpu.memref_slice %arg9[%add3A_63, %dma_start3A_248] : memref<10240x16xf32, #tpu.memory_space<vmem_shared>> -> memref<32x16xf32, #tpu.memory_space<vmem_shared>>
      tpu.enqueue_dma source(%arg8 : memref<32x16xf32, #tpu.memory_space<vmem>>) target(%dma_start3A_249 : memref<32x16xf32, #tpu.memory_space<vmem_shared>>) target_semaphore(%run_scoped3A_245 : memref<!tpu.dma_semaphore, #tpu.memory_space<semaphore_mem>>)
      %dma_wait3A_250 = arith.constant 0 : i32
      %dma_wait3A_251 = tpu.memref_slice %arg9[%add3A_63, %dma_wait3A_250] : memref<10240x16xf32, #tpu.memory_space<vmem_shared>> -> memref<32x16xf32, #tpu.memory_space<vmem_shared>>
      %dma_wait3A_252 = arith.constant 0 : i32
      %dma_wait3A_253 = tpu.memref_slice %arg9[%add3A_63, %dma_wait3A_252] : memref<10240x16xf32, #tpu.memory_space<vmem_shared>> -> memref<32x16xf32, #tpu.memory_space<vmem_shared>>
      tpu.wait_dma2 semaphore(%run_scoped3A_245 : memref<!tpu.dma_semaphore, #tpu.memory_space<semaphore_mem>>) src(%arg8 : memref<32x16xf32, #tpu.memory_space<vmem>>) dst(%dma_wait3A_253 : memref<32x16xf32, #tpu.memory_space<vmem_shared>>)
      tpu.yield
    }) : () -> ()
    %mul3A_64 = arith.constant 640 : i32
    %mul3A_65 = arith.muli %arg1, %mul3A_64 : i32
    %add3A_66 = arith.constant 416 : i32
    %add3A_67 = arith.addi %mul3A_65, %add3A_66 : i32
    "tpu.region"() ({
      %run_scoped3A_245 = tpu.sem_alloc : memref<!tpu.dma_semaphore, #tpu.memory_space<semaphore_mem>>
      %dma_start3A_246 = arith.constant 0 : i32
      %dma_start3A_247 = tpu.memref_slice %arg9[%add3A_67, %dma_start3A_246] : memref<10240x16xf32, #tpu.memory_space<vmem_shared>> -> memref<32x16xf32, #tpu.memory_space<vmem_shared>>
      %dma_start3A_248 = arith.constant 0 : i32
      %dma_start3A_249 = tpu.memref_slice %arg9[%add3A_67, %dma_start3A_248] : memref<10240x16xf32, #tpu.memory_space<vmem_shared>> -> memref<32x16xf32, #tpu.memory_space<vmem_shared>>
      tpu.enqueue_dma source(%arg8 : memref<32x16xf32, #tpu.memory_space<vmem>>) target(%dma_start3A_249 : memref<32x16xf32, #tpu.memory_space<vmem_shared>>) target_semaphore(%run_scoped3A_245 : memref<!tpu.dma_semaphore, #tpu.memory_space<semaphore_mem>>)
      %dma_wait3A_250 = arith.constant 0 : i32
      %dma_wait3A_251 = tpu.memref_slice %arg9[%add3A_67, %dma_wait3A_250] : memref<10240x16xf32, #tpu.memory_space<vmem_shared>> -> memref<32x16xf32, #tpu.memory_space<vmem_shared>>
      %dma_wait3A_252 = arith.constant 0 : i32
      %dma_wait3A_253 = tpu.memref_slice %arg9[%add3A_67, %dma_wait3A_252] : memref<10240x16xf32, #tpu.memory_space<vmem_shared>> -> memref<32x16xf32, #tpu.memory_space<vmem_shared>>
      tpu.wait_dma2 semaphore(%run_scoped3A_245 : memref<!tpu.dma_semaphore, #tpu.memory_space<semaphore_mem>>) src(%arg8 : memref<32x16xf32, #tpu.memory_space<vmem>>) dst(%dma_wait3A_253 : memref<32x16xf32, #tpu.memory_space<vmem_shared>>)
      tpu.yield
    }) : () -> ()
    %mul3A_68 = arith.constant 640 : i32
    %mul3A_69 = arith.muli %arg1, %mul3A_68 : i32
    %add3A_70 = arith.constant 448 : i32
    %add3A_71 = arith.addi %mul3A_69, %add3A_70 : i32
    "tpu.region"() ({
      %run_scoped3A_245 = tpu.sem_alloc : memref<!tpu.dma_semaphore, #tpu.memory_space<semaphore_mem>>
      %dma_start3A_246 = arith.constant 0 : i32
      %dma_start3A_247 = tpu.memref_slice %arg9[%add3A_71, %dma_start3A_246] : memref<10240x16xf32, #tpu.memory_space<vmem_shared>> -> memref<32x16xf32, #tpu.memory_space<vmem_shared>>
      %dma_start3A_248 = arith.constant 0 : i32
      %dma_start3A_249 = tpu.memref_slice %arg9[%add3A_71, %dma_start3A_248] : memref<10240x16xf32, #tpu.memory_space<vmem_shared>> -> memref<32x16xf32, #tpu.memory_space<vmem_shared>>
      tpu.enqueue_dma source(%arg8 : memref<32x16xf32, #tpu.memory_space<vmem>>) target(%dma_start3A_249 : memref<32x16xf32, #tpu.memory_space<vmem_shared>>) target_semaphore(%run_scoped3A_245 : memref<!tpu.dma_semaphore, #tpu.memory_space<semaphore_mem>>)
      %dma_wait3A_250 = arith.constant 0 : i32
      %dma_wait3A_251 = tpu.memref_slice %arg9[%add3A_71, %dma_wait3A_250] : memref<10240x16xf32, #tpu.memory_space<vmem_shared>> -> memref<32x16xf32, #tpu.memory_space<vmem_shared>>
      %dma_wait3A_252 = arith.constant 0 : i32
      %dma_wait3A_253 = tpu.memref_slice %arg9[%add3A_71, %dma_wait3A_252] : memref<10240x16xf32, #tpu.memory_space<vmem_shared>> -> memref<32x16xf32, #tpu.memory_space<vmem_shared>>
      tpu.wait_dma2 semaphore(%run_scoped3A_245 : memref<!tpu.dma_semaphore, #tpu.memory_space<semaphore_mem>>) src(%arg8 : memref<32x16xf32, #tpu.memory_space<vmem>>) dst(%dma_wait3A_253 : memref<32x16xf32, #tpu.memory_space<vmem_shared>>)
      tpu.yield
    }) : () -> ()
    %mul3A_72 = arith.constant 640 : i32
    %mul3A_73 = arith.muli %arg1, %mul3A_72 : i32
    %add3A_74 = arith.constant 480 : i32
    %add3A_75 = arith.addi %mul3A_73, %add3A_74 : i32
    "tpu.region"() ({
      %run_scoped3A_245 = tpu.sem_alloc : memref<!tpu.dma_semaphore, #tpu.memory_space<semaphore_mem>>
      %dma_start3A_246 = arith.constant 0 : i32
      %dma_start3A_247 = tpu.memref_slice %arg9[%add3A_75, %dma_start3A_246] : memref<10240x16xf32, #tpu.memory_space<vmem_shared>> -> memref<32x16xf32, #tpu.memory_space<vmem_shared>>
      %dma_start3A_248 = arith.constant 0 : i32
      %dma_start3A_249 = tpu.memref_slice %arg9[%add3A_75, %dma_start3A_248] : memref<10240x16xf32, #tpu.memory_space<vmem_shared>> -> memref<32x16xf32, #tpu.memory_space<vmem_shared>>
      tpu.enqueue_dma source(%arg8 : memref<32x16xf32, #tpu.memory_space<vmem>>) target(%dma_start3A_249 : memref<32x16xf32, #tpu.memory_space<vmem_shared>>) target_semaphore(%run_scoped3A_245 : memref<!tpu.dma_semaphore, #tpu.memory_space<semaphore_mem>>)
      %dma_wait3A_250 = arith.constant 0 : i32
      %dma_wait3A_251 = tpu.memref_slice %arg9[%add3A_75, %dma_wait3A_250] : memref<10240x16xf32, #tpu.memory_space<vmem_shared>> -> memref<32x16xf32, #tpu.memory_space<vmem_shared>>
      %dma_wait3A_252 = arith.constant 0 : i32
      %dma_wait3A_253 = tpu.memref_slice %arg9[%add3A_75, %dma_wait3A_252] : memref<10240x16xf32, #tpu.memory_space<vmem_shared>> -> memref<32x16xf32, #tpu.memory_space<vmem_shared>>
      tpu.wait_dma2 semaphore(%run_scoped3A_245 : memref<!tpu.dma_semaphore, #tpu.memory_space<semaphore_mem>>) src(%arg8 : memref<32x16xf32, #tpu.memory_space<vmem>>) dst(%dma_wait3A_253 : memref<32x16xf32, #tpu.memory_space<vmem_shared>>)
      tpu.yield
    }) : () -> ()
    %mul3A_76 = arith.constant 640 : i32
    %mul3A_77 = arith.muli %arg1, %mul3A_76 : i32
    %add3A_78 = arith.constant 512 : i32
    %add3A_79 = arith.addi %mul3A_77, %add3A_78 : i32
    "tpu.region"() ({
      %run_scoped3A_245 = tpu.sem_alloc : memref<!tpu.dma_semaphore, #tpu.memory_space<semaphore_mem>>
      %dma_start3A_246 = arith.constant 0 : i32
      %dma_start3A_247 = tpu.memref_slice %arg9[%add3A_79, %dma_start3A_246] : memref<10240x16xf32, #tpu.memory_space<vmem_shared>> -> memref<32x16xf32, #tpu.memory_space<vmem_shared>>
      %dma_start3A_248 = arith.constant 0 : i32
      %dma_start3A_249 = tpu.memref_slice %arg9[%add3A_79, %dma_start3A_248] : memref<10240x16xf32, #tpu.memory_space<vmem_shared>> -> memref<32x16xf32, #tpu.memory_space<vmem_shared>>
      tpu.enqueue_dma source(%arg8 : memref<32x16xf32, #tpu.memory_space<vmem>>) target(%dma_start3A_249 : memref<32x16xf32, #tpu.memory_space<vmem_shared>>) target_semaphore(%run_scoped3A_245 : memref<!tpu.dma_semaphore, #tpu.memory_space<semaphore_mem>>)
      %dma_wait3A_250 = arith.constant 0 : i32
      %dma_wait3A_251 = tpu.memref_slice %arg9[%add3A_79, %dma_wait3A_250] : memref<10240x16xf32, #tpu.memory_space<vmem_shared>> -> memref<32x16xf32, #tpu.memory_space<vmem_shared>>
      %dma_wait3A_252 = arith.constant 0 : i32
      %dma_wait3A_253 = tpu.memref_slice %arg9[%add3A_79, %dma_wait3A_252] : memref<10240x16xf32, #tpu.memory_space<vmem_shared>> -> memref<32x16xf32, #tpu.memory_space<vmem_shared>>
      tpu.wait_dma2 semaphore(%run_scoped3A_245 : memref<!tpu.dma_semaphore, #tpu.memory_space<semaphore_mem>>) src(%arg8 : memref<32x16xf32, #tpu.memory_space<vmem>>) dst(%dma_wait3A_253 : memref<32x16xf32, #tpu.memory_space<vmem_shared>>)
      tpu.yield
    }) : () -> ()
    %mul3A_80 = arith.constant 640 : i32
    %mul3A_81 = arith.muli %arg1, %mul3A_80 : i32
    %add3A_82 = arith.constant 544 : i32
    %add3A_83 = arith.addi %mul3A_81, %add3A_82 : i32
    "tpu.region"() ({
      %run_scoped3A_245 = tpu.sem_alloc : memref<!tpu.dma_semaphore, #tpu.memory_space<semaphore_mem>>
      %dma_start3A_246 = arith.constant 0 : i32
      %dma_start3A_247 = tpu.memref_slice %arg9[%add3A_83, %dma_start3A_246] : memref<10240x16xf32, #tpu.memory_space<vmem_shared>> -> memref<32x16xf32, #tpu.memory_space<vmem_shared>>
      %dma_start3A_248 = arith.constant 0 : i32
      %dma_start3A_249 = tpu.memref_slice %arg9[%add3A_83, %dma_start3A_248] : memref<10240x16xf32, #tpu.memory_space<vmem_shared>> -> memref<32x16xf32, #tpu.memory_space<vmem_shared>>
      tpu.enqueue_dma source(%arg8 : memref<32x16xf32, #tpu.memory_space<vmem>>) target(%dma_start3A_249 : memref<32x16xf32, #tpu.memory_space<vmem_shared>>) target_semaphore(%run_scoped3A_245 : memref<!tpu.dma_semaphore, #tpu.memory_space<semaphore_mem>>)
      %dma_wait3A_250 = arith.constant 0 : i32
      %dma_wait3A_251 = tpu.memref_slice %arg9[%add3A_83, %dma_wait3A_250] : memref<10240x16xf32, #tpu.memory_space<vmem_shared>> -> memref<32x16xf32, #tpu.memory_space<vmem_shared>>
      %dma_wait3A_252 = arith.constant 0 : i32
      %dma_wait3A_253 = tpu.memref_slice %arg9[%add3A_83, %dma_wait3A_252] : memref<10240x16xf32, #tpu.memory_space<vmem_shared>> -> memref<32x16xf32, #tpu.memory_space<vmem_shared>>
      tpu.wait_dma2 semaphore(%run_scoped3A_245 : memref<!tpu.dma_semaphore, #tpu.memory_space<semaphore_mem>>) src(%arg8 : memref<32x16xf32, #tpu.memory_space<vmem>>) dst(%dma_wait3A_253 : memref<32x16xf32, #tpu.memory_space<vmem_shared>>)
      tpu.yield
    }) : () -> ()
    %mul3A_84 = arith.constant 640 : i32
    %mul3A_85 = arith.muli %arg1, %mul3A_84 : i32
    %add3A_86 = arith.constant 576 : i32
    %add3A_87 = arith.addi %mul3A_85, %add3A_86 : i32
    "tpu.region"() ({
      %run_scoped3A_245 = tpu.sem_alloc : memref<!tpu.dma_semaphore, #tpu.memory_space<semaphore_mem>>
      %dma_start3A_246 = arith.constant 0 : i32
      %dma_start3A_247 = tpu.memref_slice %arg9[%add3A_87, %dma_start3A_246] : memref<10240x16xf32, #tpu.memory_space<vmem_shared>> -> memref<32x16xf32, #tpu.memory_space<vmem_shared>>
      %dma_start3A_248 = arith.constant 0 : i32
      %dma_start3A_249 = tpu.memref_slice %arg9[%add3A_87, %dma_start3A_248] : memref<10240x16xf32, #tpu.memory_space<vmem_shared>> -> memref<32x16xf32, #tpu.memory_space<vmem_shared>>
      tpu.enqueue_dma source(%arg8 : memref<32x16xf32, #tpu.memory_space<vmem>>) target(%dma_start3A_249 : memref<32x16xf32, #tpu.memory_space<vmem_shared>>) target_semaphore(%run_scoped3A_245 : memref<!tpu.dma_semaphore, #tpu.memory_space<semaphore_mem>>)
      %dma_wait3A_250 = arith.constant 0 : i32
      %dma_wait3A_251 = tpu.memref_slice %arg9[%add3A_87, %dma_wait3A_250] : memref<10240x16xf32, #tpu.memory_space<vmem_shared>> -> memref<32x16xf32, #tpu.memory_space<vmem_shared>>
      %dma_wait3A_252 = arith.constant 0 : i32
      %dma_wait3A_253 = tpu.memref_slice %arg9[%add3A_87, %dma_wait3A_252] : memref<10240x16xf32, #tpu.memory_space<vmem_shared>> -> memref<32x16xf32, #tpu.memory_space<vmem_shared>>
      tpu.wait_dma2 semaphore(%run_scoped3A_245 : memref<!tpu.dma_semaphore, #tpu.memory_space<semaphore_mem>>) src(%arg8 : memref<32x16xf32, #tpu.memory_space<vmem>>) dst(%dma_wait3A_253 : memref<32x16xf32, #tpu.memory_space<vmem_shared>>)
      tpu.yield
    }) : () -> ()
    %mul3A_88 = arith.constant 640 : i32
    %mul3A_89 = arith.muli %arg1, %mul3A_88 : i32
    %add3A_90 = arith.constant 608 : i32
    %add3A_91 = arith.addi %mul3A_89, %add3A_90 : i32
    "tpu.region"() ({
      %run_scoped3A_245 = tpu.sem_alloc : memref<!tpu.dma_semaphore, #tpu.memory_space<semaphore_mem>>
      %dma_start3A_246 = arith.constant 0 : i32
      %dma_start3A_247 = tpu.memref_slice %arg9[%add3A_91, %dma_start3A_246] : memref<10240x16xf32, #tpu.memory_space<vmem_shared>> -> memref<32x16xf32, #tpu.memory_space<vmem_shared>>
      %dma_start3A_248 = arith.constant 0 : i32
      %dma_start3A_249 = tpu.memref_slice %arg9[%add3A_91, %dma_start3A_248] : memref<10240x16xf32, #tpu.memory_space<vmem_shared>> -> memref<32x16xf32, #tpu.memory_space<vmem_shared>>
      tpu.enqueue_dma source(%arg8 : memref<32x16xf32, #tpu.memory_space<vmem>>) target(%dma_start3A_249 : memref<32x16xf32, #tpu.memory_space<vmem_shared>>) target_semaphore(%run_scoped3A_245 : memref<!tpu.dma_semaphore, #tpu.memory_space<semaphore_mem>>)
      %dma_wait3A_250 = arith.constant 0 : i32
      %dma_wait3A_251 = tpu.memref_slice %arg9[%add3A_91, %dma_wait3A_250] : memref<10240x16xf32, #tpu.memory_space<vmem_shared>> -> memref<32x16xf32, #tpu.memory_space<vmem_shared>>
      %dma_wait3A_252 = arith.constant 0 : i32
      %dma_wait3A_253 = tpu.memref_slice %arg9[%add3A_91, %dma_wait3A_252] : memref<10240x16xf32, #tpu.memory_space<vmem_shared>> -> memref<32x16xf32, #tpu.memory_space<vmem_shared>>
      tpu.wait_dma2 semaphore(%run_scoped3A_245 : memref<!tpu.dma_semaphore, #tpu.memory_space<semaphore_mem>>) src(%arg8 : memref<32x16xf32, #tpu.memory_space<vmem>>) dst(%dma_wait3A_253 : memref<32x16xf32, #tpu.memory_space<vmem_shared>>)
      tpu.yield
    }) : () -> ()
    %barrier3A = arith.constant 0 : index
    tpu.barrier barrier_id(%barrier3A)
    %dma_start3A = arith.constant 0 : i32
    %dma_start3A_92 = arith.constant 0 : i32
    %dma_start3A_93 = arith.constant 0 : i32
    %dma_start3A_94 = arith.constant 0 : i32
    %dma_start3A_95 = tpu.memref_slice %arg7[%dma_start3A_92, %dma_start3A_93, %dma_start3A_94] : memref<12x80x16xf32, #tpu.memory_space<vmem>> -> memref<1x80x16xf32, #tpu.memory_space<vmem>>
    %dma_start3A_96 = tpu.memref_squeeze %dma_start3A_95 : memref<1x80x16xf32, #tpu.memory_space<vmem>> -> memref<80x16xf32, #tpu.memory_space<vmem>>
    %dma_start3A_97 = arith.constant 0 : i32
    %dma_start3A_98 = tpu.memref_slice %arg5[%dma_start3A, %dma_start3A_97] : memref<125x80xi32, #tpu.memory_space<vmem>> -> memref<1x80xi32, #tpu.memory_space<vmem>>
    %dma_start3A_99 = tpu.memref_squeeze %dma_start3A_98 : memref<1x80xi32, #tpu.memory_space<vmem>> -> memref<80xi32, #tpu.memory_space<vmem>>
    %dma_start3A_100 = arith.constant 0 : i32
    %dma_start3A_101 = arith.constant 0 : i32
    %dma_start3A_102 = tpu.memref_slice %arg2[%dma_start3A_100, %dma_start3A_101] : memref<10000x16xf32, #tpu.memory_space<hbm>> -> memref<10000x16xf32, #tpu.memory_space<hbm>>
    tpu.enqueue_indirect_dma source(%dma_start3A_102 : memref<10000x16xf32, #tpu.memory_space<hbm>>) target(%dma_start3A_96 : memref<80x16xf32, #tpu.memory_space<vmem>>) offsets(%dma_start3A_99 : memref<80xi32, #tpu.memory_space<vmem>>) semaphore(%arg10 : memref<!tpu.dma_semaphore, #tpu.memory_space<semaphore_mem>>)
    %dma_start3A_103 = arith.constant 1 : i32
    %dma_start3A_104 = arith.constant 1 : i32
    %dma_start3A_105 = arith.constant 0 : i32
    %dma_start3A_106 = arith.constant 0 : i32
    %dma_start3A_107 = tpu.memref_slice %arg7[%dma_start3A_104, %dma_start3A_105, %dma_start3A_106] : memref<12x80x16xf32, #tpu.memory_space<vmem>> -> memref<1x80x16xf32, #tpu.memory_space<vmem>>
    %dma_start3A_108 = tpu.memref_squeeze %dma_start3A_107 : memref<1x80x16xf32, #tpu.memory_space<vmem>> -> memref<80x16xf32, #tpu.memory_space<vmem>>
    %dma_start3A_109 = arith.constant 0 : i32
    %dma_start3A_110 = tpu.memref_slice %arg5[%dma_start3A_103, %dma_start3A_109] : memref<125x80xi32, #tpu.memory_space<vmem>> -> memref<1x80xi32, #tpu.memory_space<vmem>>
    %dma_start3A_111 = tpu.memref_squeeze %dma_start3A_110 : memref<1x80xi32, #tpu.memory_space<vmem>> -> memref<80xi32, #tpu.memory_space<vmem>>
    %dma_start3A_112 = arith.constant 0 : i32
    %dma_start3A_113 = arith.constant 0 : i32
    %dma_start3A_114 = tpu.memref_slice %arg2[%dma_start3A_112, %dma_start3A_113] : memref<10000x16xf32, #tpu.memory_space<hbm>> -> memref<10000x16xf32, #tpu.memory_space<hbm>>
    tpu.enqueue_indirect_dma source(%dma_start3A_114 : memref<10000x16xf32, #tpu.memory_space<hbm>>) target(%dma_start3A_108 : memref<80x16xf32, #tpu.memory_space<vmem>>) offsets(%dma_start3A_111 : memref<80xi32, #tpu.memory_space<vmem>>) semaphore(%arg10 : memref<!tpu.dma_semaphore, #tpu.memory_space<semaphore_mem>>)
    %dma_start3A_115 = arith.constant 2 : i32
    %dma_start3A_116 = arith.constant 2 : i32
    %dma_start3A_117 = arith.constant 0 : i32
    %dma_start3A_118 = arith.constant 0 : i32
    %dma_start3A_119 = tpu.memref_slice %arg7[%dma_start3A_116, %dma_start3A_117, %dma_start3A_118] : memref<12x80x16xf32, #tpu.memory_space<vmem>> -> memref<1x80x16xf32, #tpu.memory_space<vmem>>
    %dma_start3A_120 = tpu.memref_squeeze %dma_start3A_119 : memref<1x80x16xf32, #tpu.memory_space<vmem>> -> memref<80x16xf32, #tpu.memory_space<vmem>>
    %dma_start3A_121 = arith.constant 0 : i32
    %dma_start3A_122 = tpu.memref_slice %arg5[%dma_start3A_115, %dma_start3A_121] : memref<125x80xi32, #tpu.memory_space<vmem>> -> memref<1x80xi32, #tpu.memory_space<vmem>>
    %dma_start3A_123 = tpu.memref_squeeze %dma_start3A_122 : memref<1x80xi32, #tpu.memory_space<vmem>> -> memref<80xi32, #tpu.memory_space<vmem>>
    %dma_start3A_124 = arith.constant 0 : i32
    %dma_start3A_125 = arith.constant 0 : i32
    %dma_start3A_126 = tpu.memref_slice %arg2[%dma_start3A_124, %dma_start3A_125] : memref<10000x16xf32, #tpu.memory_space<hbm>> -> memref<10000x16xf32, #tpu.memory_space<hbm>>
    tpu.enqueue_indirect_dma source(%dma_start3A_126 : memref<10000x16xf32, #tpu.memory_space<hbm>>) target(%dma_start3A_120 : memref<80x16xf32, #tpu.memory_space<vmem>>) offsets(%dma_start3A_123 : memref<80xi32, #tpu.memory_space<vmem>>) semaphore(%arg10 : memref<!tpu.dma_semaphore, #tpu.memory_space<semaphore_mem>>)
    %dma_start3A_127 = arith.constant 3 : i32
    %dma_start3A_128 = arith.constant 3 : i32
    %dma_start3A_129 = arith.constant 0 : i32
    %dma_start3A_130 = arith.constant 0 : i32
    %dma_start3A_131 = tpu.memref_slice %arg7[%dma_start3A_128, %dma_start3A_129, %dma_start3A_130] : memref<12x80x16xf32, #tpu.memory_space<vmem>> -> memref<1x80x16xf32, #tpu.memory_space<vmem>>
    %dma_start3A_132 = tpu.memref_squeeze %dma_start3A_131 : memref<1x80x16xf32, #tpu.memory_space<vmem>> -> memref<80x16xf32, #tpu.memory_space<vmem>>
    %dma_start3A_133 = arith.constant 0 : i32
    %dma_start3A_134 = tpu.memref_slice %arg5[%dma_start3A_127, %dma_start3A_133] : memref<125x80xi32, #tpu.memory_space<vmem>> -> memref<1x80xi32, #tpu.memory_space<vmem>>
    %dma_start3A_135 = tpu.memref_squeeze %dma_start3A_134 : memref<1x80xi32, #tpu.memory_space<vmem>> -> memref<80xi32, #tpu.memory_space<vmem>>
    %dma_start3A_136 = arith.constant 0 : i32
    %dma_start3A_137 = arith.constant 0 : i32
    %dma_start3A_138 = tpu.memref_slice %arg2[%dma_start3A_136, %dma_start3A_137] : memref<10000x16xf32, #tpu.memory_space<hbm>> -> memref<10000x16xf32, #tpu.memory_space<hbm>>
    tpu.enqueue_indirect_dma source(%dma_start3A_138 : memref<10000x16xf32, #tpu.memory_space<hbm>>) target(%dma_start3A_132 : memref<80x16xf32, #tpu.memory_space<vmem>>) offsets(%dma_start3A_135 : memref<80xi32, #tpu.memory_space<vmem>>) semaphore(%arg10 : memref<!tpu.dma_semaphore, #tpu.memory_space<semaphore_mem>>)
    %dma_start3A_139 = arith.constant 4 : i32
    %dma_start3A_140 = arith.constant 4 : i32
    %dma_start3A_141 = arith.constant 0 : i32
    %dma_start3A_142 = arith.constant 0 : i32
    %dma_start3A_143 = tpu.memref_slice %arg7[%dma_start3A_140, %dma_start3A_141, %dma_start3A_142] : memref<12x80x16xf32, #tpu.memory_space<vmem>> -> memref<1x80x16xf32, #tpu.memory_space<vmem>>
    %dma_start3A_144 = tpu.memref_squeeze %dma_start3A_143 : memref<1x80x16xf32, #tpu.memory_space<vmem>> -> memref<80x16xf32, #tpu.memory_space<vmem>>
    %dma_start3A_145 = arith.constant 0 : i32
    %dma_start3A_146 = tpu.memref_slice %arg5[%dma_start3A_139, %dma_start3A_145] : memref<125x80xi32, #tpu.memory_space<vmem>> -> memref<1x80xi32, #tpu.memory_space<vmem>>
    %dma_start3A_147 = tpu.memref_squeeze %dma_start3A_146 : memref<1x80xi32, #tpu.memory_space<vmem>> -> memref<80xi32, #tpu.memory_space<vmem>>
    %dma_start3A_148 = arith.constant 0 : i32
    %dma_start3A_149 = arith.constant 0 : i32
    %dma_start3A_150 = tpu.memref_slice %arg2[%dma_start3A_148, %dma_start3A_149] : memref<10000x16xf32, #tpu.memory_space<hbm>> -> memref<10000x16xf32, #tpu.memory_space<hbm>>
    tpu.enqueue_indirect_dma source(%dma_start3A_150 : memref<10000x16xf32, #tpu.memory_space<hbm>>) target(%dma_start3A_144 : memref<80x16xf32, #tpu.memory_space<vmem>>) offsets(%dma_start3A_147 : memref<80xi32, #tpu.memory_space<vmem>>) semaphore(%arg10 : memref<!tpu.dma_semaphore, #tpu.memory_space<semaphore_mem>>)
    %dma_start3A_151 = arith.constant 5 : i32
    %dma_start3A_152 = arith.constant 5 : i32
    %dma_start3A_153 = arith.constant 0 : i32
    %dma_start3A_154 = arith.constant 0 : i32
    %dma_start3A_155 = tpu.memref_slice %arg7[%dma_start3A_152, %dma_start3A_153, %dma_start3A_154] : memref<12x80x16xf32, #tpu.memory_space<vmem>> -> memref<1x80x16xf32, #tpu.memory_space<vmem>>
    %dma_start3A_156 = tpu.memref_squeeze %dma_start3A_155 : memref<1x80x16xf32, #tpu.memory_space<vmem>> -> memref<80x16xf32, #tpu.memory_space<vmem>>
    %dma_start3A_157 = arith.constant 0 : i32
    %dma_start3A_158 = tpu.memref_slice %arg5[%dma_start3A_151, %dma_start3A_157] : memref<125x80xi32, #tpu.memory_space<vmem>> -> memref<1x80xi32, #tpu.memory_space<vmem>>
    %dma_start3A_159 = tpu.memref_squeeze %dma_start3A_158 : memref<1x80xi32, #tpu.memory_space<vmem>> -> memref<80xi32, #tpu.memory_space<vmem>>
    %dma_start3A_160 = arith.constant 0 : i32
    %dma_start3A_161 = arith.constant 0 : i32
    %dma_start3A_162 = tpu.memref_slice %arg2[%dma_start3A_160, %dma_start3A_161] : memref<10000x16xf32, #tpu.memory_space<hbm>> -> memref<10000x16xf32, #tpu.memory_space<hbm>>
    tpu.enqueue_indirect_dma source(%dma_start3A_162 : memref<10000x16xf32, #tpu.memory_space<hbm>>) target(%dma_start3A_156 : memref<80x16xf32, #tpu.memory_space<vmem>>) offsets(%dma_start3A_159 : memref<80xi32, #tpu.memory_space<vmem>>) semaphore(%arg10 : memref<!tpu.dma_semaphore, #tpu.memory_space<semaphore_mem>>)
    %dma_start3A_163 = arith.constant 6 : i32
    %dma_start3A_164 = arith.constant 6 : i32
    %dma_start3A_165 = arith.constant 0 : i32
    %dma_start3A_166 = arith.constant 0 : i32
    %dma_start3A_167 = tpu.memref_slice %arg7[%dma_start3A_164, %dma_start3A_165, %dma_start3A_166] : memref<12x80x16xf32, #tpu.memory_space<vmem>> -> memref<1x80x16xf32, #tpu.memory_space<vmem>>
    %dma_start3A_168 = tpu.memref_squeeze %dma_start3A_167 : memref<1x80x16xf32, #tpu.memory_space<vmem>> -> memref<80x16xf32, #tpu.memory_space<vmem>>
    %dma_start3A_169 = arith.constant 0 : i32
    %dma_start3A_170 = tpu.memref_slice %arg5[%dma_start3A_163, %dma_start3A_169] : memref<125x80xi32, #tpu.memory_space<vmem>> -> memref<1x80xi32, #tpu.memory_space<vmem>>
    %dma_start3A_171 = tpu.memref_squeeze %dma_start3A_170 : memref<1x80xi32, #tpu.memory_space<vmem>> -> memref<80xi32, #tpu.memory_space<vmem>>
    %dma_start3A_172 = arith.constant 0 : i32
    %dma_start3A_173 = arith.constant 0 : i32
    %dma_start3A_174 = tpu.memref_slice %arg2[%dma_start3A_172, %dma_start3A_173] : memref<10000x16xf32, #tpu.memory_space<hbm>> -> memref<10000x16xf32, #tpu.memory_space<hbm>>
    tpu.enqueue_indirect_dma source(%dma_start3A_174 : memref<10000x16xf32, #tpu.memory_space<hbm>>) target(%dma_start3A_168 : memref<80x16xf32, #tpu.memory_space<vmem>>) offsets(%dma_start3A_171 : memref<80xi32, #tpu.memory_space<vmem>>) semaphore(%arg10 : memref<!tpu.dma_semaphore, #tpu.memory_space<semaphore_mem>>)
    %dma_start3A_175 = arith.constant 7 : i32
    %dma_start3A_176 = arith.constant 7 : i32
    %dma_start3A_177 = arith.constant 0 : i32
    %dma_start3A_178 = arith.constant 0 : i32
    %dma_start3A_179 = tpu.memref_slice %arg7[%dma_start3A_176, %dma_start3A_177, %dma_start3A_178] : memref<12x80x16xf32, #tpu.memory_space<vmem>> -> memref<1x80x16xf32, #tpu.memory_space<vmem>>
    %dma_start3A_180 = tpu.memref_squeeze %dma_start3A_179 : memref<1x80x16xf32, #tpu.memory_space<vmem>> -> memref<80x16xf32, #tpu.memory_space<vmem>>
    %dma_start3A_181 = arith.constant 0 : i32
    %dma_start3A_182 = tpu.memref_slice %arg5[%dma_start3A_175, %dma_start3A_181] : memref<125x80xi32, #tpu.memory_space<vmem>> -> memref<1x80xi32, #tpu.memory_space<vmem>>
    %dma_start3A_183 = tpu.memref_squeeze %dma_start3A_182 : memref<1x80xi32, #tpu.memory_space<vmem>> -> memref<80xi32, #tpu.memory_space<vmem>>
    %dma_start3A_184 = arith.constant 0 : i32
    %dma_start3A_185 = arith.constant 0 : i32
    %dma_start3A_186 = tpu.memref_slice %arg2[%dma_start3A_184, %dma_start3A_185] : memref<10000x16xf32, #tpu.memory_space<hbm>> -> memref<10000x16xf32, #tpu.memory_space<hbm>>
    tpu.enqueue_indirect_dma source(%dma_start3A_186 : memref<10000x16xf32, #tpu.memory_space<hbm>>) target(%dma_start3A_180 : memref<80x16xf32, #tpu.memory_space<vmem>>) offsets(%dma_start3A_183 : memref<80xi32, #tpu.memory_space<vmem>>) semaphore(%arg10 : memref<!tpu.dma_semaphore, #tpu.memory_space<semaphore_mem>>)
    %dma_start3A_187 = arith.constant 8 : i32
    %dma_start3A_188 = arith.constant 8 : i32
    %dma_start3A_189 = arith.constant 0 : i32
    %dma_start3A_190 = arith.constant 0 : i32
    %dma_start3A_191 = tpu.memref_slice %arg7[%dma_start3A_188, %dma_start3A_189, %dma_start3A_190] : memref<12x80x16xf32, #tpu.memory_space<vmem>> -> memref<1x80x16xf32, #tpu.memory_space<vmem>>
    %dma_start3A_192 = tpu.memref_squeeze %dma_start3A_191 : memref<1x80x16xf32, #tpu.memory_space<vmem>> -> memref<80x16xf32, #tpu.memory_space<vmem>>
    %dma_start3A_193 = arith.constant 0 : i32
    %dma_start3A_194 = tpu.memref_slice %arg5[%dma_start3A_187, %dma_start3A_193] : memref<125x80xi32, #tpu.memory_space<vmem>> -> memref<1x80xi32, #tpu.memory_space<vmem>>
    %dma_start3A_195 = tpu.memref_squeeze %dma_start3A_194 : memref<1x80xi32, #tpu.memory_space<vmem>> -> memref<80xi32, #tpu.memory_space<vmem>>
    %dma_start3A_196 = arith.constant 0 : i32
    %dma_start3A_197 = arith.constant 0 : i32
    %dma_start3A_198 = tpu.memref_slice %arg2[%dma_start3A_196, %dma_start3A_197] : memref<10000x16xf32, #tpu.memory_space<hbm>> -> memref<10000x16xf32, #tpu.memory_space<hbm>>
    tpu.enqueue_indirect_dma source(%dma_start3A_198 : memref<10000x16xf32, #tpu.memory_space<hbm>>) target(%dma_start3A_192 : memref<80x16xf32, #tpu.memory_space<vmem>>) offsets(%dma_start3A_195 : memref<80xi32, #tpu.memory_space<vmem>>) semaphore(%arg10 : memref<!tpu.dma_semaphore, #tpu.memory_space<semaphore_mem>>)
    %dma_start3A_199 = arith.constant 9 : i32
    %dma_start3A_200 = arith.constant 9 : i32
    %dma_start3A_201 = arith.constant 0 : i32
    %dma_start3A_202 = arith.constant 0 : i32
    %dma_start3A_203 = tpu.memref_slice %arg7[%dma_start3A_200, %dma_start3A_201, %dma_start3A_202] : memref<12x80x16xf32, #tpu.memory_space<vmem>> -> memref<1x80x16xf32, #tpu.memory_space<vmem>>
    %dma_start3A_204 = tpu.memref_squeeze %dma_start3A_203 : memref<1x80x16xf32, #tpu.memory_space<vmem>> -> memref<80x16xf32, #tpu.memory_space<vmem>>
    %dma_start3A_205 = arith.constant 0 : i32
    %dma_start3A_206 = tpu.memref_slice %arg5[%dma_start3A_199, %dma_start3A_205] : memref<125x80xi32, #tpu.memory_space<vmem>> -> memref<1x80xi32, #tpu.memory_space<vmem>>
    %dma_start3A_207 = tpu.memref_squeeze %dma_start3A_206 : memref<1x80xi32, #tpu.memory_space<vmem>> -> memref<80xi32, #tpu.memory_space<vmem>>
    %dma_start3A_208 = arith.constant 0 : i32
    %dma_start3A_209 = arith.constant 0 : i32
    %dma_start3A_210 = tpu.memref_slice %arg2[%dma_start3A_208, %dma_start3A_209] : memref<10000x16xf32, #tpu.memory_space<hbm>> -> memref<10000x16xf32, #tpu.memory_space<hbm>>
    tpu.enqueue_indirect_dma source(%dma_start3A_210 : memref<10000x16xf32, #tpu.memory_space<hbm>>) target(%dma_start3A_204 : memref<80x16xf32, #tpu.memory_space<vmem>>) offsets(%dma_start3A_207 : memref<80xi32, #tpu.memory_space<vmem>>) semaphore(%arg10 : memref<!tpu.dma_semaphore, #tpu.memory_space<semaphore_mem>>)
    %scan3A_211 = arith.constant 0 : i32
    %scan3A_212 = arith.constant 0 : i32
    %scan3A_213 = arith.constant 125 : i32
    %scan3A_214 = arith.addi %scan3A_212, %scan3A_213 : i32
    %scan3A_215 = arith.constant 1 : i32
    scf.for %scan3A_245 = %scan3A_212 to %scan3A_214 step %scan3A_215  : i32 {
      %ge3A = arith.constant 2 : i32
      %ge3A_246 = arith.cmpi sge, %scan3A_245, %ge3A : i32
      %convert_element_type3A = arith.extui %ge3A_246 : i1 to i32
      %cond3A = arith.constant 0 : i32
      %cond3A_247 = arith.cmpi ne, %convert_element_type3A, %cond3A : i32
      scf.if %cond3A_247 {
        %sub3A = arith.constant 2 : i32
        %sub3A_275 = arith.subi %scan3A_245, %sub3A : i32
        %rem3A_276 = arith.constant 12 : i32
        %rem3A_277 = arith.remsi %sub3A_275, %rem3A_276 : i32
        %sub3A_278 = arith.constant 2 : i32
        %sub3A_279 = arith.subi %scan3A_245, %sub3A_278 : i32
        %dma_wait3A_280 = arith.constant 0 : i32
        %dma_wait3A_281 = arith.constant 0 : i32
        %dma_wait3A_282 = tpu.memref_slice %arg7[%rem3A_277, %dma_wait3A_280, %dma_wait3A_281] : memref<12x80x16xf32, #tpu.memory_space<vmem>> -> memref<1x80x16xf32, #tpu.memory_space<vmem>>
        %dma_wait3A_283 = tpu.memref_squeeze %dma_wait3A_282 : memref<1x80x16xf32, #tpu.memory_space<vmem>> -> memref<80x16xf32, #tpu.memory_space<vmem>>
        %dma_wait3A_284 = arith.constant 0 : i32
        %dma_wait3A_285 = tpu.memref_slice %arg6[%sub3A_279, %dma_wait3A_284] : memref<125x80xi32, #tpu.memory_space<vmem>> -> memref<1x80xi32, #tpu.memory_space<vmem>>
        %dma_wait3A_286 = tpu.memref_squeeze %dma_wait3A_285 : memref<1x80xi32, #tpu.memory_space<vmem>> -> memref<80xi32, #tpu.memory_space<vmem>>
        %dma_wait3A_287 = arith.constant 0 : i32
        %dma_wait3A_288 = arith.constant 0 : i32
        %dma_wait3A_289 = tpu.memref_slice %arg9[%dma_wait3A_287, %dma_wait3A_288] : memref<10240x16xf32, #tpu.memory_space<vmem_shared>> -> memref<10240x16xf32, #tpu.memory_space<vmem_shared>>
        tpu.wait_indirect_dma semaphore(%arg11 : memref<!tpu.dma_semaphore, #tpu.memory_space<semaphore_mem>>) src(%dma_wait3A_283 : memref<80x16xf32, #tpu.memory_space<vmem>>) dst(%dma_wait3A_289 : memref<10240x16xf32, #tpu.memory_space<vmem_shared>>)
      } else {
      }
      %add3A_248 = arith.constant 10 : i32
      %add3A_249 = arith.addi %scan3A_245, %add3A_248 : i32
      %lt3A = arith.constant 125 : i32
      %lt3A_250 = arith.cmpi slt, %add3A_249, %lt3A : i32
      %convert_element_type3A_251 = arith.extui %lt3A_250 : i1 to i32
      %cond3A_252 = arith.constant 0 : i32
      %cond3A_253 = arith.cmpi ne, %convert_element_type3A_251, %cond3A_252 : i32
      scf.if %cond3A_253 {
        %add3A_275 = arith.constant 10 : i32
        %add3A_276 = arith.addi %scan3A_245, %add3A_275 : i32
        %add3A_277 = arith.constant 10 : i32
        %add3A_278 = arith.addi %scan3A_245, %add3A_277 : i32
        %rem3A_279 = arith.constant 12 : i32
        %rem3A_280 = arith.remsi %add3A_278, %rem3A_279 : i32
        %dma_start3A_281 = arith.constant 0 : i32
        %dma_start3A_282 = arith.constant 0 : i32
        %dma_start3A_283 = tpu.memref_slice %arg7[%rem3A_280, %dma_start3A_281, %dma_start3A_282] : memref<12x80x16xf32, #tpu.memory_space<vmem>> -> memref<1x80x16xf32, #tpu.memory_space<vmem>>
        %dma_start3A_284 = tpu.memref_squeeze %dma_start3A_283 : memref<1x80x16xf32, #tpu.memory_space<vmem>> -> memref<80x16xf32, #tpu.memory_space<vmem>>
        %dma_start3A_285 = arith.constant 0 : i32
        %dma_start3A_286 = tpu.memref_slice %arg5[%add3A_276, %dma_start3A_285] : memref<125x80xi32, #tpu.memory_space<vmem>> -> memref<1x80xi32, #tpu.memory_space<vmem>>
        %dma_start3A_287 = tpu.memref_squeeze %dma_start3A_286 : memref<1x80xi32, #tpu.memory_space<vmem>> -> memref<80xi32, #tpu.memory_space<vmem>>
        %dma_start3A_288 = arith.constant 0 : i32
        %dma_start3A_289 = arith.constant 0 : i32
        %dma_start3A_290 = tpu.memref_slice %arg2[%dma_start3A_288, %dma_start3A_289] : memref<10000x16xf32, #tpu.memory_space<hbm>> -> memref<10000x16xf32, #tpu.memory_space<hbm>>
        tpu.enqueue_indirect_dma source(%dma_start3A_290 : memref<10000x16xf32, #tpu.memory_space<hbm>>) target(%dma_start3A_284 : memref<80x16xf32, #tpu.memory_space<vmem>>) offsets(%dma_start3A_287 : memref<80xi32, #tpu.memory_space<vmem>>) semaphore(%arg10 : memref<!tpu.dma_semaphore, #tpu.memory_space<semaphore_mem>>)
      } else {
      }
      %rem3A = arith.constant 12 : i32
      %rem3A_254 = arith.remsi %scan3A_245, %rem3A : i32
      %dma_wait3A_255 = arith.constant 0 : i32
      %dma_wait3A_256 = arith.constant 0 : i32
      %dma_wait3A_257 = tpu.memref_slice %arg7[%rem3A_254, %dma_wait3A_255, %dma_wait3A_256] : memref<12x80x16xf32, #tpu.memory_space<vmem>> -> memref<1x80x16xf32, #tpu.memory_space<vmem>>
      %dma_wait3A_258 = tpu.memref_squeeze %dma_wait3A_257 : memref<1x80x16xf32, #tpu.memory_space<vmem>> -> memref<80x16xf32, #tpu.memory_space<vmem>>
      %dma_wait3A_259 = arith.constant 0 : i32
      %dma_wait3A_260 = tpu.memref_slice %arg5[%scan3A_245, %dma_wait3A_259] : memref<125x80xi32, #tpu.memory_space<vmem>> -> memref<1x80xi32, #tpu.memory_space<vmem>>
      %dma_wait3A_261 = tpu.memref_squeeze %dma_wait3A_260 : memref<1x80xi32, #tpu.memory_space<vmem>> -> memref<80xi32, #tpu.memory_space<vmem>>
      %dma_wait3A_262 = arith.constant 0 : i32
      %dma_wait3A_263 = arith.constant 0 : i32
      %dma_wait3A_264 = tpu.memref_slice %arg2[%dma_wait3A_262, %dma_wait3A_263] : memref<10000x16xf32, #tpu.memory_space<hbm>> -> memref<10000x16xf32, #tpu.memory_space<hbm>>
      tpu.wait_indirect_dma semaphore(%arg10 : memref<!tpu.dma_semaphore, #tpu.memory_space<semaphore_mem>>) src(%dma_wait3A_264 : memref<10000x16xf32, #tpu.memory_space<hbm>>) dst(%dma_wait3A_258 : memref<80x16xf32, #tpu.memory_space<vmem>>)
      %dma_start3A_265 = arith.constant 0 : i32
      %dma_start3A_266 = arith.constant 0 : i32
      %dma_start3A_267 = tpu.memref_slice %arg7[%rem3A_254, %dma_start3A_265, %dma_start3A_266] : memref<12x80x16xf32, #tpu.memory_space<vmem>> -> memref<1x80x16xf32, #tpu.memory_space<vmem>>
      %dma_start3A_268 = tpu.memref_squeeze %dma_start3A_267 : memref<1x80x16xf32, #tpu.memory_space<vmem>> -> memref<80x16xf32, #tpu.memory_space<vmem>>
      %dma_start3A_269 = arith.constant 0 : i32
      %dma_start3A_270 = tpu.memref_slice %arg6[%scan3A_245, %dma_start3A_269] : memref<125x80xi32, #tpu.memory_space<vmem>> -> memref<1x80xi32, #tpu.memory_space<vmem>>
      %dma_start3A_271 = tpu.memref_squeeze %dma_start3A_270 : memref<1x80xi32, #tpu.memory_space<vmem>> -> memref<80xi32, #tpu.memory_space<vmem>>
      %dma_start3A_272 = arith.constant 0 : i32
      %dma_start3A_273 = arith.constant 0 : i32
      %dma_start3A_274 = tpu.memref_slice %arg9[%dma_start3A_272, %dma_start3A_273] : memref<10240x16xf32, #tpu.memory_space<vmem_shared>> -> memref<10240x16xf32, #tpu.memory_space<vmem_shared>>
      tpu.enqueue_indirect_dma source(%dma_start3A_268 : memref<80x16xf32, #tpu.memory_space<vmem>>) target(%dma_start3A_274 : memref<10240x16xf32, #tpu.memory_space<vmem_shared>>) offsets(%dma_start3A_271 : memref<80xi32, #tpu.memory_space<vmem>>) semaphore(%arg11 : memref<!tpu.dma_semaphore, #tpu.memory_space<semaphore_mem>>) {add = true}
    }
    %scan3A_216 = arith.constant 125 : i32
    %dma_wait3A = arith.constant 3 : i32
    %dma_wait3A_217 = arith.constant 123 : i32
    %dma_wait3A_218 = arith.constant 0 : i32
    %dma_wait3A_219 = arith.constant 0 : i32
    %dma_wait3A_220 = tpu.memref_slice %arg7[%dma_wait3A, %dma_wait3A_218, %dma_wait3A_219] : memref<12x80x16xf32, #tpu.memory_space<vmem>> -> memref<1x80x16xf32, #tpu.memory_space<vmem>>
    %dma_wait3A_221 = tpu.memref_squeeze %dma_wait3A_220 : memref<1x80x16xf32, #tpu.memory_space<vmem>> -> memref<80x16xf32, #tpu.memory_space<vmem>>
    %dma_wait3A_222 = arith.constant 0 : i32
    %dma_wait3A_223 = tpu.memref_slice %arg6[%dma_wait3A_217, %dma_wait3A_222] : memref<125x80xi32, #tpu.memory_space<vmem>> -> memref<1x80xi32, #tpu.memory_space<vmem>>
    %dma_wait3A_224 = tpu.memref_squeeze %dma_wait3A_223 : memref<1x80xi32, #tpu.memory_space<vmem>> -> memref<80xi32, #tpu.memory_space<vmem>>
    %dma_wait3A_225 = arith.constant 0 : i32
    %dma_wait3A_226 = arith.constant 0 : i32
    %dma_wait3A_227 = tpu.memref_slice %arg9[%dma_wait3A_225, %dma_wait3A_226] : memref<10240x16xf32, #tpu.memory_space<vmem_shared>> -> memref<10240x16xf32, #tpu.memory_space<vmem_shared>>
    tpu.wait_indirect_dma semaphore(%arg11 : memref<!tpu.dma_semaphore, #tpu.memory_space<semaphore_mem>>) src(%dma_wait3A_221 : memref<80x16xf32, #tpu.memory_space<vmem>>) dst(%dma_wait3A_227 : memref<10240x16xf32, #tpu.memory_space<vmem_shared>>)
    %dma_wait3A_228 = arith.constant 4 : i32
    %dma_wait3A_229 = arith.constant 124 : i32
    %dma_wait3A_230 = arith.constant 0 : i32
    %dma_wait3A_231 = arith.constant 0 : i32
    %dma_wait3A_232 = tpu.memref_slice %arg7[%dma_wait3A_228, %dma_wait3A_230, %dma_wait3A_231] : memref<12x80x16xf32, #tpu.memory_space<vmem>> -> memref<1x80x16xf32, #tpu.memory_space<vmem>>
    %dma_wait3A_233 = tpu.memref_squeeze %dma_wait3A_232 : memref<1x80x16xf32, #tpu.memory_space<vmem>> -> memref<80x16xf32, #tpu.memory_space<vmem>>
    %dma_wait3A_234 = arith.constant 0 : i32
    %dma_wait3A_235 = tpu.memref_slice %arg6[%dma_wait3A_229, %dma_wait3A_234] : memref<125x80xi32, #tpu.memory_space<vmem>> -> memref<1x80xi32, #tpu.memory_space<vmem>>
    %dma_wait3A_236 = tpu.memref_squeeze %dma_wait3A_235 : memref<1x80xi32, #tpu.memory_space<vmem>> -> memref<80xi32, #tpu.memory_space<vmem>>
    %dma_wait3A_237 = arith.constant 0 : i32
    %dma_wait3A_238 = arith.constant 0 : i32
    %dma_wait3A_239 = tpu.memref_slice %arg9[%dma_wait3A_237, %dma_wait3A_238] : memref<10240x16xf32, #tpu.memory_space<vmem_shared>> -> memref<10240x16xf32, #tpu.memory_space<vmem_shared>>
    tpu.wait_indirect_dma semaphore(%arg11 : memref<!tpu.dma_semaphore, #tpu.memory_space<semaphore_mem>>) src(%dma_wait3A_233 : memref<80x16xf32, #tpu.memory_space<vmem>>) dst(%dma_wait3A_239 : memref<10240x16xf32, #tpu.memory_space<vmem_shared>>)
    %barrier3A_240 = arith.constant 0 : index
    tpu.barrier barrier_id(%barrier3A_240)
    %mul3A_241 = arith.constant 640 : i32
    %mul3A_242 = arith.muli %arg1, %mul3A_241 : i32
    %mul3A_243 = arith.constant 640 : i32
    %mul3A_244 = arith.muli %arg1, %mul3A_243 : i32
    "tpu.region"() ({
      %run_scoped3A_245 = tpu.sem_alloc : memref<!tpu.dma_semaphore, #tpu.memory_space<semaphore_mem>>
      %dma_start3A_246 = arith.constant 0 : i32
      %dma_start3A_247 = tpu.memref_slice %arg4[%arg0, %mul3A_244, %dma_start3A_246] : memref<2x10240x16xf32, #tpu.memory_space<hbm>> -> memref<1x640x16xf32, #tpu.memory_space<hbm>>
      %dma_start3A_248 = tpu.memref_squeeze %dma_start3A_247 : memref<1x640x16xf32, #tpu.memory_space<hbm>> -> memref<640x16xf32, #tpu.memory_space<hbm>>
      %dma_start3A_249 = arith.constant 0 : i32
      %dma_start3A_250 = tpu.memref_slice %arg9[%mul3A_242, %dma_start3A_249] : memref<10240x16xf32, #tpu.memory_space<vmem_shared>> -> memref<640x16xf32, #tpu.memory_space<vmem_shared>>
      tpu.enqueue_dma source(%dma_start3A_250 : memref<640x16xf32, #tpu.memory_space<vmem_shared>>) target(%dma_start3A_248 : memref<640x16xf32, #tpu.memory_space<hbm>>) target_semaphore(%run_scoped3A_245 : memref<!tpu.dma_semaphore, #tpu.memory_space<semaphore_mem>>)
      %dma_wait3A_251 = arith.constant 0 : i32
      %dma_wait3A_252 = tpu.memref_slice %arg4[%arg0, %mul3A_244, %dma_wait3A_251] : memref<2x10240x16xf32, #tpu.memory_space<hbm>> -> memref<1x640x16xf32, #tpu.memory_space<hbm>>
      %dma_wait3A_253 = tpu.memref_squeeze %dma_wait3A_252 : memref<1x640x16xf32, #tpu.memory_space<hbm>> -> memref<640x16xf32, #tpu.memory_space<hbm>>
      %dma_wait3A_254 = arith.constant 0 : i32
      %dma_wait3A_255 = tpu.memref_slice %arg9[%mul3A_242, %dma_wait3A_254] : memref<10240x16xf32, #tpu.memory_space<vmem_shared>> -> memref<640x16xf32, #tpu.memory_space<vmem_shared>>
      tpu.wait_dma2 semaphore(%run_scoped3A_245 : memref<!tpu.dma_semaphore, #tpu.memory_space<semaphore_mem>>) src(%dma_wait3A_255 : memref<640x16xf32, #tpu.memory_space<vmem_shared>>) dst(%dma_wait3A_253 : memref<640x16xf32, #tpu.memory_space<hbm>>)
      tpu.yield
    }) : () -> ()
    return
  }
}

module attributes {stable_mosaic.version = 14 : i64} {
  func.func @_tc1_body(%arg0: i32, %arg1: memref<10000x128xf32, #tpu.memory_space<vmem>>, %arg2: memref<128x128xf32, #tpu.memory_space<vmem>>, %arg3: memref<10000x80xf32, #tpu.memory_space<vmem>>, %arg4: memref<10000x64xf32, #tpu.memory_space<vmem>>) attributes {dimension_semantics = [#tpu.dimension_semantics<arbitrary>], iteration_bounds = array<i64: 1>, scalar_prefetch = 0 : i64, scratch_operands = 0 : i64, tpu.core_type = #tpu.core_type<tc>, window_params = [{transform_indices = @transform_0, window_bounds = array<i64: 10000, 128>}, {pipeline_mode = #tpu.pipeline_mode<synchronous>, transform_indices = @transform_1, window_bounds = array<i64: 128, 128>}, {transform_indices = @transform_2, window_bounds = array<i64: 10000, 80>}, {transform_indices = @transform_3, window_bounds = array<i64: 10000, 64>}]} {
    %get3A = arith.constant 0 : index
    %get3A_0 = arith.constant 0 : index
    %get3A_1 = vector.load %arg1[%get3A, %get3A_0] : memref<10000x128xf32, #tpu.memory_space<vmem>>, vector<10000x128xf32>
    %get3A_2 = arith.constant 0 : index
    %get3A_3 = arith.constant 0 : index
    %get3A_4 = vector.load %arg2[%get3A_2, %get3A_3] : memref<128x128xf32, #tpu.memory_space<vmem>>, vector<128x128xf32>
    %dot_general3A = arith.constant dense<0.000000e+00> : vector<10000x128xf32>
    %dot_general3A_5 = tpu.matmul %get3A_1, %get3A_4, %dot_general3A {dimension_numbers = #tpu.dot_dimension_numbers<[1], [1], [0], [0], [0, 0, 1, 0], [], []>, transpose_lhs_hint = false} : vector<10000x128xf32>, vector<128x128xf32>, vector<10000x128xf32> -> vector<10000x128xf32>
    %slice3A = vector.extract_strided_slice %dot_general3A_5 {offsets = [0, 0], sizes = [10000, 64], strides = [1, 1]} : vector<10000x128xf32> to vector<10000x64xf32>
    %swap3A = arith.constant 0 : index
    %swap3A_6 = arith.constant 0 : index
    %swap3A_7 = vector.load %arg3[%swap3A, %swap3A_6] : memref<10000x80xf32, #tpu.memory_space<vmem>>, vector<10000x64xf32>
    tpu.vector_store %arg3[%swap3A, %swap3A_6], %slice3A {strides = array<i32>} : memref<10000x80xf32, #tpu.memory_space<vmem>>, vector<10000x64xf32>,
    %broadcast_in_dim3A = arith.constant 1.000000e+00 : f32
    %broadcast_in_dim3A_8 = vector.broadcast %broadcast_in_dim3A : f32 to vector<10000x16xf32>
    %swap3A_9 = arith.constant 0 : index
    %swap3A_10 = arith.constant 64 : index
    %swap3A_11 = vector.load %arg3[%swap3A_9, %swap3A_10] : memref<10000x80xf32, #tpu.memory_space<vmem>>, vector<10000x16xf32>
    tpu.vector_store %arg3[%swap3A_9, %swap3A_10], %broadcast_in_dim3A_8 {strides = array<i32>} : memref<10000x80xf32, #tpu.memory_space<vmem>>, vector<10000x16xf32>,
    %slice3A_12 = vector.extract_strided_slice %dot_general3A_5 {offsets = [0, 64], sizes = [10000, 64], strides = [1, 1]} : vector<10000x128xf32> to vector<10000x64xf32>
    %swap3A_13 = arith.constant 0 : index
    %swap3A_14 = arith.constant 0 : index
    %swap3A_15 = vector.load %arg4[%swap3A_13, %swap3A_14] : memref<10000x64xf32, #tpu.memory_space<vmem>>, vector<10000x64xf32>
    tpu.vector_store %arg4[%swap3A_13, %swap3A_14], %slice3A_12 {strides = array<i32>} : memref<10000x64xf32, #tpu.memory_space<vmem>>, vector<10000x64xf32>,
    return
  }
  func.func @transform_0(%arg0: i32) -> (i32, i32) {
    %c0_i32 = arith.constant 0 : i32
    %c0_i32_0 = arith.constant 0 : i32
    return %arg0, %c0_i32 : i32, i32
  }
  func.func @transform_1(%arg0: i32) -> (i32, i32) {
    %c0_i32 = arith.constant 0 : i32
    %c0_i32_0 = arith.constant 0 : i32
    %c0_i32_1 = arith.constant 0 : i32
    return %c0_i32, %c0_i32_0 : i32, i32
  }
  func.func @transform_2(%arg0: i32) -> (i32, i32) {
    %c0_i32 = arith.constant 0 : i32
    %c0_i32_0 = arith.constant 0 : i32
    return %arg0, %c0_i32 : i32, i32
  }
  func.func @transform_3(%arg0: i32) -> (i32, i32) {
    %c0_i32 = arith.constant 0 : i32
    %c0_i32_0 = arith.constant 0 : i32
    return %arg0, %c0_i32 : i32, i32
  }
}

module attributes {stable_mosaic.version = 14 : i64} {
  func.func @_tc2_body(%arg0: i32, %arg1: memref<2x10000x80xf32, #tpu.memory_space<vmem>>, %arg2: memref<2x10000x64xf32, #tpu.memory_space<vmem>>, %arg3: memref<10000x128xf32, #tpu.memory_space<vmem>>, %arg4: memref<128x128xf32, #tpu.memory_space<vmem>>, %arg5: memref<1x128xf32, #tpu.memory_space<vmem>>, %arg6: memref<16x128xf32, #tpu.memory_space<vmem>>, %arg7: memref<1x16xf32, #tpu.memory_space<vmem>>, %arg8: memref<16x128xf32, #tpu.memory_space<vmem>>, %arg9: memref<10000x16xf32, #tpu.memory_space<vmem>>, %arg10: memref<10000x16xf32, #tpu.memory_space<vmem>>, %arg11: memref<10000x16xf32, #tpu.memory_space<vmem>>) attributes {dimension_semantics = [#tpu.dimension_semantics<arbitrary>], iteration_bounds = array<i64: 1>, scalar_prefetch = 0 : i64, scratch_operands = 0 : i64, tpu.core_type = #tpu.core_type<tc>, window_params = [{transform_indices = @transform_0, window_bounds = array<i64: 2, 10000, 80>}, {transform_indices = @transform_1, window_bounds = array<i64: 2, 10000, 64>}, {transform_indices = @transform_2, window_bounds = array<i64: 10000, 128>}, {pipeline_mode = #tpu.pipeline_mode<synchronous>, transform_indices = @transform_3, window_bounds = array<i64: 128, 128>}, {pipeline_mode = #tpu.pipeline_mode<synchronous>, transform_indices = @transform_4, window_bounds = array<i64: 1, 128>}, {pipeline_mode = #tpu.pipeline_mode<synchronous>, transform_indices = @transform_5, window_bounds = array<i64: 16, 128>}, {pipeline_mode = #tpu.pipeline_mode<synchronous>, transform_indices = @transform_6, window_bounds = array<i64: 1, 16>}, {pipeline_mode = #tpu.pipeline_mode<synchronous>, transform_indices = @transform_7, window_bounds = array<i64: 16, 128>}, {transform_indices = @transform_8, window_bounds = array<i64: 10000, 16>}, {transform_indices = @transform_9, window_bounds = array<i64: 10000, 16>}, {transform_indices = @transform_10, window_bounds = array<i64: 10000, 16>}]} {
    %get3A = arith.constant 0 : index
    %get3A_0 = arith.constant 0 : index
    %get3A_1 = arith.constant 0 : index
    %get3A_2 = vector.load %arg1[%get3A, %get3A_0, %get3A_1] : memref<2x10000x80xf32, #tpu.memory_space<vmem>>, vector<1x10000x80xf32>
    %get3A_3 = vector.shape_cast %get3A_2 : vector<1x10000x80xf32> to vector<10000x80xf32>
    %get3A_4 = arith.constant 1 : index
    %get3A_5 = arith.constant 0 : index
    %get3A_6 = arith.constant 0 : index
    %get3A_7 = vector.load %arg1[%get3A_4, %get3A_5, %get3A_6] : memref<2x10000x80xf32, #tpu.memory_space<vmem>>, vector<1x10000x80xf32>
    %get3A_8 = vector.shape_cast %get3A_7 : vector<1x10000x80xf32> to vector<10000x80xf32>
    %add3A = arith.addf %get3A_3, %get3A_8 : vector<10000x80xf32>
    %get3A_9 = arith.constant 0 : index
    %get3A_10 = arith.constant 0 : index
    %get3A_11 = arith.constant 0 : index
    %get3A_12 = vector.load %arg2[%get3A_9, %get3A_10, %get3A_11] : memref<2x10000x64xf32, #tpu.memory_space<vmem>>, vector<1x10000x64xf32>
    %get3A_13 = vector.shape_cast %get3A_12 : vector<1x10000x64xf32> to vector<10000x64xf32>
    %get3A_14 = arith.constant 1 : index
    %get3A_15 = arith.constant 0 : index
    %get3A_16 = arith.constant 0 : index
    %get3A_17 = vector.load %arg2[%get3A_14, %get3A_15, %get3A_16] : memref<2x10000x64xf32, #tpu.memory_space<vmem>>, vector<1x10000x64xf32>
    %get3A_18 = vector.shape_cast %get3A_17 : vector<1x10000x64xf32> to vector<10000x64xf32>
    %add3A_19 = arith.addf %get3A_13, %get3A_18 : vector<10000x64xf32>
    %slice3A = vector.extract_strided_slice %add3A {offsets = [0, 64], sizes = [10000, 1], strides = [1, 1]} : vector<10000x80xf32> to vector<10000x1xf32>
    %max3A = arith.constant 1.000000e+00 : f32
    %max3A_20 = vector.broadcast %max3A : f32 to vector<10000x1xf32>
    %max3A_21 = arith.maximumf %slice3A, %max3A_20 : vector<10000x1xf32>
    %div3A = arith.constant 1.000000e+00 : f32
    %div3A_22 = vector.broadcast %div3A : f32 to vector<10000x1xf32>
    %div3A_23 = arith.divf %div3A_22, %max3A_21 : vector<10000x1xf32>
    %slice3A_24 = vector.extract_strided_slice %add3A {offsets = [0, 0], sizes = [10000, 64], strides = [1, 1]} : vector<10000x80xf32> to vector<10000x64xf32>
    %concatenate3A = tpu.concatenate %slice3A_24, %add3A_19 in 1 : vector<10000x64xf32>, vector<10000x64xf32> -> vector<10000x128xf32>
    %mul3A = vector.broadcast %div3A_23 : vector<10000x1xf32> to vector<10000x128xf32>
    %mul3A_25 = arith.mulf %concatenate3A, %mul3A : vector<10000x128xf32>
    %get3A_26 = arith.constant 0 : index
    %get3A_27 = arith.constant 0 : index
    %get3A_28 = vector.load %arg5[%get3A_26, %get3A_27] : memref<1x128xf32, #tpu.memory_space<vmem>>, vector<1x128xf32>
    %add3A_29 = vector.broadcast %get3A_28 : vector<1x128xf32> to vector<10000x128xf32>
    %add3A_30 = arith.addf %mul3A_25, %add3A_29 : vector<10000x128xf32>
    %get3A_31 = arith.constant 0 : index
    %get3A_32 = arith.constant 0 : index
    %get3A_33 = vector.load %arg3[%get3A_31, %get3A_32] : memref<10000x128xf32, #tpu.memory_space<vmem>>, vector<10000x128xf32>
    %get3A_34 = arith.constant 0 : index
    %get3A_35 = arith.constant 0 : index
    %get3A_36 = vector.load %arg4[%get3A_34, %get3A_35] : memref<128x128xf32, #tpu.memory_space<vmem>>, vector<128x128xf32>
    %dot_general3A = arith.constant dense<0.000000e+00> : vector<10000x128xf32>
    %dot_general3A_37 = tpu.matmul %get3A_33, %get3A_36, %dot_general3A {dimension_numbers = #tpu.dot_dimension_numbers<[1], [1], [0], [0], [0, 0, 1, 0], [], []>, transpose_lhs_hint = false} : vector<10000x128xf32>, vector<128x128xf32>, vector<10000x128xf32> -> vector<10000x128xf32>
    %add3A_38 = arith.addf %add3A_30, %dot_general3A_37 : vector<10000x128xf32>
    %max3A_39 = arith.constant 0.000000e+00 : f32
    %max3A_40 = vector.broadcast %max3A_39 : f32 to vector<10000x128xf32>
    %max3A_41 = arith.maximumf %add3A_38, %max3A_40 : vector<10000x128xf32>
    %get3A_42 = arith.constant 0 : index
    %get3A_43 = arith.constant 0 : index
    %get3A_44 = vector.load %arg6[%get3A_42, %get3A_43] : memref<16x128xf32, #tpu.memory_space<vmem>>, vector<16x128xf32>
    %dot_general3A_45 = arith.constant dense<0.000000e+00> : vector<10000x16xf32>
    %dot_general3A_46 = tpu.matmul %max3A_41, %get3A_44, %dot_general3A_45 {dimension_numbers = #tpu.dot_dimension_numbers<[1], [1], [0], [0], [0, 0, 1, 0], [], []>, transpose_lhs_hint = false} : vector<10000x128xf32>, vector<16x128xf32>, vector<10000x16xf32> -> vector<10000x16xf32>
    %swap3A = arith.constant 0 : index
    %swap3A_47 = arith.constant 0 : index
    %swap3A_48 = vector.load %arg9[%swap3A, %swap3A_47] : memref<10000x16xf32, #tpu.memory_space<vmem>>, vector<10000x16xf32>
    tpu.vector_store %arg9[%swap3A, %swap3A_47], %dot_general3A_46 {strides = array<i32>} : memref<10000x16xf32, #tpu.memory_space<vmem>>, vector<10000x16xf32>,
    %get3A_49 = arith.constant 0 : index
    %get3A_50 = arith.constant 0 : index
    %get3A_51 = vector.load %arg8[%get3A_49, %get3A_50] : memref<16x128xf32, #tpu.memory_space<vmem>>, vector<16x128xf32>
    %dot_general3A_52 = arith.constant dense<0.000000e+00> : vector<10000x16xf32>
    %dot_general3A_53 = tpu.matmul %max3A_41, %get3A_51, %dot_general3A_52 {dimension_numbers = #tpu.dot_dimension_numbers<[1], [1], [0], [0], [0, 0, 1, 0], [], []>, transpose_lhs_hint = false} : vector<10000x128xf32>, vector<16x128xf32>, vector<10000x16xf32> -> vector<10000x16xf32>
    %get3A_54 = arith.constant 0 : index
    %get3A_55 = arith.constant 0 : index
    %get3A_56 = vector.load %arg7[%get3A_54, %get3A_55] : memref<1x16xf32, #tpu.memory_space<vmem>>, vector<1x16xf32>
    %add3A_57 = vector.broadcast %get3A_56 : vector<1x16xf32> to vector<10000x16xf32>
    %add3A_58 = arith.addf %dot_general3A_53, %add3A_57 : vector<10000x16xf32>
    %swap3A_59 = arith.constant 0 : index
    %swap3A_60 = arith.constant 0 : index
    %swap3A_61 = vector.load %arg10[%swap3A_59, %swap3A_60] : memref<10000x16xf32, #tpu.memory_space<vmem>>, vector<10000x16xf32>
    tpu.vector_store %arg10[%swap3A_59, %swap3A_60], %add3A_58 {strides = array<i32>} : memref<10000x16xf32, #tpu.memory_space<vmem>>, vector<10000x16xf32>,
    %broadcast_in_dim3A = vector.shape_cast %div3A_23 : vector<10000x1xf32> to vector<10000x1xf32>
    %broadcast_in_dim3A_62 = vector.broadcast %broadcast_in_dim3A : vector<10000x1xf32> to vector<10000x16xf32>
    %swap3A_63 = arith.constant 0 : index
    %swap3A_64 = arith.constant 0 : index
    %swap3A_65 = vector.load %arg11[%swap3A_63, %swap3A_64] : memref<10000x16xf32, #tpu.memory_space<vmem>>, vector<10000x16xf32>
    tpu.vector_store %arg11[%swap3A_63, %swap3A_64], %broadcast_in_dim3A_62 {strides = array<i32>} : memref<10000x16xf32, #tpu.memory_space<vmem>>, vector<10000x16xf32>,
    return
  }
  func.func @transform_0(%arg0: i32) -> (i32, i32, i32) {
    %c0_i32 = arith.constant 0 : i32
    %c0_i32_0 = arith.constant 0 : i32
    %c0_i32_1 = arith.constant 0 : i32
    return %c0_i32, %arg0, %c0_i32_0 : i32, i32, i32
  }
  func.func @transform_1(%arg0: i32) -> (i32, i32, i32) {
    %c0_i32 = arith.constant 0 : i32
    %c0_i32_0 = arith.constant 0 : i32
    %c0_i32_1 = arith.constant 0 : i32
    return %c0_i32, %arg0, %c0_i32_0 : i32, i32, i32
  }
  func.func @transform_2(%arg0: i32) -> (i32, i32) {
    %c0_i32 = arith.constant 0 : i32
    %c0_i32_0 = arith.constant 0 : i32
    return %arg0, %c0_i32 : i32, i32
  }
  func.func @transform_3(%arg0: i32) -> (i32, i32) {
    %c0_i32 = arith.constant 0 : i32
    %c0_i32_0 = arith.constant 0 : i32
    %c0_i32_1 = arith.constant 0 : i32
    return %c0_i32, %c0_i32_0 : i32, i32
  }
  func.func @transform_4(%arg0: i32) -> (i32, i32) {
    %c0_i32 = arith.constant 0 : i32
    %c0_i32_0 = arith.constant 0 : i32
    %c0_i32_1 = arith.constant 0 : i32
    return %c0_i32, %c0_i32_0 : i32, i32
  }
  func.func @transform_5(%arg0: i32) -> (i32, i32) {
    %c0_i32 = arith.constant 0 : i32
    %c0_i32_0 = arith.constant 0 : i32
    %c0_i32_1 = arith.constant 0 : i32
    return %c0_i32, %c0_i32_0 : i32, i32
  }
  func.func @transform_6(%arg0: i32) -> (i32, i32) {
    %c0_i32 = arith.constant 0 : i32
    %c0_i32_0 = arith.constant 0 : i32
    %c0_i32_1 = arith.constant 0 : i32
    return %c0_i32, %c0_i32_0 : i32, i32
  }
  func.func @transform_7(%arg0: i32) -> (i32, i32) {
    %c0_i32 = arith.constant 0 : i32
    %c0_i32_0 = arith.constant 0 : i32
    %c0_i32_1 = arith.constant 0 : i32
    return %c0_i32, %c0_i32_0 : i32, i32
  }
  func.func @transform_8(%arg0: i32) -> (i32, i32) {
    %c0_i32 = arith.constant 0 : i32
    %c0_i32_0 = arith.constant 0 : i32
    return %arg0, %c0_i32 : i32, i32
  }
  func.func @transform_9(%arg0: i32) -> (i32, i32) {
    %c0_i32 = arith.constant 0 : i32
    %c0_i32_0 = arith.constant 0 : i32
    return %arg0, %c0_i32 : i32, i32
  }
  func.func @transform_10(%arg0: i32) -> (i32, i32) {
    %c0_i32 = arith.constant 0 : i32
    %c0_i32_0 = arith.constant 0 : i32
    return %arg0, %c0_i32 : i32, i32
  }
}

module attributes {stable_mosaic.version = 14 : i64} {
  func.func @_tc3_body(%arg0: i32, %arg1: memref<2x10000x16xf32, #tpu.memory_space<vmem>>, %arg2: memref<10000x16xf32, #tpu.memory_space<vmem>>, %arg3: memref<10000x16xf32, #tpu.memory_space<vmem>>, %arg4: memref<10000x16xf32, #tpu.memory_space<vmem>>) attributes {dimension_semantics = [#tpu.dimension_semantics<arbitrary>], iteration_bounds = array<i64: 1>, scalar_prefetch = 0 : i64, scratch_operands = 0 : i64, tpu.core_type = #tpu.core_type<tc>, window_params = [{transform_indices = @transform_0, window_bounds = array<i64: 2, 10000, 16>}, {transform_indices = @transform_1, window_bounds = array<i64: 10000, 16>}, {transform_indices = @transform_2, window_bounds = array<i64: 10000, 16>}, {transform_indices = @transform_3, window_bounds = array<i64: 10000, 16>}]} {
    %get3A = arith.constant 0 : index
    %get3A_0 = arith.constant 0 : index
    %get3A_1 = arith.constant 0 : index
    %get3A_2 = vector.load %arg1[%get3A, %get3A_0, %get3A_1] : memref<2x10000x16xf32, #tpu.memory_space<vmem>>, vector<1x10000x16xf32>
    %get3A_3 = vector.shape_cast %get3A_2 : vector<1x10000x16xf32> to vector<10000x16xf32>
    %get3A_4 = arith.constant 1 : index
    %get3A_5 = arith.constant 0 : index
    %get3A_6 = arith.constant 0 : index
    %get3A_7 = vector.load %arg1[%get3A_4, %get3A_5, %get3A_6] : memref<2x10000x16xf32, #tpu.memory_space<vmem>>, vector<1x10000x16xf32>
    %get3A_8 = vector.shape_cast %get3A_7 : vector<1x10000x16xf32> to vector<10000x16xf32>
    %add3A = arith.addf %get3A_3, %get3A_8 : vector<10000x16xf32>
    %get3A_9 = arith.constant 0 : index
    %get3A_10 = arith.constant 0 : index
    %get3A_11 = vector.load %arg2[%get3A_9, %get3A_10] : memref<10000x16xf32, #tpu.memory_space<vmem>>, vector<10000x16xf32>
    %mul3A = arith.mulf %add3A, %get3A_11 : vector<10000x16xf32>
    %get3A_12 = arith.constant 0 : index
    %get3A_13 = arith.constant 0 : index
    %get3A_14 = vector.load %arg3[%get3A_12, %get3A_13] : memref<10000x16xf32, #tpu.memory_space<vmem>>, vector<10000x16xf32>
    %add3A_15 = arith.addf %mul3A, %get3A_14 : vector<10000x16xf32>
    %swap3A = arith.constant 0 : index
    %swap3A_16 = arith.constant 0 : index
    %swap3A_17 = vector.load %arg4[%swap3A, %swap3A_16] : memref<10000x16xf32, #tpu.memory_space<vmem>>, vector<10000x16xf32>
    tpu.vector_store %arg4[%swap3A, %swap3A_16], %add3A_15 {strides = array<i32>} : memref<10000x16xf32, #tpu.memory_space<vmem>>, vector<10000x16xf32>,
    return
  }
  func.func @transform_0(%arg0: i32) -> (i32, i32, i32) {
    %c0_i32 = arith.constant 0 : i32
    %c0_i32_0 = arith.constant 0 : i32
    %c0_i32_1 = arith.constant 0 : i32
    return %c0_i32, %arg0, %c0_i32_0 : i32, i32, i32
  }
  func.func @transform_1(%arg0: i32) -> (i32, i32) {
    %c0_i32 = arith.constant 0 : i32
    %c0_i32_0 = arith.constant 0 : i32
    return %arg0, %c0_i32 : i32, i32
  }
  func.func @transform_2(%arg0: i32) -> (i32, i32) {
    %c0_i32 = arith.constant 0 : i32
    %c0_i32_0 = arith.constant 0 : i32
    return %arg0, %c0_i32 : i32, i32
  }
  func.func @transform_3(%arg0: i32) -> (i32, i32) {
    %c0_i32 = arith.constant 0 : i32
    %c0_i32_0 = arith.constant 0 : i32
    return %arg0, %c0_i32 : i32, i32
  }
}

</mosaic_0001>

<sc_bundles>
// kernel: kernel.11.cloned.1.call-start
scs
__scs_entry_jumppad:
0x0: {  	(pc) =	sbr.rel $0x88, $3  }
0x1: {  	(tag) =	ssettag $0x0;
	lr =	simm.s32 $0x1  }
0x2: {  	[smem:$0x3F99] =	sst lr;
	_ =	strace $0xD0000000  }
0x3: {  	_ = 	snop  }
0x4: {  	_ = 	snop  }
0x5: {  	_ = 	snop  }
0x6: {  	_ = 	snop  }
0x7: {  	_ = 	snop  }
__scs_overlays_trampoline_lowered:
0x8: {  	[smem:$0x3FA8] =	sst s0  }
0x9: {  	[smem:$0x3FA9] =	sst s1  }
0xa: {  	[smem:$0x3FAA] =	sst s2  }
0xb: {  	[smem:$0x3FAB] =	sst s3  }
0xc: {  	[smem:$0x3FAC] =	sst s4  }
0xd: {  	[smem:$0x3FAD] =	sst s5  }
0xe: {  	[smem:$0x3FAE] =	sst s6  }
0xf: {  	[smem:$0x3FAF] =	sst s7  }
0x10: {  	[smem:$0x3FB0] =	sst s8  }
0x11: {  	[smem:$0x3FB1] =	sst s9;
	s0 =	simm.s32 @!p0 $0x0  }
0x12: {  	s1 =	sld [smem:$0x3F97];
	s0 =	simm.s32 @p0 $0x1  }
0x13: {  	[smem:$0x3FB2] =	sst s0;
	s0 =	simm.s32 @!p1 $0x0  }
0x14: {  	s2 =	sld [smem:$0x3F96];
	s0 =	simm.s32 @p1 $0x1  }
0x15: {  	[smem:$0x3FB3] =	sst s0;
	s0 =	simm.s32 @!p2 $0x0  }
0x16: {  	s3 =	sld [smem:$0x3FDB];
	s0 =	simm.s32 @p2 $0x1  }
0x17: {  	s4 =	simm.s32 $0x1BF5;
	[smem:$0x3FB5] =	sst s0  }
0x18: {  	s0 =	sld [smem:$0x3F98];
	_ =	swait.ge [sflag:s4], $0x0  }
0x19: {  	s7 =	sld [smem:$0x3F99]  }
0x1a: {  	s8 =	sadd.s32 $0xFFFFE003, lr  }
0x1b: {  	s9 =	sadd.s32 $0xFFFFFEF7, lr;
	s5 =	simm.s32 $0xFFFFFFFF;
	p2 =	slt.u32 s8, $0xFFFFF086  }
0x1c: {  	p1 =	slt.u32 s9, $0xF7A;
	s5 =	simm.s32 @!p2 $0x0  }
0x1d: {  	s5 =	simm.s32 @p1 $0x1;
	p0 =	seq.s32 s7, s2  }
0x1e: {  	s7 =	smul.u32 @!p0 $0xF7A, s2;
	p2 =	seq.s32 @!p0 s5, $0x0  }
0x1f: {  	s9 =	smul.u32 $0xF7A, s1;
	s8 =	simm.s32 @!p0 $0x1BF5;
	p2 =	por !p2, p0  }
0x20: {  	[sflag:s8] =	ssyncset.s32 @!p0 $0xFFFFF086;
	s6 =	sadd.s32 @!p0 s3, s7;
	s7 =	simm.s32 @!p0 $0x108  }
0x21: {  	s3 =	sadd.s32 s3, s9;
	s6 =	sadd.s32 @!p0 $0x88, s6;
	s7 =	simm.s32 @p2 $0x1082  }
0x22: {  	[simem:s7], [sflag:s8] =	dma.local @!p0 [hbm:s6], $0xF7A  }
0x23: {  	s9 =	sor.u32 $0xD0000000, s2;
	s6 =	simm.s32 $0x108;
	_ =	swait.ge @!p0 [sflag:s8], $0x0  }
0x24: {  	s3 =	sadd.s32 $0x88, s3;
	s6 =	simm.s32 @!p1 $0x1082;
	[sflag:s4] =	ssyncset.s32 $0xFFFFF086  }
0x25: {  	[simem:s6], [sflag:s4] =	dma.local [hbm:s3], $0xF7A  }
0x26: {  	[smem:$0x3F99] =	sst s1;
	(tag) =	ssettag s2;
	_ =	strace s9  }
0x27: {  	s1 =	sld [smem:$0x3FA9]  }
0x28: {  	s2 =	sld [smem:$0x3FAA]  }
0x29: {  	s4 =	sld [smem:$0x3FAC]  }
0x2a: {  	p0 =	seq.s32 s5, $0x0;
	s5 =	sld [smem:$0x3FAD]  }
0x2b: {  	s6 =	sld [smem:$0x3FAE]  }
0x2c: {  	s7 =	sld [smem:$0x3FAF]  }
0x2d: {  	s3 =	simm.s32 $0x108;
	s8 =	sld [smem:$0x3FB0]  }
0x2e: {  	s3 =	simm.s32 @!p0 $0x1082;
	s9 =	sld [smem:$0x3FB1]  }
0x2f: {  	lr =	sadd.s32 s0, s3;
	s0 =	sld [smem:$0x3FA8]  }
0x30: {  	s3 =	sld [smem:$0x3FAB]  }
0x31: {  	[smem:$0x3FB4] =	sst s10  }
0x32: {  	s10 =	sld [smem:$0x3FB2];
	_ =	sdelay $0x3  }
0x33: {  	p0 =	seq.s32 s10, $0x1;
	s10 =	sld [smem:$0x3FB4];
	_ =	sdelay $0x3  }
0x34: {  	[smem:$0x3FB4] =	sst s10  }
0x35: {  	s10 =	sld [smem:$0x3FB3];
	_ =	sdelay $0x3  }
0x36: {  	p1 =	seq.s32 s10, $0x1;
	s10 =	sld [smem:$0x3FB4];
	_ =	sdelay $0x3  }
0x37: {  	[smem:$0x3FB4] =	sst s10  }
0x38: {  	s10 =	sld [smem:$0x3FB5]  }
0x39: {  	_ = 	snop;
	(pc) =	sbr.ind lr, $3  }
0x3a: {  	_ = 	snop  }
0x3b: {  	_ = 	snop  }
0x3c: {  	p2 =	seq.s32 s10, $0x1;
	s10 =	sld [smem:$0x3FB4]  }
0x3d: {  	_ =	shalt  }
0x3e: {  	_ =	shalt  }
0x3f: {  	_ =	shalt  }
0x40: {  	_ =	shalt  }
0x41: {  	_ =	shalt  }
0x42: {  	_ =	shalt  }
0x43: {  	_ =	shalt  }
0x44: {  	_ =	shalt  }
0x45: {  	_ =	shalt  }
0x46: {  	_ =	shalt  }
0x47: {  	_ =	shalt  }
0x48: {  	_ =	shalt  }
0x49: {  	_ =	shalt  }
0x4a: {  	_ =	shalt  }
0x4b: {  	_ =	shalt  }
0x4c: {  	_ =	shalt  }
0x4d: {  	_ =	shalt  }
0x4e: {  	_ =	shalt  }
0x4f: {  	_ =	shalt  }
0x50: {  	_ =	shalt  }
0x51: {  	_ =	shalt  }
0x52: {  	_ =	shalt  }
0x53: {  	_ =	shalt  }
0x54: {  	_ =	shalt  }
0x55: {  	_ =	shalt  }
0x56: {  	_ =	shalt  }
0x57: {  	_ =	shalt  }
0x58: {  	_ =	shalt  }
0x59: {  	_ =	shalt  }
0x5a: {  	_ =	shalt  }
0x5b: {  	_ =	shalt  }
0x5c: {  	_ =	shalt  }
0x5d: {  	_ =	shalt  }
0x5e: {  	_ =	shalt  }
0x5f: {  	_ =	shalt  }
0x60: {  	_ =	shalt  }
0x61: {  	_ =	shalt  }
0x62: {  	_ =	shalt  }
0x63: {  	_ =	shalt  }
0x64: {  	_ =	shalt  }
0x65: {  	_ =	shalt  }
0x66: {  	_ =	shalt  }
0x67: {  	_ =	shalt  }
0x68: {  	_ =	shalt  }
0x69: {  	_ =	shalt  }
0x6a: {  	_ =	shalt  }
0x6b: {  	_ =	shalt  }
0x6c: {  	_ =	shalt  }
0x6d: {  	_ =	shalt  }
0x6e: {  	_ =	shalt  }
0x6f: {  	_ =	shalt  }
0x70: {  	_ =	shalt  }
0x71: {  	_ =	shalt  }
0x72: {  	_ =	shalt  }
0x73: {  	_ =	shalt  }
0x74: {  	_ =	shalt  }
0x75: {  	_ =	shalt  }
0x76: {  	_ =	shalt  }
0x77: {  	_ =	shalt  }
0x78: {  	_ =	shalt  }
0x79: {  	_ =	shalt  }
0x7a: {  	_ =	shalt  }
0x7b: {  	_ =	shalt  }
0x7c: {  	_ =	shalt  }
0x7d: {  	_ =	shalt  }
0x7e: {  	_ =	shalt  }
0x7f: {  	_ =	shalt  }
0x80: {  	_ =	shalt  }
0x81: {  	_ =	shalt  }
0x82: {  	_ =	shalt  }
0x83: {  	_ =	shalt  }
0x84: {  	_ =	shalt  }
0x85: {  	_ =	shalt  }
0x86: {  	_ =	shalt  }
0x87: {  	_ =	shalt  }
.Lfunc_end0:
.L_simem_size_0:
called_computation.1_lowered:
.L_overlay_start_0:
0x88: {  	s2 =	sld [smem:$0x3FD9]  }
0x89: {  	s3 =	sld [smem:$0x3FFE];
	_ =	sdelay $0x1  }
0x8a: {  	s1 =	srdreg.scid  }
0x8b: {  	s0 =	sand.u32 $0x1, s1  }
0x8c: {  	s16 =	sshll.u32 s0, $0xA;
	s2 =	sadd.s32 s3, s2  }
0x8d: {  	s2 =	sadd.s32 s2, s16  }
0x8e: {  	[smem:$0x3FC0] =	sst s2  }
0x8f: {  	_ = 	snop  }
0x90: {  	(tm) =	ssettm $0x1  }
0x91: {  	s17 =	sld [smem:$0x3FFB];
	_ =	sdelay $0x3  }
0x92: {  	_ =	strace s17  }
0x93: {  	s2 =	sld [smem:$0x3FFC];
	_ =	sdelay $0x3  }
0x94: {  	_ =	strace s2  }
0x95: {  	s2 =	sld [smem:$0x3FFD];
	_ =	sdelay $0x3  }
0x96: {  	_ =	strace s2  }
0x97: {  	_ =	strace $0x8FFFFFFF  }
0x98: {  	s18 =	sld [smem:$0x3FDB];
	_ =	sdelay $0x1  }
0x99: {  	s19 =	simm.s32 $_scs_section_size  }
0x9a: {  	s4 =	simm.s32 $_size__tile_overlayer_lowered;
	s5 =	simm.s32 $_tile_overlayer_lowered  }
0x9b: {  	s22 =	simm.s32 $0x1BFF;
	s21 =	sshll.u32 s5, $0x1;
	s2 =	sadd.s32 s19, s18  }
0x9c: {  	s6 =	simm.s32 $0x0;
	s20 =	sshll.u32 s4, $0x1;
	s4 =	sadd.s32 s21, s2  }
0x9d: {  	[timem:s6], [sflag:s22] =	dma.local [hbm:s4], s20  }
0x9e: {  	_ =	swait.ge [sflag:s22], s20  }
0x9f: {  	s3 =	ssub.s32 $0x0, s20;
	[sflag:s22] =	ssyncset.done $0x0  }
0xa0: {  	[sflag:s22] =	ssyncadd.s32 s3;
	_ =	sdelay $0x1  }
0xa1: {  	s23 =	simm.s32 $0x1B8B  }
0xa2: {  	_ =	swait.ge [sflag:s23], $0x1  }
0xa3: {  	[sflag:s23] =	ssyncset.done $0x0  }
0xa4: {  	s25 =	simm.s32 $0x1B8E;
	s24 =	sld [smem:$0x3FFE];
	[sflag:s23] =	ssyncadd.s32 $0xFFFFFFFF  }
0xa5: {  	s26 =	simm.s32 $execute0_lowered;
	[smem:$0x3FD2] =	sst s25  }
0xa6: {  	s4 =	sshll.u32 s26, $0x1;
	_ =	strace $0x80000046;
	[dreg:$0x1] =	wrdreg $0xFFFFFFFF  }
0xa7: {  	s28 =	simm.s32 $_size_execute0_lowered;
	s2 =	sadd.s32 s2, s4;
	[dreg:$0x0] =	wrdreg $0x0  }
0xa8: {  	s4 =	sshll.u32 s28, $0x1;
	[dreg:$0x2] =	wrdreg s2  }
0xa9: {  	[dreg:$0x3] =	wrdreg s4  }
0xaa: {  	[dreg:$0x4] =	wrdreg $0xC0  }
0xab: {  	_ =	task [dreg:s6], $0x5FFFF  }
0xac: {  	[dreg:$0x1] =	wrdreg $0xFFFFFFFF  }
0xad: {  	[dreg:$0x0] =	wrdreg $0x60  }
0xae: {  	[dreg:$0x2] =	wrdreg s24  }
0xaf: {  	[dreg:$0x3] =	wrdreg $0x11E200  }
0xb0: {  	[dreg:$0x4] =	wrdreg $0xA  }
0xb1: {  	_ =	task.clear_ibuf [dreg:s6], $0x5FFFF;
	_ =	strace $0x90000046  }
0xb2: {  	s29 =	simm.s32 $0xA;
	_ =	strace $0x80000048  }
0xb3: {  	_ =	swait.ge [sflag:s29], $0x1  }
0xb4: {  	[sflag:s29] =	ssyncadd.s32 $0xFFFFFFFF  }
0xb5: {  	_ =	strace $0x90000048  }
0xb6: {  	_ =	sfence  }
0xb7: {  	s30 =	sld [smem:$0x0];
	_ =	sdelay $0x2  }
0xb8: {  	s31 =	sshll.u32 s1, $0xD;
	s1 =	sshrl.u32 s1, $0x2  }
0xb9: {  	s3 =	sand.u32 $0x4000, s31;
	s1 =	sadd.s32 s1, s30  }
0xba: {  	s0 =	sor.u32 s3, s0;
	s1 =	sshll.u32 s1, $0x11  }
0xbb: {  	s0 =	sor.u32 s1, s0  }
0xbc: {  	s0 =	sadd.s32 $0x8F2B, s0  }
0xbd: {  	[sflag:s0] =	ssyncadd.remote.s32 $0x1  }
0xbe: {  	_ =	sfence.sel $0xFFFF  }
0xbf: {  	[dreg:$0x0] =	wrdreg $0xFFFFFFFF;
	(pc) =	sbr.abs _section_cstart, $3  }
0xc0: {  	[dreg:$0x1] =	wrdreg $0xFFFFFFFF  }
0xc1: {  	_ =	task.clear_ibuf [dreg:s6], $0x2FFFF;
	_ =	strace $0x9FFFFFFF  }
0xc2: {  	(tm) =	ssettm $0x7FFFFFFF  }
0xc3: {  	_ =	shalt  }
tec
execute0_lowered:
.L_overlay_start_1:
0x0: {  	(tag) =	ssettag $0x1  }
0x1: {  	s0 =	srdreg.scid;
	s3 =	rddreg [dreg:$0x0]  }
0x2: {  	s7 =	stileid.u32;
	s2 =	rddreg [dreg:$0x1]  }
0x3: {  	s4 =	simm.s32 $0x0;
	s30 =	simm.s32 $0x3;
	s31 =	simm.s32 $0x1  }
0x4: {  	s0 =	sand.u32 $0x1, s0;
	s1 =	sshll.u32 s7, $0x1;
	s5 =	smul.u32 $0xA000, s7  }
0x5: {  	[smem:$0x7FF] =	sst s4;
	s4 =	sadd.s32 $0x15800, s3;
	s7 =	smul.u32 $0x28000, s7  }
0x6: {  	s1 =	sor.u32 s0, s1;
	s6 =	smul.u32 $0xA0000, s0;
	s0 =	ssub.s32 $0x2, s0  }
0x7: {  	_ =	strace $0x80000047;
	s1 =	smul.u32 $0x2710, s1;
	s8 =	sshrl.u32 s0, $0x1  }
0x8: {  	s10 =	sshrl.u32 s7, $0x2;
	s7 =	sadd.s32 s5, s2;
	s6 =	sadd.s32 s5, s6  }
0x9: {  	s0 =	ssub.s32 s0, s8;
	s11 =	sadd.s32 s10, s2;
	s5 =	simm.s32 $0x0  }
0xa: {  	s1 =	sshrl.u32 s1, $0x3;
	s6 =	sshrl.u32 s6, $0x3;
	s23 =	sadd.s32 $0x800, s11  }
0xb: {  	s24 =	sadd.s32 $0x1000, s11;
	s25 =	sadd.s32 $0x1800, s11;
	s26 =	sadd.s32 $0x2000, s11  }
0xc: {  	s12 =	sadd.s32 $0x2800, s11;
	s13 =	sadd.s32 $0x3000, s11;
	s14 =	sadd.s32 $0x3800, s11  }
0xd: {  	s15 =	sadd.s32 $0x4000, s11;
	s16 =	sadd.s32 $0x4800, s11;
	s17 =	sadd.s32 $0x5000, s11  }
0xe: {  	s18 =	sadd.s32 $0x5800, s11;
	s19 =	sadd.s32 $0x6000, s11;
	s20 =	sadd.s32 $0x6800, s11  }
0xf: {  	s21 =	sadd.s32 $0x7000, s11;
	s22 =	sadd.s32 $0x7800, s11;
	[dreg:$0x5] =	wrdreg s23  }
0x10: {  	s29 =	smax.u32 s0, $0x1;
	s0 =	simm.s32 $0x50;
	[dreg:$0x6] =	wrdreg s24  }
0x11: {  	s1 =	sadd.s32 s1, s3;
	s3 =	sadd.s32 s6, s3;
	[dreg:$0x7] =	wrdreg s25  }
0x12: {  	[dreg:$0x8] =	wrdreg s26;
	s23 =	sadd.s32 $0x8000, s11;
	s24 =	sadd.s32 $0x8800, s11  }
0x13: {  	s25 =	sadd.s32 $0x9000, s11;
	s26 =	sadd.s32 $0x9800, s11;
	s9 =	sadd.s32 $0x1E00, s1  }
0x14: {  	s1 =	sadd.s32 $0xBA40, s1;
	s28 =	sadd.s32 $0x29200, s3;
	[dreg:$0x3] =	wrdreg s9  }
0x15: {  	v0 =	vimm.f32 $0.0e+00;
	s3 =	simm.s32 $0x2;
	[dreg:$0x4] =	wrdreg s1;
	s1 =	simm.s32 $0x11620  }
.LBB2_1:
0x16: {  	s6 =	simm.s32 $0x0;
	s8 =	rddreg [dreg:$0x3]  }
0x17: {  	[tilespmem:s6], [sflag:$0x3] =	stream.linear.gather [hbm4b:s8+s6], $0x2710, $0x38;
	[tilespmem:$0x1BE20] =	vst v63  }
0x18: {  	_ =	swait.ge [sflag:s30], $0x2710  }
0x19: {  	[sflag:s30] =	ssyncset.done $0x0  }
0x1a: {  	s9 =	simm.s32 $0x2710;
	s11 =	rddreg [dreg:$0x4];
	[sflag:s30] =	ssyncadd.s32 $0xFFFFD8F0  }
0x1b: {  	[tilespmem:s9], [sflag:$0x3] =	stream.linear.gather [hbm4b:s11+s6], $0x2710, $0x38;
	[tilespmem:$0x1BE20] =	vst v63  }
0x1c: {  	_ =	swait.ge [sflag:s30], $0x2710  }
0x1d: {  	[sflag:s30] =	ssyncset.done $0x0  }
0x1e: {  	s8 =	simm.s32 $0x100;
	s6 =	simm.s32 $0x0;
	[sflag:s30] =	ssyncadd.s32 $0xFFFFD8F0  }
.LBB2_2:
0x1f: {  	p0 =	sne.s32 s8, $0x1F00;
	[tilespmem:s6+$0x11650] =	vst v0;
	s9 =	smov.u32 s8;
	s8 =	sadd.s32 $0x100, s8  }
.Ltmp0:
0x20: {  	[tilespmem:s6+$0x11640] =	vst v0;
	(pc) =	sbr.rel @p0 .LBB2_2-.Ltmp0, $3  }
0x21: {  	[tilespmem:s6+$0x11620] =	vst v0  }
0x22: {  	[tilespmem:s6+$0x11630] =	vst v0;
	_ =	sdelay $0x1  }
0x23: {  	s6 =	sshra.s32 s9, $0x2  }
0x24: {  	[tilespmem:s6+$0x11650] =	vst v0  }
0x25: {  	[tilespmem:s6+$0x11640] =	vst v0  }
0x26: {  	[tilespmem:s6+$0x11620] =	vst v0  }
0x27: {  	[tilespmem:s6+$0x11630] =	vst v0  }
0x28: {  	[spmem:s7] =	stream.linear.scatter [tilespmem:s1], [sflag:$0x3], $0x800, $0x38;
	[tilespmem:$0x1BE20] =	vst v63  }
0x29: {  	_ =	swait.ge [sflag:s30], $0x800  }
0x2a: {  	[sflag:s30] =	ssyncset.done $0x0  }
0x2b: {  	s10 =	rddreg [dreg:$0x5];
	[sflag:s30] =	ssyncadd.s32 $0xFFFFF800  }
0x2c: {  	[spmem:s10] =	stream.linear.scatter [tilespmem:s1], [sflag:$0x3], $0x800, $0x38;
	[tilespmem:$0x1BE20] =	vst v63  }
0x2d: {  	_ =	swait.ge [sflag:s30], $0x800  }
0x2e: {  	[sflag:s30] =	ssyncset.done $0x0  }
0x2f: {  	s11 =	rddreg [dreg:$0x6];
	[sflag:s30] =	ssyncadd.s32 $0xFFFFF800  }
0x30: {  	[spmem:s11] =	stream.linear.scatter [tilespmem:s1], [sflag:$0x3], $0x800, $0x38;
	[tilespmem:$0x1BE20] =	vst v63  }
0x31: {  	_ =	swait.ge [sflag:s30], $0x800  }
0x32: {  	[sflag:s30] =	ssyncset.done $0x0  }
0x33: {  	s8 =	rddreg [dreg:$0x7];
	[sflag:s30] =	ssyncadd.s32 $0xFFFFF800  }
0x34: {  	[spmem:s8] =	stream.linear.scatter [tilespmem:s1], [sflag:$0x3], $0x800, $0x38;
	[tilespmem:$0x1BE20] =	vst v63  }
0x35: {  	_ =	swait.ge [sflag:s30], $0x800  }
0x36: {  	[sflag:s30] =	ssyncset.done $0x0  }
0x37: {  	s9 =	rddreg [dreg:$0x8];
	[sflag:s30] =	ssyncadd.s32 $0xFFFFF800  }
0x38: {  	[spmem:s9] =	stream.linear.scatter [tilespmem:s1], [sflag:$0x3], $0x800, $0x38;
	[tilespmem:$0x1BE20] =	vst v63  }
0x39: {  	_ =	swait.ge [sflag:s30], $0x800  }
0x3a: {  	[sflag:s30] =	ssyncset.done $0x0  }
0x3b: {  	[sflag:s30] =	ssyncadd.s32 $0xFFFFF800  }
0x3c: {  	[spmem:s12] =	stream.linear.scatter [tilespmem:s1], [sflag:$0x3], $0x800, $0x38;
	[tilespmem:$0x1BE20] =	vst v63  }
0x3d: {  	_ =	swait.ge [sflag:s30], $0x800  }
0x3e: {  	[sflag:s30] =	ssyncset.done $0x0  }
0x3f: {  	[sflag:s30] =	ssyncadd.s32 $0xFFFFF800  }
0x40: {  	[spmem:s13] =	stream.linear.scatter [tilespmem:s1], [sflag:$0x3], $0x800, $0x38;
	[tilespmem:$0x1BE20] =	vst v63  }
0x41: {  	_ =	swait.ge [sflag:s30], $0x800  }
0x42: {  	[sflag:s30] =	ssyncset.done $0x0  }
0x43: {  	[sflag:s30] =	ssyncadd.s32 $0xFFFFF800  }
0x44: {  	[spmem:s14] =	stream.linear.scatter [tilespmem:s1], [sflag:$0x3], $0x800, $0x38;
	[tilespmem:$0x1BE20] =	vst v63  }
0x45: {  	_ =	swait.ge [sflag:s30], $0x800  }
0x46: {  	[sflag:s30] =	ssyncset.done $0x0  }
0x47: {  	[sflag:s30] =	ssyncadd.s32 $0xFFFFF800  }
0x48: {  	[spmem:s15] =	stream.linear.scatter [tilespmem:s1], [sflag:$0x3], $0x800, $0x38;
	[tilespmem:$0x1BE20] =	vst v63  }
0x49: {  	_ =	swait.ge [sflag:s30], $0x800  }
0x4a: {  	[sflag:s30] =	ssyncset.done $0x0  }
0x4b: {  	[sflag:s30] =	ssyncadd.s32 $0xFFFFF800  }
0x4c: {  	[spmem:s16] =	stream.linear.scatter [tilespmem:s1], [sflag:$0x3], $0x800, $0x38;
	[tilespmem:$0x1BE20] =	vst v63  }
0x4d: {  	_ =	swait.ge [sflag:s30], $0x800  }
0x4e: {  	[sflag:s30] =	ssyncset.done $0x0  }
0x4f: {  	[sflag:s30] =	ssyncadd.s32 $0xFFFFF800  }
0x50: {  	[spmem:s17] =	stream.linear.scatter [tilespmem:s1], [sflag:$0x3], $0x800, $0x38;
	[tilespmem:$0x1BE20] =	vst v63  }
0x51: {  	_ =	swait.ge [sflag:s30], $0x800  }
0x52: {  	[sflag:s30] =	ssyncset.done $0x0  }
0x53: {  	[sflag:s30] =	ssyncadd.s32 $0xFFFFF800  }
0x54: {  	[spmem:s18] =	stream.linear.scatter [tilespmem:s1], [sflag:$0x3], $0x800, $0x38;
	[tilespmem:$0x1BE20] =	vst v63  }
0x55: {  	_ =	swait.ge [sflag:s30], $0x800  }
0x56: {  	[sflag:s30] =	ssyncset.done $0x0  }
0x57: {  	[sflag:s30] =	ssyncadd.s32 $0xFFFFF800  }
0x58: {  	[spmem:s19] =	stream.linear.scatter [tilespmem:s1], [sflag:$0x3], $0x800, $0x38;
	[tilespmem:$0x1BE20] =	vst v63  }
0x59: {  	_ =	swait.ge [sflag:s30], $0x800  }
0x5a: {  	[sflag:s30] =	ssyncset.done $0x0  }
0x5b: {  	[sflag:s30] =	ssyncadd.s32 $0xFFFFF800  }
0x5c: {  	[spmem:s20] =	stream.linear.scatter [tilespmem:s1], [sflag:$0x3], $0x800, $0x38;
	[tilespmem:$0x1BE20] =	vst v63  }
0x5d: {  	_ =	swait.ge [sflag:s30], $0x800  }
0x5e: {  	[sflag:s30] =	ssyncset.done $0x0  }
0x5f: {  	[sflag:s30] =	ssyncadd.s32 $0xFFFFF800  }
0x60: {  	[spmem:s21] =	stream.linear.scatter [tilespmem:s1], [sflag:$0x3], $0x800, $0x38;
	[tilespmem:$0x1BE20] =	vst v63  }
0x61: {  	_ =	swait.ge [sflag:s30], $0x800  }
0x62: {  	[sflag:s30] =	ssyncset.done $0x0  }
0x63: {  	[sflag:s30] =	ssyncadd.s32 $0xFFFFF800  }
0x64: {  	[spmem:s22] =	stream.linear.scatter [tilespmem:s1], [sflag:$0x3], $0x800, $0x38;
	[tilespmem:$0x1BE20] =	vst v63  }
0x65: {  	_ =	swait.ge [sflag:s30], $0x800  }
0x66: {  	[sflag:s30] =	ssyncset.done $0x0  }
0x67: {  	[sflag:s30] =	ssyncadd.s32 $0xFFFFF800  }
0x68: {  	[spmem:s23] =	stream.linear.scatter [tilespmem:s1], [sflag:$0x3], $0x800, $0x38;
	[tilespmem:$0x1BE20] =	vst v63  }
0x69: {  	_ =	swait.ge [sflag:s30], $0x800  }
0x6a: {  	[sflag:s30] =	ssyncset.done $0x0  }
0x6b: {  	[sflag:s30] =	ssyncadd.s32 $0xFFFFF800  }
0x6c: {  	[spmem:s24] =	stream.linear.scatter [tilespmem:s1], [sflag:$0x3], $0x800, $0x38;
	[tilespmem:$0x1BE20] =	vst v63  }
0x6d: {  	_ =	swait.ge [sflag:s30], $0x800  }
0x6e: {  	[sflag:s30] =	ssyncset.done $0x0  }
0x6f: {  	[sflag:s30] =	ssyncadd.s32 $0xFFFFF800  }
0x70: {  	[spmem:s25] =	stream.linear.scatter [tilespmem:s1], [sflag:$0x3], $0x800, $0x38;
	[tilespmem:$0x1BE20] =	vst v63  }
0x71: {  	_ =	swait.ge [sflag:s30], $0x800  }
0x72: {  	[sflag:s30] =	ssyncset.done $0x0  }
0x73: {  	[sflag:s30] =	ssyncadd.s32 $0xFFFFF800  }
0x74: {  	[spmem:s26] =	stream.linear.scatter [tilespmem:s1], [sflag:$0x3], $0x800, $0x38;
	[tilespmem:$0x1BE20] =	vst v63  }
0x75: {  	_ =	swait.ge [sflag:s30], $0x800  }
0x76: {  	[sflag:s30] =	ssyncset.done $0x0  }
0x77: {  	[sflag:s30] =	ssyncadd.s32 $0xFFFFF800  }
0x78: {  	s6 =	simm.s32 $0x0;
	s8 =	simm.s32 $0x4E20;
	[bflag:$0x0] =	sbarrier.arrive $0xFFFF  }
0x79: {  	[tilespmem:s8], [sflag:$0x1] =	stream.indirect.gather [hbm4b:s4+s0], $0x40, s6, s0, $0xb8;
	[tilespmem:$0x1BE20] =	vst v63  }
0x7a: {  	s10 =	simm.s32 $0x6220  }
0x7b: {  	[tilespmem:s10], [sflag:$0x1] =	stream.indirect.gather [hbm4b:s4+s0], $0x40, s0, s0, $0xb8;
	[tilespmem:$0x1BE20] =	vst v63  }
0x7c: {  	s11 =	simm.s32 $0xA0;
	s9 =	simm.s32 $0x7620  }
0x7d: {  	[tilespmem:s9], [sflag:$0x1] =	stream.indirect.gather [hbm4b:s4+s0], $0x40, s11, s0, $0xb8;
	[tilespmem:$0x1BE20] =	vst v63  }
0x7e: {  	s10 =	simm.s32 $0xF0;
	s11 =	simm.s32 $0x8A20  }
0x7f: {  	[tilespmem:s11], [sflag:$0x1] =	stream.indirect.gather [hbm4b:s4+s0], $0x40, s10, s0, $0xb8;
	[tilespmem:$0x1BE20] =	vst v63  }
0x80: {  	s10 =	simm.s32 $0x140;
	s11 =	simm.s32 $0x9E20  }
0x81: {  	[tilespmem:s11], [sflag:$0x1] =	stream.indirect.gather [hbm4b:s4+s0], $0x40, s10, s0, $0xb8;
	[tilespmem:$0x1BE20] =	vst v63  }
0x82: {  	s10 =	simm.s32 $0x190;
	s11 =	simm.s32 $0xB220  }
0x83: {  	[tilespmem:s11], [sflag:$0x1] =	stream.indirect.gather [hbm4b:s4+s0], $0x40, s10, s0, $0xb8;
	[tilespmem:$0x1BE20] =	vst v63  }
0x84: {  	s8 =	simm.s32 $0x2710;
	s10 =	simm.s32 $0x1E0;
	s11 =	simm.s32 $0xC620  }
0x85: {  	[tilespmem:s11], [sflag:$0x1] =	stream.indirect.gather [hbm4b:s4+s0], $0x40, s10, s0, $0xb8;
	[tilespmem:$0x1BE20] =	vst v63  }
0x86: {  	s9 =	simm.s32 $0x280;
	s10 =	simm.s32 $0x230;
	s11 =	simm.s32 $0xDA20  }
0x87: {  	[tilespmem:s11], [sflag:$0x1] =	stream.indirect.gather [hbm4b:s4+s0], $0x40, s10, s0, $0xb8;
	[tilespmem:$0x1BE20] =	vst v63  }
.LBB2_4:
0x88: {  	p0 =	slt.u32 s6, $0x2  }
0x89: {  	s10 =	simm.s32 @!p0 $0x2  }
0x8a: {  	p1 =	sgt.u32 @!p0 s6, $0x74;
	_ =	swait.ge @!p0 [sflag:s10], $0x1400  }
0x8b: {  	p1 =	por p0, !p1;
	[sflag:s10] =	ssyncset.done @!p0 $0x0  }
0x8c: {  	[sflag:s10] =	ssyncadd.s32 @!p0 $0xFFFFEC00;
	s10 =	sadd.s32 @p1 $0x8, s6  }
0x8d: {  	s11 =	smul.u32 @p1 $0xCD, s10;
	_ =	sdelay $0x1  }
0x8e: {  	s11 =	sshrl.u32 @p1 s11, $0xB  }
0x8f: {  	s11 =	sand.u32 @p1 $0x1F, s11  }
0x90: {  	s11 =	smul.u32 @p1 $0xA, s11;
	_ =	sdelay $0x1  }
0x91: {  	s10 =	ssub.s32 @p1 s10, s11  }
0x92: {  	s10 =	sand.u32 @p1 $0xFF, s10  }
0x93: {  	s10 =	smul.u32 @p1 $0x5000, s10;
	_ =	sdelay $0x1  }
0x94: {  	s10 =	sshrl.u32 @p1 s10, $0x2  }
0x95: {  	s11 =	smul.u32 $0xCD, s6;
	s10 =	sadd.s32 @p1 $0x4E20, s10  }
0x96: {  	[tilespmem:s10], [sflag:$0x1] =	stream.indirect.gather @p1 [hbm4b:s4+s0], $0x40, s9, s0, $0xb8;
	[tilespmem:$0x1BE20] =	vst v63  }
0x97: {  	s10 =	sshrl.u32 s11, $0xB  }
0x98: {  	s10 =	sand.u32 $0x1F, s10  }
0x99: {  	s10 =	smul.u32 $0xA, s10;
	_ =	sdelay $0x1  }
0x9a: {  	s10 =	ssub.s32 s6, s10  }
0x9b: {  	s6 =	sadd.s32 $0x1, s6;
	s10 =	sand.u32 $0xFF, s10  }
0x9c: {  	p0 =	sne.s32 s6, $0x7D;
	s10 =	smul.u32 $0x5000, s10  }
.Ltmp1:
0x9d: {  	_ =	swait.ge [sflag:s31], $0x1400;
	(pc) =	sbr.rel @p0 .LBB2_4-.Ltmp1, $4  }
0x9e: {  	[sflag:s31] =	ssyncset.done $0x0;
	s10 =	sshrl.u32 s10, $0x2  }
0x9f: {  	[sflag:s31] =	ssyncadd.s32 $0xFFFFEC00;
	s10 =	sadd.s32 $0x4E20, s10  }
0xa0: {  	[spmem:s2] =	stream.indirect.scatter.add.f32 [tilespmem:s10], [sflag:$0x2], $0x40, s8, s0, $0xb8;
	[tilespmem:$0x1BE20] =	vst v63  }
0xa1: {  	s9 =	sadd.s32 $0x50, s9;
	s8 =	sadd.s32 $0x50, s8  }
0xa2: {  	_ =	swait.ge [sflag:s3], $0x1400  }
0xa3: {  	[sflag:s3] =	ssyncset.done $0x0  }
0xa4: {  	[sflag:s3] =	ssyncadd.s32 $0xFFFFEC00  }
0xa5: {  	s6 =	stileid.u32;
	_ =	swait.ge [sflag:s3], $0x1400  }
0xa6: {  	s8 =	sshrl.u32 s7, $0x3;
	s5 =	sadd.s32 $0x1, s5;
	[sflag:s3] =	ssyncset.done $0x0  }
0xa7: {  	s6 =	sshll.u32 s6, $0x6;
	p0 =	sne.s32 s5, s29;
	[sflag:s3] =	ssyncadd.s32 $0xFFFFEC00  }
.Ltmp2:
0xa8: {  	s6 =	sor.u32 $0x1C03, s6;
	[bflag:$0x0] =	sbarrier.arrive $0xFFFF;
	(pc) =	sbr.rel @p0 .LBB2_1-.Ltmp2, $4  }
0xa9: {  	[hbm:s28], [sflag:s6] =	dma.local [spmem:s8], $0x1400  }
0xaa: {  	_ =	swait.ge [sflag:s30], $0x1400  }
0xab: {  	[sflag:s30] =	ssyncset.done $0x0  }
0xac: {  	[sflag:s30] =	ssyncadd.s32 $0xFFFFEC00  }
0xad: {  	_ =	sfence.sel $0x180000  }
0xae: {  	[bflag:$0x0] =	sbarrier.arrive $0xFFFF  }
0xaf: {  	_ =	strace $0x90000047  }
0xb0: {  	s0 =	stileid.u32;
	[bflag:$0x2] =	sbarrier.arrive $0xFFFF  }
0xb1: {  	p0 =	sne.s32 s0, $0x0;
	s0 =	rddreg [dreg:$0x2]  }
0xb2: {  	s0 =	sadd.s32 @!p0 $0x100000, s0  }
0xb3: {  	[sflag:s0] =	ssyncadd.tile.s32 @!p0 $0x1;
	_ =	shalt  }
.Lfunc_end2:
_tile_overlayer_lowered:
.L_overlay_start_2:
0xb4: {  	(tag) =	ssettag $0x2  }
0xb5: {  	s0 =	rddreg [dreg:$0x0];
	s2 =	stileid.u32  }
0xb6: {  	s1 =	rddreg [dreg:$0x1];
	p0 =	sne.s32 s2, $0x0  }
0xb7: {  	s3 =	rddreg [dreg:$0x2];
	[bflag:$0x3] =	sbarrier.arrive $0xFFFF;
	s2 =	simm.s32 @!p0 $0x1C03  }
0xb8: {  	[timem:s3], [sflag:s2] =	dma.local @!p0 [hbm:s0], s1  }
0xb9: {  	s0 =	simm.s32 @!p0 $0x3  }
0xba: {  	_ =	swait.ge @!p0 [sflag:s0], s1  }
0xbb: {  	s1 =	ssub.s32 @!p0 $0x0, s1;
	[sflag:s0] =	ssyncset.done @!p0 $0x0  }
0xbc: {  	[sflag:s0] =	ssyncadd.s32 @!p0 s1  }
0xbd: {  	[bflag:$0x3] =	sbarrier.arrive $0xFFFF  }
0xbe: {  	_ =	shalt  }

// kernel: kernel.14.cloned.1.call-start
scs
__scs_entry_jumppad:
0x0: {  	(pc) =	sbr.rel $0x88, $3  }
0x1: {  	(tag) =	ssettag $0x0;
	lr =	simm.s32 $0x1  }
0x2: {  	[smem:$0x3F99] =	sst lr;
	_ =	strace $0xD0000000  }
0x3: {  	_ = 	snop  }
0x4: {  	_ = 	snop  }
0x5: {  	_ = 	snop  }
0x6: {  	_ = 	snop  }
0x7: {  	_ = 	snop  }
__scs_overlays_trampoline_lowered:
0x8: {  	[smem:$0x3FA8] =	sst s0  }
0x9: {  	[smem:$0x3FA9] =	sst s1  }
0xa: {  	[smem:$0x3FAA] =	sst s2  }
0xb: {  	[smem:$0x3FAB] =	sst s3  }
0xc: {  	[smem:$0x3FAC] =	sst s4  }
0xd: {  	[smem:$0x3FAD] =	sst s5  }
0xe: {  	[smem:$0x3FAE] =	sst s6  }
0xf: {  	[smem:$0x3FAF] =	sst s7  }
0x10: {  	[smem:$0x3FB0] =	sst s8  }
0x11: {  	[smem:$0x3FB1] =	sst s9;
	s0 =	simm.s32 @!p0 $0x0  }
0x12: {  	s1 =	sld [smem:$0x3F97];
	s0 =	simm.s32 @p0 $0x1  }
0x13: {  	[smem:$0x3FB2] =	sst s0;
	s0 =	simm.s32 @!p1 $0x0  }
0x14: {  	s2 =	sld [smem:$0x3F96];
	s0 =	simm.s32 @p1 $0x1  }
0x15: {  	[smem:$0x3FB3] =	sst s0;
	s0 =	simm.s32 @!p2 $0x0  }
0x16: {  	s3 =	sld [smem:$0x3FDB];
	s0 =	simm.s32 @p2 $0x1  }
0x17: {  	s4 =	simm.s32 $0x1BF5;
	[smem:$0x3FB5] =	sst s0  }
0x18: {  	s0 =	sld [smem:$0x3F98];
	_ =	swait.ge [sflag:s4], $0x0  }
0x19: {  	s7 =	sld [smem:$0x3F99]  }
0x1a: {  	s8 =	sadd.s32 $0xFFFFE003, lr  }
0x1b: {  	s9 =	sadd.s32 $0xFFFFFEF7, lr;
	s5 =	simm.s32 $0xFFFFFFFF;
	p2 =	slt.u32 s8, $0xFFFFF086  }
0x1c: {  	p1 =	slt.u32 s9, $0xF7A;
	s5 =	simm.s32 @!p2 $0x0  }
0x1d: {  	s5 =	simm.s32 @p1 $0x1;
	p0 =	seq.s32 s7, s2  }
0x1e: {  	s7 =	smul.u32 @!p0 $0xF7A, s2;
	p2 =	seq.s32 @!p0 s5, $0x0  }
0x1f: {  	s9 =	smul.u32 $0xF7A, s1;
	s8 =	simm.s32 @!p0 $0x1BF5;
	p2 =	por !p2, p0  }
0x20: {  	[sflag:s8] =	ssyncset.s32 @!p0 $0xFFFFF086;
	s6 =	sadd.s32 @!p0 s3, s7;
	s7 =	simm.s32 @!p0 $0x108  }
0x21: {  	s3 =	sadd.s32 s3, s9;
	s6 =	sadd.s32 @!p0 $0x88, s6;
	s7 =	simm.s32 @p2 $0x1082  }
0x22: {  	[simem:s7], [sflag:s8] =	dma.local @!p0 [hbm:s6], $0xF7A  }
0x23: {  	s9 =	sor.u32 $0xD0000000, s2;
	s6 =	simm.s32 $0x108;
	_ =	swait.ge @!p0 [sflag:s8], $0x0  }
0x24: {  	s3 =	sadd.s32 $0x88, s3;
	s6 =	simm.s32 @!p1 $0x1082;
	[sflag:s4] =	ssyncset.s32 $0xFFFFF086  }
0x25: {  	[simem:s6], [sflag:s4] =	dma.local [hbm:s3], $0xF7A  }
0x26: {  	[smem:$0x3F99] =	sst s1;
	(tag) =	ssettag s2;
	_ =	strace s9  }
0x27: {  	s1 =	sld [smem:$0x3FA9]  }
0x28: {  	s2 =	sld [smem:$0x3FAA]  }
0x29: {  	s4 =	sld [smem:$0x3FAC]  }
0x2a: {  	p0 =	seq.s32 s5, $0x0;
	s5 =	sld [smem:$0x3FAD]  }
0x2b: {  	s6 =	sld [smem:$0x3FAE]  }
0x2c: {  	s7 =	sld [smem:$0x3FAF]  }
0x2d: {  	s3 =	simm.s32 $0x108;
	s8 =	sld [smem:$0x3FB0]  }
0x2e: {  	s3 =	simm.s32 @!p0 $0x1082;
	s9 =	sld [smem:$0x3FB1]  }
0x2f: {  	lr =	sadd.s32 s0, s3;
	s0 =	sld [smem:$0x3FA8]  }
0x30: {  	s3 =	sld [smem:$0x3FAB]  }
0x31: {  	[smem:$0x3FB4] =	sst s10  }
0x32: {  	s10 =	sld [smem:$0x3FB2];
	_ =	sdelay $0x3  }
0x33: {  	p0 =	seq.s32 s10, $0x1;
	s10 =	sld [smem:$0x3FB4];
	_ =	sdelay $0x3  }
0x34: {  	[smem:$0x3FB4] =	sst s10  }
0x35: {  	s10 =	sld [smem:$0x3FB3];
	_ =	sdelay $0x3  }
0x36: {  	p1 =	seq.s32 s10, $0x1;
	s10 =	sld [smem:$0x3FB4];
	_ =	sdelay $0x3  }
0x37: {  	[smem:$0x3FB4] =	sst s10  }
0x38: {  	s10 =	sld [smem:$0x3FB5]  }
0x39: {  	_ = 	snop;
	(pc) =	sbr.ind lr, $3  }
0x3a: {  	_ = 	snop  }
0x3b: {  	_ = 	snop  }
0x3c: {  	p2 =	seq.s32 s10, $0x1;
	s10 =	sld [smem:$0x3FB4]  }
0x3d: {  	_ =	shalt  }
0x3e: {  	_ =	shalt  }
0x3f: {  	_ =	shalt  }
0x40: {  	_ =	shalt  }
0x41: {  	_ =	shalt  }
0x42: {  	_ =	shalt  }
0x43: {  	_ =	shalt  }
0x44: {  	_ =	shalt  }
0x45: {  	_ =	shalt  }
0x46: {  	_ =	shalt  }
0x47: {  	_ =	shalt  }
0x48: {  	_ =	shalt  }
0x49: {  	_ =	shalt  }
0x4a: {  	_ =	shalt  }
0x4b: {  	_ =	shalt  }
0x4c: {  	_ =	shalt  }
0x4d: {  	_ =	shalt  }
0x4e: {  	_ =	shalt  }
0x4f: {  	_ =	shalt  }
0x50: {  	_ =	shalt  }
0x51: {  	_ =	shalt  }
0x52: {  	_ =	shalt  }
0x53: {  	_ =	shalt  }
0x54: {  	_ =	shalt  }
0x55: {  	_ =	shalt  }
0x56: {  	_ =	shalt  }
0x57: {  	_ =	shalt  }
0x58: {  	_ =	shalt  }
0x59: {  	_ =	shalt  }
0x5a: {  	_ =	shalt  }
0x5b: {  	_ =	shalt  }
0x5c: {  	_ =	shalt  }
0x5d: {  	_ =	shalt  }
0x5e: {  	_ =	shalt  }
0x5f: {  	_ =	shalt  }
0x60: {  	_ =	shalt  }
0x61: {  	_ =	shalt  }
0x62: {  	_ =	shalt  }
0x63: {  	_ =	shalt  }
0x64: {  	_ =	shalt  }
0x65: {  	_ =	shalt  }
0x66: {  	_ =	shalt  }
0x67: {  	_ =	shalt  }
0x68: {  	_ =	shalt  }
0x69: {  	_ =	shalt  }
0x6a: {  	_ =	shalt  }
0x6b: {  	_ =	shalt  }
0x6c: {  	_ =	shalt  }
0x6d: {  	_ =	shalt  }
0x6e: {  	_ =	shalt  }
0x6f: {  	_ =	shalt  }
0x70: {  	_ =	shalt  }
0x71: {  	_ =	shalt  }
0x72: {  	_ =	shalt  }
0x73: {  	_ =	shalt  }
0x74: {  	_ =	shalt  }
0x75: {  	_ =	shalt  }
0x76: {  	_ =	shalt  }
0x77: {  	_ =	shalt  }
0x78: {  	_ =	shalt  }
0x79: {  	_ =	shalt  }
0x7a: {  	_ =	shalt  }
0x7b: {  	_ =	shalt  }
0x7c: {  	_ =	shalt  }
0x7d: {  	_ =	shalt  }
0x7e: {  	_ =	shalt  }
0x7f: {  	_ =	shalt  }
0x80: {  	_ =	shalt  }
0x81: {  	_ =	shalt  }
0x82: {  	_ =	shalt  }
0x83: {  	_ =	shalt  }
0x84: {  	_ =	shalt  }
0x85: {  	_ =	shalt  }
0x86: {  	_ =	shalt  }
0x87: {  	_ =	shalt  }
.Lfunc_end0:
.L_simem_size_0:
called_computation.2_lowered:
.L_overlay_start_0:
0x88: {  	s2 =	sld [smem:$0x3FD9]  }
0x89: {  	s3 =	sld [smem:$0x3FFE];
	_ =	sdelay $0x1  }
0x8a: {  	s1 =	srdreg.scid  }
0x8b: {  	s0 =	sand.u32 $0x1, s1  }
0x8c: {  	s17 =	sshll.u32 s0, $0xA;
	s2 =	sadd.s32 s3, s2  }
0x8d: {  	s2 =	sadd.s32 s2, s17  }
0x8e: {  	[smem:$0x3FC0] =	sst s2  }
0x8f: {  	_ = 	snop  }
0x90: {  	s2 =	sld [smem:$0x3FD0];
	(tm) =	ssettm $0x1  }
0x91: {  	s18 =	sld [smem:$0x3FFB];
	_ =	sdelay $0x3  }
0x92: {  	_ =	strace s18  }
0x93: {  	s3 =	sld [smem:$0x3FFC];
	_ =	sdelay $0x3  }
0x94: {  	_ =	strace s3  }
0x95: {  	s3 =	sld [smem:$0x3FFD];
	_ =	sdelay $0x3  }
0x96: {  	_ =	strace s3  }
0x97: {  	_ =	strace $0x8FFFFFFF  }
0x98: {  	s19 =	sld [smem:$0x3FDB];
	_ =	sdelay $0x1  }
0x99: {  	s4 =	simm.s32 $_scs_section_size  }
0x9a: {  	s5 =	simm.s32 $_size__tile_overlayer_lowered;
	s6 =	simm.s32 $_tile_overlayer_lowered  }
0x9b: {  	s22 =	simm.s32 $0x1BFF;
	s21 =	sshll.u32 s6, $0x1;
	s3 =	sadd.s32 s4, s19  }
0x9c: {  	s7 =	simm.s32 $0x0;
	s20 =	sshll.u32 s5, $0x1;
	s5 =	sadd.s32 s21, s3  }
0x9d: {  	[timem:s7], [sflag:s22] =	dma.local [hbm:s5], s20  }
0x9e: {  	_ =	swait.ge [sflag:s22], s20  }
0x9f: {  	s4 =	ssub.s32 $0x0, s20;
	[sflag:s22] =	ssyncset.done $0x0  }
0xa0: {  	[sflag:s22] =	ssyncadd.s32 s4;
	_ =	sdelay $0x1  }
0xa1: {  	s23 =	simm.s32 $0x1B8B  }
0xa2: {  	_ =	swait.ge [sflag:s23], $0x1  }
0xa3: {  	[sflag:s23] =	ssyncset.done $0x0  }
0xa4: {  	s25 =	simm.s32 $0x1B8E;
	s24 =	sld [smem:$0x3FFE];
	[sflag:s23] =	ssyncadd.s32 $0xFFFFFFFF  }
0xa5: {  	s26 =	simm.s32 $execute0_lowered;
	[smem:$0x3FD2] =	sst s25  }
0xa6: {  	s5 =	sshll.u32 s26, $0x1;
	_ =	strace $0x8000004C;
	[dreg:$0x1] =	wrdreg $0xFFFFFFFF  }
0xa7: {  	s28 =	simm.s32 $_size_execute0_lowered;
	s3 =	sadd.s32 s3, s5;
	[dreg:$0x0] =	wrdreg $0x0  }
0xa8: {  	s5 =	sshll.u32 s28, $0x1;
	[dreg:$0x2] =	wrdreg s3  }
0xa9: {  	[dreg:$0x3] =	wrdreg s5  }
0xaa: {  	[dreg:$0x4] =	wrdreg $0xC0  }
0xab: {  	_ =	task [dreg:s7], $0x5FFFF  }
0xac: {  	[dreg:$0x1] =	wrdreg $0xFFFFFFFF  }
0xad: {  	[dreg:$0x0] =	wrdreg $0x60  }
0xae: {  	[dreg:$0x2] =	wrdreg s2  }
0xaf: {  	[dreg:$0x3] =	wrdreg s24  }
0xb0: {  	[dreg:$0x4] =	wrdreg $0x8C200  }
0xb1: {  	[dreg:$0x5] =	wrdreg $0x9  }
0xb2: {  	_ =	task.clear_ibuf [dreg:s7], $0x6FFFF;
	_ =	strace $0x9000004C  }
0xb3: {  	s29 =	simm.s32 $0x9;
	_ =	strace $0x8000004E  }
0xb4: {  	_ =	swait.ge [sflag:s29], $0x1  }
0xb5: {  	[sflag:s29] =	ssyncadd.s32 $0xFFFFFFFF  }
0xb6: {  	_ =	strace $0x9000004E  }
0xb7: {  	_ =	sfence  }
0xb8: {  	s30 =	sld [smem:$0x0];
	_ =	sdelay $0x2  }
0xb9: {  	s31 =	sshll.u32 s1, $0xD;
	s1 =	sshrl.u32 s1, $0x2  }
0xba: {  	s3 =	sand.u32 $0x4000, s31;
	s1 =	sadd.s32 s1, s30  }
0xbb: {  	s0 =	sor.u32 s3, s0;
	s1 =	sshll.u32 s1, $0x11  }
0xbc: {  	s0 =	sor.u32 s1, s0  }
0xbd: {  	s0 =	sadd.s32 $0x8F2B, s0  }
0xbe: {  	[sflag:s0] =	ssyncadd.remote.s32 $0x1  }
0xbf: {  	_ =	sfence.sel $0xFFFF  }
0xc0: {  	[dreg:$0x0] =	wrdreg $0xFFFFFFFF;
	(pc) =	sbr.abs _section_cstart, $3  }
0xc1: {  	[dreg:$0x1] =	wrdreg $0xFFFFFFFF  }
0xc2: {  	_ =	task.clear_ibuf [dreg:s7], $0x2FFFF;
	_ =	strace $0x9FFFFFFF  }
0xc3: {  	(tm) =	ssettm $0x7FFFFFFF  }
tec
execute0_lowered:
.L_overlay_start_1:
0x0: {  	(tag) =	ssettag $0x1  }
0x1: {  	s2 =	rddreg [dreg:$0x0]  }
0x2: {  	s0 =	srdreg.scid;
	s5 =	rddreg [dreg:$0x1]  }
0x3: {  	s8 =	stileid.u32;
	s3 =	rddreg [dreg:$0x2]  }
0x4: {  	s4 =	simm.s32 $0x0;
	s30 =	simm.s32 $0x3;
	s31 =	simm.s32 $0x8A20  }
0x5: {  	s0 =	sand.u32 $0x1, s0;
	s1 =	sshll.u32 s8, $0x1;
	s6 =	smul.u32 $0x2800, s8  }
0x6: {  	[smem:$0x7FF] =	sst s4;
	s8 =	smul.u32 $0xA000, s8;
	s1 =	sor.u32 s0, s1  }
0x7: {  	s7 =	smul.u32 $0x28000, s0;
	_ =	strace $0x8000004D;
	s0 =	ssub.s32 $0x2, s0  }
0x8: {  	s1 =	smul.u32 $0x2710, s1;
	s10 =	sshrl.u32 s0, $0x1;
	s8 =	sshrl.u32 s8, $0x2  }
0x9: {  	s7 =	sadd.s32 s6, s7;
	s0 =	ssub.s32 s0, s10;
	s12 =	sadd.s32 s8, s3  }
0xa: {  	s1 =	sshrl.u32 s1, $0x3;
	s7 =	sshrl.u32 s7, $0x3;
	s22 =	sadd.s32 $0x200, s12  }
0xb: {  	s23 =	sadd.s32 $0x400, s12;
	s24 =	sadd.s32 $0x600, s12;
	s25 =	sadd.s32 $0x800, s12  }
0xc: {  	s26 =	sadd.s32 $0xA00, s12;
	s13 =	sadd.s32 $0xC00, s12;
	s14 =	sadd.s32 $0xE00, s12  }
0xd: {  	s15 =	sadd.s32 $0x1000, s12;
	s16 =	sadd.s32 $0x1200, s12;
	s17 =	sadd.s32 $0x1400, s12  }
0xe: {  	s18 =	sadd.s32 $0x1600, s12;
	s19 =	sadd.s32 $0x1800, s12;
	[dreg:$0x6] =	wrdreg s22  }
0xf: {  	s20 =	sadd.s32 $0x1A00, s12;
	s21 =	sadd.s32 $0x1C00, s12;
	[dreg:$0x7] =	wrdreg s23  }
0x10: {  	s29 =	smax.u32 s0, $0x1;
	s0 =	simm.s32 $0x1;
	[dreg:$0x8] =	wrdreg s24  }
0x11: {  	s1 =	sadd.s32 s1, s5;
	s5 =	sadd.s32 s7, s5;
	[dreg:$0x9] =	wrdreg s25  }
0x12: {  	s7 =	sadd.s32 s6, s3;
	[dreg:$0xa] =	wrdreg s26;
	s22 =	sadd.s32 $0x1E00, s12  }
0x13: {  	s23 =	sadd.s32 $0x2000, s12;
	s24 =	sadd.s32 $0x2200, s12;
	s25 =	sadd.s32 $0x2400, s12  }
0x14: {  	s26 =	sadd.s32 $0x2600, s12;
	s6 =	simm.s32 $0x0;
	s11 =	sadd.s32 $0x1E00, s1  }
0x15: {  	s1 =	sadd.s32 $0xBA40, s1;
	s28 =	sadd.s32 $0x15800, s5;
	[dreg:$0x4] =	wrdreg s11  }
0x16: {  	v0 =	vimm.f32 $0.0e+00;
	s5 =	simm.s32 $0x2;
	[dreg:$0x5] =	wrdreg s1;
	s1 =	simm.s32 $0x50  }
.LBB2_1:
0x17: {  	s8 =	rddreg [dreg:$0x4]  }
0x18: {  	[tilespmem:s4], [sflag:$0x3] =	stream.linear.gather [hbm4b:s8+s4], $0x2710, $0x38;
	[tilespmem:$0xB420] =	vst v63  }
0x19: {  	_ =	swait.ge [sflag:s30], $0x2710  }
0x1a: {  	[sflag:s30] =	ssyncset.done $0x0  }
0x1b: {  	s8 =	simm.s32 $0x2710;
	s9 =	rddreg [dreg:$0x5];
	[sflag:s30] =	ssyncadd.s32 $0xFFFFD8F0  }
0x1c: {  	[tilespmem:s8], [sflag:$0x3] =	stream.linear.gather [hbm4b:s9+s4], $0x2710, $0x38;
	[tilespmem:$0xB420] =	vst v63  }
0x1d: {  	_ =	swait.ge [sflag:s30], $0x2710  }
0x1e: {  	[sflag:s30] =	ssyncset.done $0x0  }
0x1f: {  	[sflag:s30] =	ssyncadd.s32 $0xFFFFD8F0  }
0x20: {  	[tilespmem:$0x8A20] =	vst v0  }
0x21: {  	[tilespmem:$0x8A30] =	vst v0  }
0x22: {  	[tilespmem:$0x8A40] =	vst v0  }
0x23: {  	[tilespmem:$0x8A50] =	vst v0  }
0x24: {  	[tilespmem:$0x8A60] =	vst v0  }
0x25: {  	[tilespmem:$0x8A70] =	vst v0  }
0x26: {  	[tilespmem:$0x8A80] =	vst v0  }
0x27: {  	[tilespmem:$0x8A90] =	vst v0  }
0x28: {  	[tilespmem:$0x8AA0] =	vst v0  }
0x29: {  	[tilespmem:$0x8AB0] =	vst v0  }
0x2a: {  	[tilespmem:$0x8AC0] =	vst v0  }
0x2b: {  	[tilespmem:$0x8AD0] =	vst v0  }
0x2c: {  	[tilespmem:$0x8AE0] =	vst v0  }
0x2d: {  	[tilespmem:$0x8AF0] =	vst v0  }
0x2e: {  	[tilespmem:$0x8B00] =	vst v0  }
0x2f: {  	[tilespmem:$0x8B10] =	vst v0  }
0x30: {  	[tilespmem:$0x8B20] =	vst v0  }
0x31: {  	[tilespmem:$0x8B30] =	vst v0  }
0x32: {  	[tilespmem:$0x8B40] =	vst v0  }
0x33: {  	[tilespmem:$0x8B50] =	vst v0  }
0x34: {  	[tilespmem:$0x8B60] =	vst v0  }
0x35: {  	[tilespmem:$0x8B70] =	vst v0  }
0x36: {  	[tilespmem:$0x8B80] =	vst v0  }
0x37: {  	[tilespmem:$0x8B90] =	vst v0  }
0x38: {  	[tilespmem:$0x8BA0] =	vst v0  }
0x39: {  	[tilespmem:$0x8BB0] =	vst v0  }
0x3a: {  	[tilespmem:$0x8BC0] =	vst v0  }
0x3b: {  	[tilespmem:$0x8BD0] =	vst v0  }
0x3c: {  	[tilespmem:$0x8BE0] =	vst v0  }
0x3d: {  	[tilespmem:$0x8BF0] =	vst v0  }
0x3e: {  	[tilespmem:$0x8C00] =	vst v0  }
0x3f: {  	[tilespmem:$0x8C10] =	vst v0  }
0x40: {  	[spmem:s7] =	stream.linear.scatter [tilespmem:s31], [sflag:$0x3], $0x200, $0x38;
	[tilespmem:$0xB420] =	vst v63  }
0x41: {  	_ =	swait.ge [sflag:s30], $0x200  }
0x42: {  	[sflag:s30] =	ssyncset.done $0x0  }
0x43: {  	s11 =	rddreg [dreg:$0x6];
	[sflag:s30] =	ssyncadd.s32 $0xFFFFFE00  }
0x44: {  	[spmem:s11] =	stream.linear.scatter [tilespmem:s31], [sflag:$0x3], $0x200, $0x38;
	[tilespmem:$0xB420] =	vst v63  }
0x45: {  	_ =	swait.ge [sflag:s30], $0x200  }
0x46: {  	[sflag:s30] =	ssyncset.done $0x0  }
0x47: {  	s12 =	rddreg [dreg:$0x7];
	[sflag:s30] =	ssyncadd.s32 $0xFFFFFE00  }
0x48: {  	[spmem:s12] =	stream.linear.scatter [tilespmem:s31], [sflag:$0x3], $0x200, $0x38;
	[tilespmem:$0xB420] =	vst v63  }
0x49: {  	_ =	swait.ge [sflag:s30], $0x200  }
0x4a: {  	[sflag:s30] =	ssyncset.done $0x0  }
0x4b: {  	s10 =	rddreg [dreg:$0x8];
	[sflag:s30] =	ssyncadd.s32 $0xFFFFFE00  }
0x4c: {  	[spmem:s10] =	stream.linear.scatter [tilespmem:s31], [sflag:$0x3], $0x200, $0x38;
	[tilespmem:$0xB420] =	vst v63  }
0x4d: {  	_ =	swait.ge [sflag:s30], $0x200  }
0x4e: {  	[sflag:s30] =	ssyncset.done $0x0  }
0x4f: {  	s11 =	rddreg [dreg:$0x9];
	[sflag:s30] =	ssyncadd.s32 $0xFFFFFE00  }
0x50: {  	[spmem:s11] =	stream.linear.scatter [tilespmem:s31], [sflag:$0x3], $0x200, $0x38;
	[tilespmem:$0xB420] =	vst v63  }
0x51: {  	_ =	swait.ge [sflag:s30], $0x200  }
0x52: {  	[sflag:s30] =	ssyncset.done $0x0  }
0x53: {  	s12 =	rddreg [dreg:$0xa];
	[sflag:s30] =	ssyncadd.s32 $0xFFFFFE00  }
0x54: {  	[spmem:s12] =	stream.linear.scatter [tilespmem:s31], [sflag:$0x3], $0x200, $0x38;
	[tilespmem:$0xB420] =	vst v63  }
0x55: {  	_ =	swait.ge [sflag:s30], $0x200  }
0x56: {  	[sflag:s30] =	ssyncset.done $0x0  }
0x57: {  	[sflag:s30] =	ssyncadd.s32 $0xFFFFFE00  }
0x58: {  	[spmem:s13] =	stream.linear.scatter [tilespmem:s31], [sflag:$0x3], $0x200, $0x38;
	[tilespmem:$0xB420] =	vst v63  }
0x59: {  	_ =	swait.ge [sflag:s30], $0x200  }
0x5a: {  	[sflag:s30] =	ssyncset.done $0x0  }
0x5b: {  	[sflag:s30] =	ssyncadd.s32 $0xFFFFFE00  }
0x5c: {  	[spmem:s14] =	stream.linear.scatter [tilespmem:s31], [sflag:$0x3], $0x200, $0x38;
	[tilespmem:$0xB420] =	vst v63  }
0x5d: {  	_ =	swait.ge [sflag:s30], $0x200  }
0x5e: {  	[sflag:s30] =	ssyncset.done $0x0  }
0x5f: {  	[sflag:s30] =	ssyncadd.s32 $0xFFFFFE00  }
0x60: {  	[spmem:s15] =	stream.linear.scatter [tilespmem:s31], [sflag:$0x3], $0x200, $0x38;
	[tilespmem:$0xB420] =	vst v63  }
0x61: {  	_ =	swait.ge [sflag:s30], $0x200  }
0x62: {  	[sflag:s30] =	ssyncset.done $0x0  }
0x63: {  	[sflag:s30] =	ssyncadd.s32 $0xFFFFFE00  }
0x64: {  	[spmem:s16] =	stream.linear.scatter [tilespmem:s31], [sflag:$0x3], $0x200, $0x38;
	[tilespmem:$0xB420] =	vst v63  }
0x65: {  	_ =	swait.ge [sflag:s30], $0x200  }
0x66: {  	[sflag:s30] =	ssyncset.done $0x0  }
0x67: {  	[sflag:s30] =	ssyncadd.s32 $0xFFFFFE00  }
0x68: {  	[spmem:s17] =	stream.linear.scatter [tilespmem:s31], [sflag:$0x3], $0x200, $0x38;
	[tilespmem:$0xB420] =	vst v63  }
0x69: {  	_ =	swait.ge [sflag:s30], $0x200  }
0x6a: {  	[sflag:s30] =	ssyncset.done $0x0  }
0x6b: {  	[sflag:s30] =	ssyncadd.s32 $0xFFFFFE00  }
0x6c: {  	[spmem:s18] =	stream.linear.scatter [tilespmem:s31], [sflag:$0x3], $0x200, $0x38;
	[tilespmem:$0xB420] =	vst v63  }
0x6d: {  	_ =	swait.ge [sflag:s30], $0x200  }
0x6e: {  	[sflag:s30] =	ssyncset.done $0x0  }
0x6f: {  	[sflag:s30] =	ssyncadd.s32 $0xFFFFFE00  }
0x70: {  	[spmem:s19] =	stream.linear.scatter [tilespmem:s31], [sflag:$0x3], $0x200, $0x38;
	[tilespmem:$0xB420] =	vst v63  }
0x71: {  	_ =	swait.ge [sflag:s30], $0x200  }
0x72: {  	[sflag:s30] =	ssyncset.done $0x0  }
0x73: {  	[sflag:s30] =	ssyncadd.s32 $0xFFFFFE00  }
0x74: {  	[spmem:s20] =	stream.linear.scatter [tilespmem:s31], [sflag:$0x3], $0x200, $0x38;
	[tilespmem:$0xB420] =	vst v63  }
0x75: {  	_ =	swait.ge [sflag:s30], $0x200  }
0x76: {  	[sflag:s30] =	ssyncset.done $0x0  }
0x77: {  	[sflag:s30] =	ssyncadd.s32 $0xFFFFFE00  }
0x78: {  	[spmem:s21] =	stream.linear.scatter [tilespmem:s31], [sflag:$0x3], $0x200, $0x38;
	[tilespmem:$0xB420] =	vst v63  }
0x79: {  	_ =	swait.ge [sflag:s30], $0x200  }
0x7a: {  	[sflag:s30] =	ssyncset.done $0x0  }
0x7b: {  	[sflag:s30] =	ssyncadd.s32 $0xFFFFFE00  }
0x7c: {  	[spmem:s22] =	stream.linear.scatter [tilespmem:s31], [sflag:$0x3], $0x200, $0x38;
	[tilespmem:$0xB420] =	vst v63  }
0x7d: {  	_ =	swait.ge [sflag:s30], $0x200  }
0x7e: {  	[sflag:s30] =	ssyncset.done $0x0  }
0x7f: {  	[sflag:s30] =	ssyncadd.s32 $0xFFFFFE00  }
0x80: {  	[spmem:s23] =	stream.linear.scatter [tilespmem:s31], [sflag:$0x3], $0x200, $0x38;
	[tilespmem:$0xB420] =	vst v63  }
0x81: {  	_ =	swait.ge [sflag:s30], $0x200  }
0x82: {  	[sflag:s30] =	ssyncset.done $0x0  }
0x83: {  	[sflag:s30] =	ssyncadd.s32 $0xFFFFFE00  }
0x84: {  	[spmem:s24] =	stream.linear.scatter [tilespmem:s31], [sflag:$0x3], $0x200, $0x38;
	[tilespmem:$0xB420] =	vst v63  }
0x85: {  	_ =	swait.ge [sflag:s30], $0x200  }
0x86: {  	[sflag:s30] =	ssyncset.done $0x0  }
0x87: {  	[sflag:s30] =	ssyncadd.s32 $0xFFFFFE00  }
0x88: {  	[spmem:s25] =	stream.linear.scatter [tilespmem:s31], [sflag:$0x3], $0x200, $0x38;
	[tilespmem:$0xB420] =	vst v63  }
0x89: {  	_ =	swait.ge [sflag:s30], $0x200  }
0x8a: {  	[sflag:s30] =	ssyncset.done $0x0  }
0x8b: {  	[sflag:s30] =	ssyncadd.s32 $0xFFFFFE00  }
0x8c: {  	[spmem:s26] =	stream.linear.scatter [tilespmem:s31], [sflag:$0x3], $0x200, $0x38;
	[tilespmem:$0xB420] =	vst v63  }
0x8d: {  	_ =	swait.ge [sflag:s30], $0x200  }
0x8e: {  	[sflag:s30] =	ssyncset.done $0x0  }
0x8f: {  	[sflag:s30] =	ssyncadd.s32 $0xFFFFFE00  }
0x90: {  	s10 =	simm.s32 $0x4E20;
	[bflag:$0x0] =	sbarrier.arrive $0xFFFF  }
0x91: {  	[tilespmem:s10], [sflag:$0x1] =	stream.indirect.gather [hbm4b:s2+s1], $0x10, s4, s1, $0xb8;
	[tilespmem:$0xB420] =	vst v63  }
0x92: {  	s11 =	simm.s32 $0x5320  }
0x93: {  	[tilespmem:s11], [sflag:$0x1] =	stream.indirect.gather [hbm4b:s2+s1], $0x10, s1, s1, $0xb8;
	[tilespmem:$0xB420] =	vst v63  }
0x94: {  	s12 =	simm.s32 $0xA0;
	s10 =	simm.s32 $0x5820  }
0x95: {  	[tilespmem:s10], [sflag:$0x1] =	stream.indirect.gather [hbm4b:s2+s1], $0x10, s12, s1, $0xb8;
	[tilespmem:$0xB420] =	vst v63  }
0x96: {  	s11 =	simm.s32 $0xF0;
	s12 =	simm.s32 $0x5D20  }
0x97: {  	[tilespmem:s12], [sflag:$0x1] =	stream.indirect.gather [hbm4b:s2+s1], $0x10, s11, s1, $0xb8;
	[tilespmem:$0xB420] =	vst v63  }
0x98: {  	s11 =	simm.s32 $0x140;
	s12 =	simm.s32 $0x6220  }
0x99: {  	[tilespmem:s12], [sflag:$0x1] =	stream.indirect.gather [hbm4b:s2+s1], $0x10, s11, s1, $0xb8;
	[tilespmem:$0xB420] =	vst v63  }
0x9a: {  	s11 =	simm.s32 $0x190;
	s12 =	simm.s32 $0x6720  }
0x9b: {  	[tilespmem:s12], [sflag:$0x1] =	stream.indirect.gather [hbm4b:s2+s1], $0x10, s11, s1, $0xb8;
	[tilespmem:$0xB420] =	vst v63  }
0x9c: {  	s11 =	simm.s32 $0x1E0;
	s12 =	simm.s32 $0x6C20  }
0x9d: {  	[tilespmem:s12], [sflag:$0x1] =	stream.indirect.gather [hbm4b:s2+s1], $0x10, s11, s1, $0xb8;
	[tilespmem:$0xB420] =	vst v63  }
0x9e: {  	s11 =	simm.s32 $0x230;
	s12 =	simm.s32 $0x7120  }
0x9f: {  	[tilespmem:s12], [sflag:$0x1] =	stream.indirect.gather [hbm4b:s2+s1], $0x10, s11, s1, $0xb8;
	[tilespmem:$0xB420] =	vst v63  }
0xa0: {  	s9 =	simm.s32 $0x320;
	s11 =	simm.s32 $0x280;
	s12 =	simm.s32 $0x7620  }
0xa1: {  	[tilespmem:s12], [sflag:$0x1] =	stream.indirect.gather [hbm4b:s2+s1], $0x10, s11, s1, $0xb8;
	[tilespmem:$0xB420] =	vst v63  }
0xa2: {  	s10 =	simm.s32 $0x0;
	s11 =	simm.s32 $0x2D0;
	s12 =	simm.s32 $0x7B20  }
0xa3: {  	[tilespmem:s12], [sflag:$0x1] =	stream.indirect.gather [hbm4b:s2+s1], $0x10, s11, s1, $0xb8;
	[tilespmem:$0xB420] =	vst v63  }
.LBB2_2:
0xa4: {  	p0 =	slt.u32 s10, $0x2  }
0xa5: {  	s11 =	simm.s32 @!p0 $0x2  }
0xa6: {  	p1 =	sgt.u32 @!p0 s10, $0x72;
	_ =	swait.ge @!p0 [sflag:s11], $0x500  }
0xa7: {  	p1 =	por p0, !p1;
	[sflag:s11] =	ssyncset.done @!p0 $0x0  }
0xa8: {  	[sflag:s11] =	ssyncadd.s32 @!p0 $0xFFFFFB00;
	s11 =	sadd.s32 @p1 $0xA, s10  }
0xa9: {  	s12 =	smul.u32 @p1 $0xAB, s11;
	_ =	sdelay $0x1  }
0xaa: {  	s12 =	sshrl.u32 @p1 s12, $0xB  }
0xab: {  	s12 =	sand.u32 @p1 $0x1F, s12  }
0xac: {  	s12 =	smul.u32 @p1 $0xC, s12;
	_ =	sdelay $0x1  }
0xad: {  	s11 =	ssub.s32 @p1 s11, s12  }
0xae: {  	s11 =	sand.u32 @p1 $0xFF, s11  }
0xaf: {  	s11 =	smul.u32 @p1 $0x1400, s11;
	_ =	sdelay $0x1  }
0xb0: {  	s11 =	sshrl.u32 @p1 s11, $0x2  }
0xb1: {  	s12 =	smul.u32 $0xAB, s10;
	s11 =	sadd.s32 @p1 $0x4E20, s11  }
0xb2: {  	[tilespmem:s11], [sflag:$0x1] =	stream.indirect.gather @p1 [hbm4b:s2+s1], $0x10, s9, s1, $0xb8;
	[tilespmem:$0xB420] =	vst v63  }
0xb3: {  	s11 =	sshrl.u32 s12, $0xB  }
0xb4: {  	s11 =	sand.u32 $0x1F, s11  }
0xb5: {  	s11 =	smul.u32 $0xC, s11;
	_ =	sdelay $0x1  }
0xb6: {  	s11 =	ssub.s32 s10, s11  }
0xb7: {  	s10 =	sadd.s32 $0x1, s10;
	s11 =	sand.u32 $0xFF, s11  }
0xb8: {  	p0 =	sne.s32 s10, $0x7D;
	s11 =	smul.u32 $0x1400, s11  }
.Ltmp0:
0xb9: {  	_ =	swait.ge [sflag:s0], $0x500;
	(pc) =	sbr.rel @p0 .LBB2_2-.Ltmp0, $4  }
0xba: {  	[sflag:s0] =	ssyncset.done $0x0;
	s11 =	sshrl.u32 s11, $0x2  }
0xbb: {  	[sflag:s0] =	ssyncadd.s32 $0xFFFFFB00;
	s11 =	sadd.s32 $0x4E20, s11  }
0xbc: {  	[spmem:s3] =	stream.indirect.scatter.add.f32 [tilespmem:s11], [sflag:$0x2], $0x10, s8, s1, $0xb8;
	[tilespmem:$0xB420] =	vst v63  }
0xbd: {  	s9 =	sadd.s32 $0x50, s9;
	s8 =	sadd.s32 $0x50, s8  }
0xbe: {  	_ =	swait.ge [sflag:s5], $0x500  }
0xbf: {  	[sflag:s5] =	ssyncset.done $0x0  }
0xc0: {  	[sflag:s5] =	ssyncadd.s32 $0xFFFFFB00  }
0xc1: {  	s8 =	stileid.u32;
	_ =	swait.ge [sflag:s5], $0x500  }
0xc2: {  	s9 =	sshrl.u32 s7, $0x3;
	s6 =	sadd.s32 $0x1, s6;
	[sflag:s5] =	ssyncset.done $0x0  }
0xc3: {  	s8 =	sshll.u32 s8, $0x6;
	p0 =	sne.s32 s6, s29;
	[sflag:s5] =	ssyncadd.s32 $0xFFFFFB00  }
.Ltmp1:
0xc4: {  	s8 =	sor.u32 $0x1C03, s8;
	[bflag:$0x0] =	sbarrier.arrive $0xFFFF;
	(pc) =	sbr.rel @p0 .LBB2_1-.Ltmp1, $4  }
0xc5: {  	[hbm:s28], [sflag:s8] =	dma.local [spmem:s9], $0x500  }
0xc6: {  	_ =	swait.ge [sflag:s30], $0x500  }
0xc7: {  	[sflag:s30] =	ssyncset.done $0x0  }
0xc8: {  	[sflag:s30] =	ssyncadd.s32 $0xFFFFFB00  }
0xc9: {  	_ =	sfence.sel $0x180000  }
0xca: {  	[bflag:$0x0] =	sbarrier.arrive $0xFFFF  }
0xcb: {  	_ =	strace $0x9000004D  }
0xcc: {  	s0 =	stileid.u32;
	[bflag:$0x2] =	sbarrier.arrive $0xFFFF  }
0xcd: {  	p0 =	sne.s32 s0, $0x0;
	s0 =	rddreg [dreg:$0x3]  }
0xce: {  	s0 =	sadd.s32 @!p0 $0x100000, s0  }
0xcf: {  	[sflag:s0] =	ssyncadd.tile.s32 @!p0 $0x1;
	_ =	shalt  }
.Lfunc_end2:
_tile_overlayer_lowered:
.L_overlay_start_2:
0xd0: {  	(tag) =	ssettag $0x2  }
0xd1: {  	s0 =	rddreg [dreg:$0x0];
	s2 =	stileid.u32  }
0xd2: {  	s1 =	rddreg [dreg:$0x1];
	p0 =	sne.s32 s2, $0x0  }
0xd3: {  	s3 =	rddreg [dreg:$0x2];
	[bflag:$0x3] =	sbarrier.arrive $0xFFFF;
	s2 =	simm.s32 @!p0 $0x1C03  }
0xd4: {  	[timem:s3], [sflag:s2] =	dma.local @!p0 [hbm:s0], s1  }
0xd5: {  	s0 =	simm.s32 @!p0 $0x3  }
0xd6: {  	_ =	swait.ge @!p0 [sflag:s0], s1  }
0xd7: {  	s1 =	ssub.s32 @!p0 $0x0, s1;
	[sflag:s0] =	ssyncset.done @!p0 $0x0  }
0xd8: {  	[sflag:s0] =	ssyncadd.s32 @!p0 s1  }
0xd9: {  	[bflag:$0x3] =	sbarrier.arrive $0xFFFF  }
0xda: {  	_ =	shalt  }

// kernel: kernel.8.cloned.1.call-start
scs
__scs_entry_jumppad:
0x0: {  	(pc) =	sbr.rel $0x88, $3  }
0x1: {  	(tag) =	ssettag $0x0;
	lr =	simm.s32 $0x1  }
0x2: {  	[smem:$0x3F99] =	sst lr;
	_ =	strace $0xD0000000  }
0x3: {  	_ = 	snop  }
0x4: {  	_ = 	snop  }
0x5: {  	_ = 	snop  }
0x6: {  	_ = 	snop  }
0x7: {  	_ = 	snop  }
__scs_overlays_trampoline_lowered:
0x8: {  	[smem:$0x3FA8] =	sst s0  }
0x9: {  	[smem:$0x3FA9] =	sst s1  }
0xa: {  	[smem:$0x3FAA] =	sst s2  }
0xb: {  	[smem:$0x3FAB] =	sst s3  }
0xc: {  	[smem:$0x3FAC] =	sst s4  }
0xd: {  	[smem:$0x3FAD] =	sst s5  }
0xe: {  	[smem:$0x3FAE] =	sst s6  }
0xf: {  	[smem:$0x3FAF] =	sst s7  }
0x10: {  	[smem:$0x3FB0] =	sst s8  }
0x11: {  	[smem:$0x3FB1] =	sst s9;
	s0 =	simm.s32 @!p0 $0x0  }
0x12: {  	s1 =	sld [smem:$0x3F97];
	s0 =	simm.s32 @p0 $0x1  }
0x13: {  	[smem:$0x3FB2] =	sst s0;
	s0 =	simm.s32 @!p1 $0x0  }
0x14: {  	s2 =	sld [smem:$0x3F96];
	s0 =	simm.s32 @p1 $0x1  }
0x15: {  	[smem:$0x3FB3] =	sst s0;
	s0 =	simm.s32 @!p2 $0x0  }
0x16: {  	s3 =	sld [smem:$0x3FDB];
	s0 =	simm.s32 @p2 $0x1  }
0x17: {  	s4 =	simm.s32 $0x1BF5;
	[smem:$0x3FB5] =	sst s0  }
0x18: {  	s0 =	sld [smem:$0x3F98];
	_ =	swait.ge [sflag:s4], $0x0  }
0x19: {  	s7 =	sld [smem:$0x3F99]  }
0x1a: {  	s8 =	sadd.s32 $0xFFFFE003, lr  }
0x1b: {  	s9 =	sadd.s32 $0xFFFFFEF7, lr;
	s5 =	simm.s32 $0xFFFFFFFF;
	p2 =	slt.u32 s8, $0xFFFFF086  }
0x1c: {  	p1 =	slt.u32 s9, $0xF7A;
	s5 =	simm.s32 @!p2 $0x0  }
0x1d: {  	s5 =	simm.s32 @p1 $0x1;
	p0 =	seq.s32 s7, s2  }
0x1e: {  	s7 =	smul.u32 @!p0 $0xF7A, s2;
	p2 =	seq.s32 @!p0 s5, $0x0  }
0x1f: {  	s9 =	smul.u32 $0xF7A, s1;
	s8 =	simm.s32 @!p0 $0x1BF5;
	p2 =	por !p2, p0  }
0x20: {  	[sflag:s8] =	ssyncset.s32 @!p0 $0xFFFFF086;
	s6 =	sadd.s32 @!p0 s3, s7;
	s7 =	simm.s32 @!p0 $0x108  }
0x21: {  	s3 =	sadd.s32 s3, s9;
	s6 =	sadd.s32 @!p0 $0x88, s6;
	s7 =	simm.s32 @p2 $0x1082  }
0x22: {  	[simem:s7], [sflag:s8] =	dma.local @!p0 [hbm:s6], $0xF7A  }
0x23: {  	s9 =	sor.u32 $0xD0000000, s2;
	s6 =	simm.s32 $0x108;
	_ =	swait.ge @!p0 [sflag:s8], $0x0  }
0x24: {  	s3 =	sadd.s32 $0x88, s3;
	s6 =	simm.s32 @!p1 $0x1082;
	[sflag:s4] =	ssyncset.s32 $0xFFFFF086  }
0x25: {  	[simem:s6], [sflag:s4] =	dma.local [hbm:s3], $0xF7A  }
0x26: {  	[smem:$0x3F99] =	sst s1;
	(tag) =	ssettag s2;
	_ =	strace s9  }
0x27: {  	s1 =	sld [smem:$0x3FA9]  }
0x28: {  	s2 =	sld [smem:$0x3FAA]  }
0x29: {  	s4 =	sld [smem:$0x3FAC]  }
0x2a: {  	p0 =	seq.s32 s5, $0x0;
	s5 =	sld [smem:$0x3FAD]  }
0x2b: {  	s6 =	sld [smem:$0x3FAE]  }
0x2c: {  	s7 =	sld [smem:$0x3FAF]  }
0x2d: {  	s3 =	simm.s32 $0x108;
	s8 =	sld [smem:$0x3FB0]  }
0x2e: {  	s3 =	simm.s32 @!p0 $0x1082;
	s9 =	sld [smem:$0x3FB1]  }
0x2f: {  	lr =	sadd.s32 s0, s3;
	s0 =	sld [smem:$0x3FA8]  }
0x30: {  	s3 =	sld [smem:$0x3FAB]  }
0x31: {  	[smem:$0x3FB4] =	sst s10  }
0x32: {  	s10 =	sld [smem:$0x3FB2];
	_ =	sdelay $0x3  }
0x33: {  	p0 =	seq.s32 s10, $0x1;
	s10 =	sld [smem:$0x3FB4];
	_ =	sdelay $0x3  }
0x34: {  	[smem:$0x3FB4] =	sst s10  }
0x35: {  	s10 =	sld [smem:$0x3FB3];
	_ =	sdelay $0x3  }
0x36: {  	p1 =	seq.s32 s10, $0x1;
	s10 =	sld [smem:$0x3FB4];
	_ =	sdelay $0x3  }
0x37: {  	[smem:$0x3FB4] =	sst s10  }
0x38: {  	s10 =	sld [smem:$0x3FB5]  }
0x39: {  	_ = 	snop;
	(pc) =	sbr.ind lr, $3  }
0x3a: {  	_ = 	snop  }
0x3b: {  	_ = 	snop  }
0x3c: {  	p2 =	seq.s32 s10, $0x1;
	s10 =	sld [smem:$0x3FB4]  }
0x3d: {  	_ =	shalt  }
0x3e: {  	_ =	shalt  }
0x3f: {  	_ =	shalt  }
0x40: {  	_ =	shalt  }
0x41: {  	_ =	shalt  }
0x42: {  	_ =	shalt  }
0x43: {  	_ =	shalt  }
0x44: {  	_ =	shalt  }
0x45: {  	_ =	shalt  }
0x46: {  	_ =	shalt  }
0x47: {  	_ =	shalt  }
0x48: {  	_ =	shalt  }
0x49: {  	_ =	shalt  }
0x4a: {  	_ =	shalt  }
0x4b: {  	_ =	shalt  }
0x4c: {  	_ =	shalt  }
0x4d: {  	_ =	shalt  }
0x4e: {  	_ =	shalt  }
0x4f: {  	_ =	shalt  }
0x50: {  	_ =	shalt  }
0x51: {  	_ =	shalt  }
0x52: {  	_ =	shalt  }
0x53: {  	_ =	shalt  }
0x54: {  	_ =	shalt  }
0x55: {  	_ =	shalt  }
0x56: {  	_ =	shalt  }
0x57: {  	_ =	shalt  }
0x58: {  	_ =	shalt  }
0x59: {  	_ =	shalt  }
0x5a: {  	_ =	shalt  }
0x5b: {  	_ =	shalt  }
0x5c: {  	_ =	shalt  }
0x5d: {  	_ =	shalt  }
0x5e: {  	_ =	shalt  }
0x5f: {  	_ =	shalt  }
0x60: {  	_ =	shalt  }
0x61: {  	_ =	shalt  }
0x62: {  	_ =	shalt  }
0x63: {  	_ =	shalt  }
0x64: {  	_ =	shalt  }
0x65: {  	_ =	shalt  }
0x66: {  	_ =	shalt  }
0x67: {  	_ =	shalt  }
0x68: {  	_ =	shalt  }
0x69: {  	_ =	shalt  }
0x6a: {  	_ =	shalt  }
0x6b: {  	_ =	shalt  }
0x6c: {  	_ =	shalt  }
0x6d: {  	_ =	shalt  }
0x6e: {  	_ =	shalt  }
0x6f: {  	_ =	shalt  }
0x70: {  	_ =	shalt  }
0x71: {  	_ =	shalt  }
0x72: {  	_ =	shalt  }
0x73: {  	_ =	shalt  }
0x74: {  	_ =	shalt  }
0x75: {  	_ =	shalt  }
0x76: {  	_ =	shalt  }
0x77: {  	_ =	shalt  }
0x78: {  	_ =	shalt  }
0x79: {  	_ =	shalt  }
0x7a: {  	_ =	shalt  }
0x7b: {  	_ =	shalt  }
0x7c: {  	_ =	shalt  }
0x7d: {  	_ =	shalt  }
0x7e: {  	_ =	shalt  }
0x7f: {  	_ =	shalt  }
0x80: {  	_ =	shalt  }
0x81: {  	_ =	shalt  }
0x82: {  	_ =	shalt  }
0x83: {  	_ =	shalt  }
0x84: {  	_ =	shalt  }
0x85: {  	_ =	shalt  }
0x86: {  	_ =	shalt  }
0x87: {  	_ =	shalt  }
.Lfunc_end0:
.L_simem_size_0:
called_computation_lowered:
.L_overlay_start_0:
0x88: {  	s2 =	sld [smem:$0x3FD9]  }
0x89: {  	s3 =	sld [smem:$0x3FFE];
	_ =	sdelay $0x1  }
0x8a: {  	s1 =	srdreg.scid  }
0x8b: {  	s0 =	sand.u32 $0x1, s1  }
0x8c: {  	s17 =	sshll.u32 s0, $0xA;
	s2 =	sadd.s32 s3, s2  }
0x8d: {  	s2 =	sadd.s32 s2, s17  }
0x8e: {  	[smem:$0x3FC0] =	sst s2  }
0x8f: {  	_ = 	snop  }
0x90: {  	(tm) =	ssettm $0x1  }
0x91: {  	s18 =	sld [smem:$0x3FFB];
	_ =	sdelay $0x3  }
0x92: {  	_ =	strace s18  }
0x93: {  	s2 =	sld [smem:$0x3FFC];
	_ =	sdelay $0x3  }
0x94: {  	_ =	strace s2  }
0x95: {  	s2 =	sld [smem:$0x3FFD];
	_ =	sdelay $0x3  }
0x96: {  	_ =	strace s2  }
0x97: {  	_ =	strace $0x8FFFFFFF  }
0x98: {  	s19 =	sld [smem:$0x3FDB];
	_ =	sdelay $0x1  }
0x99: {  	s20 =	simm.s32 $_scs_section_size  }
0x9a: {  	s4 =	simm.s32 $_size__tile_overlayer_lowered;
	s5 =	simm.s32 $_tile_overlayer_lowered  }
0x9b: {  	s6 =	simm.s32 $0x1BFF;
	s21 =	sshll.u32 s5, $0x1;
	s3 =	sadd.s32 s20, s19  }
0x9c: {  	s22 =	simm.s32 $0x0;
	s4 =	sshll.u32 s4, $0x1;
	s5 =	sadd.s32 s21, s3  }
0x9d: {  	[timem:s22], [sflag:s6] =	dma.local [hbm:s5], s4  }
0x9e: {  	_ =	swait.ge [sflag:s6], s4  }
0x9f: {  	s4 =	ssub.s32 $0x0, s4;
	[sflag:s6] =	ssyncset.done $0x0  }
0xa0: {  	[sflag:s6] =	ssyncadd.s32 s4;
	_ =	sdelay $0x1  }
0xa1: {  	s23 =	simm.s32 $0x1B8B  }
0xa2: {  	_ =	swait.ge [sflag:s23], $0x1  }
0xa3: {  	[sflag:s23] =	ssyncset.done $0x0  }
0xa4: {  	[sflag:s23] =	ssyncadd.s32 $0xFFFFFFFF  }
0xa5: {  	s4 =	sld [smem:$0x0]  }
0xa6: {  	s5 =	sand.u32 $0xFFFFFFFE, s1  }
0xa7: {  	p0 =	sne.s32 s1, s5  }
0xa8: {  	s5 =	sshll.u32 @p0 s5, $0xE  }
0xa9: {  	s5 =	sadd.s32 @p0 $0x11B8D, s5;
	s6 =	sshll.u32 @p0 s4, $0x11  }
0xaa: {  	s5 =	sor.u32 @p0 s6, s5  }
0xab: {  	[sflag:s5] =	ssyncadd.remote.s32 @p0 $0x1;
	_ =	sdelay $0x1  }
0xac: {  	s5 =	simm.s32 @p0 $0x1B8D  }
0xad: {  	_ =	swait.eq @p0 [sflag:s5], $0x1  }
0xae: {  	[sflag:s5] =	ssyncadd.s32 @p0 $0xFFFFFFFF  }
0xaf: {  	s6 =	sshll.u32 @!p0 s1, $0xE  }
0xb0: {  	s6 =	sor.u32 @!p0 $0x4000, s6;
	s5 =	simm.s32 @!p0 $0x1B8D  }
0xb1: {  	s4 =	sshll.u32 @!p0 s4, $0x11;
	s6 =	sadd.s32 @!p0 $0x11B8D, s6;
	_ =	swait.eq @!p0 [sflag:s5], $0x1  }
0xb2: {  	s4 =	sor.u32 @!p0 s4, s6;
	[sflag:s5] =	ssyncadd.s32 @!p0 $0xFFFFFFFF  }
0xb3: {  	s25 =	simm.s32 $0x1B8E;
	s24 =	sld [smem:$0x3FFE];
	[sflag:s4] =	ssyncadd.remote.s32 @!p0 $0x1  }
0xb4: {  	s26 =	simm.s32 $execute0_lowered;
	[smem:$0x3FD2] =	sst s25  }
0xb5: {  	s5 =	sshll.u32 s26, $0x1;
	_ =	strace $0x80000049;
	[dreg:$0x1] =	wrdreg $0xFFFFFFFF  }
0xb6: {  	s28 =	simm.s32 $_size_execute0_lowered;
	s3 =	sadd.s32 s3, s5;
	[dreg:$0x0] =	wrdreg $0x0  }
0xb7: {  	s5 =	sshll.u32 s28, $0x1;
	[dreg:$0x2] =	wrdreg s3  }
0xb8: {  	[dreg:$0x3] =	wrdreg s5  }
0xb9: {  	[dreg:$0x4] =	wrdreg $0xC0  }
0xba: {  	_ =	task [dreg:s22], $0x5FFFF  }
0xbb: {  	[dreg:$0x1] =	wrdreg $0xFFFFFFFF  }
0xbc: {  	[dreg:$0x0] =	wrdreg $0x60  }
0xbd: {  	[dreg:$0x2] =	wrdreg s24  }
0xbe: {  	[dreg:$0x3] =	wrdreg $0x120200  }
0xbf: {  	[dreg:$0x4] =	wrdreg $0x9  }
0xc0: {  	_ =	task.clear_ibuf [dreg:s22], $0x5FFFF;
	_ =	strace $0x90000049  }
0xc1: {  	s29 =	simm.s32 $0x9;
	_ =	strace $0x8000004B  }
0xc2: {  	_ =	swait.ge [sflag:s29], $0x1  }
0xc3: {  	[sflag:s29] =	ssyncadd.s32 $0xFFFFFFFF  }
0xc4: {  	_ =	strace $0x9000004B  }
0xc5: {  	_ =	sfence  }
0xc6: {  	s30 =	sld [smem:$0x0];
	_ =	sdelay $0x2  }
0xc7: {  	s31 =	sshll.u32 s1, $0xD;
	s1 =	sshrl.u32 s1, $0x2  }
0xc8: {  	s4 =	sand.u32 $0x4000, s31;
	s1 =	sadd.s32 s1, s30  }
0xc9: {  	s0 =	sor.u32 s4, s0;
	s1 =	sshll.u32 s1, $0x11  }
0xca: {  	s0 =	sor.u32 s1, s0  }
0xcb: {  	s0 =	sadd.s32 $0x8F2B, s0  }
0xcc: {  	[sflag:s0] =	ssyncadd.remote.s32 $0x1  }
0xcd: {  	_ =	sfence.sel $0xFFFF  }
0xce: {  	[dreg:$0x0] =	wrdreg $0xFFFFFFFF;
	(pc) =	sbr.abs _section_cstart, $3  }
0xcf: {  	[dreg:$0x1] =	wrdreg $0xFFFFFFFF  }
0xd0: {  	_ =	task.clear_ibuf [dreg:s22], $0x2FFFF;
	_ =	strace $0x9FFFFFFF  }
0xd1: {  	(tm) =	ssettm $0x7FFFFFFF  }
tec
execute0_lowered:
.L_overlay_start_1:
0x0: {  	(tag) =	ssettag $0x1  }
0x1: {  	s0 =	srdreg.scid  }
0x2: {  	s8 =	stileid.u32;
	s5 =	rddreg [dreg:$0x0]  }
0x3: {  	s2 =	rddreg [dreg:$0x1];
	s3 =	simm.s32 $0x0;
	s6 =	smul.u32 $0xC800, s8  }
0x4: {  	s30 =	simm.s32 $0x3;
	s1 =	sshll.u32 s8, $0x1;
	s8 =	smul.u32 $0x32000, s8  }
0x5: {  	s31 =	simm.s32 $0x2710;
	s9 =	simm.s32 $0x2;
	s10 =	simm.s32 $0x0  }
0x6: {  	s0 =	sand.u32 $0x1, s0;
	[smem:$0x7FF] =	sst s3;
	s8 =	sshrl.u32 s8, $0x2  }
0x7: {  	s4 =	sadd.s32 $0x51200, s5;
	s1 =	sor.u32 s0, s1;
	s8 =	sadd.s32 s8, s2  }
0x8: {  	s7 =	smul.u32 $0xC8000, s0;
	_ =	strace $0x8000004A;
	s15 =	sadd.s32 $0xA00, s8  }
0x9: {  	s0 =	ssub.s32 $0x2, s0;
	s16 =	sadd.s32 $0x1400, s8;
	[dreg:$0x5] =	wrdreg s15  }
0xa: {  	s1 =	smul.u32 $0x2710, s1;
	s17 =	sadd.s32 $0x1E00, s8;
	[dreg:$0x6] =	wrdreg s16  }
0xb: {  	s13 =	sshrl.u32 s0, $0x1;
	s18 =	sadd.s32 $0x2800, s8;
	[dreg:$0x7] =	wrdreg s17  }
0xc: {  	s7 =	sadd.s32 s6, s7;
	s19 =	sadd.s32 $0x3200, s8;
	[dreg:$0x8] =	wrdreg s18  }
0xd: {  	s0 =	ssub.s32 s0, s13;
	s20 =	sadd.s32 $0x3C00, s8;
	[dreg:$0x9] =	wrdreg s19  }
0xe: {  	s1 =	sshrl.u32 s1, $0x3;
	s21 =	sadd.s32 $0x4600, s8;
	[dreg:$0xa] =	wrdreg s20  }
0xf: {  	s7 =	sshrl.u32 s7, $0x3;
	s22 =	sadd.s32 $0x5000, s8;
	[dreg:$0xb] =	wrdreg s21  }
0x10: {  	s23 =	sadd.s32 $0x5A00, s8;
	s24 =	sadd.s32 $0x6400, s8;
	[dreg:$0xc] =	wrdreg s22  }
0x11: {  	s25 =	sadd.s32 $0x6E00, s8;
	s26 =	sadd.s32 $0x7800, s8;
	[dreg:$0xd] =	wrdreg s23  }
0x12: {  	s29 =	smax.u32 s0, $0x1;
	s0 =	simm.s32 $0x50;
	[dreg:$0xe] =	wrdreg s24  }
0x13: {  	s1 =	sadd.s32 s1, s5;
	s5 =	sadd.s32 s7, s5;
	[dreg:$0xf] =	wrdreg s25  }
0x14: {  	s7 =	sadd.s32 s6, s2;
	[dreg:$0x10] =	wrdreg s26;
	s20 =	sadd.s32 $0x8200, s8  }
0x15: {  	s21 =	sadd.s32 $0x8C00, s8;
	s22 =	sadd.s32 $0x9600, s8;
	s23 =	sadd.s32 $0xA000, s8  }
0x16: {  	s24 =	sadd.s32 $0xAA00, s8;
	s25 =	sadd.s32 $0xB400, s8;
	s26 =	sadd.s32 $0xBE00, s8  }
0x17: {  	s6 =	simm.s32 $0x6720;
	s8 =	simm.s32 $0x1;
	s14 =	sadd.s32 $0x1E00, s1  }
0x18: {  	s1 =	sadd.s32 $0xBA40, s1;
	s28 =	sadd.s32 $0x69A00, s5;
	[dreg:$0x3] =	wrdreg s14  }
0x19: {  	v0 =	vimm.f32 $0.0e+00;
	s5 =	simm.s32 $0x4E20;
	[dreg:$0x4] =	wrdreg s1;
	s1 =	simm.s32 $0x11620  }
.LBB2_1:
0x1a: {  	s11 =	rddreg [dreg:$0x3]  }
0x1b: {  	[tilespmem:s3], [sflag:$0x3] =	stream.linear.gather [hbm4b:s11+s3], $0x2710, $0x38;
	[tilespmem:$0x1E820] =	vst v63  }
0x1c: {  	_ =	swait.ge [sflag:s30], $0x2710  }
0x1d: {  	[sflag:s30] =	ssyncset.done $0x0  }
0x1e: {  	s19 =	rddreg [dreg:$0x4];
	[sflag:s30] =	ssyncadd.s32 $0xFFFFD8F0  }
0x1f: {  	[tilespmem:s31], [sflag:$0x3] =	stream.linear.gather [hbm4b:s19+s3], $0x2710, $0x38;
	[tilespmem:$0x1E820] =	vst v63  }
0x20: {  	_ =	swait.ge [sflag:s30], $0x2710  }
0x21: {  	[sflag:s30] =	ssyncset.done $0x0  }
0x22: {  	s12 =	simm.s32 $0x140;
	s11 =	simm.s32 $0x0;
	[sflag:s30] =	ssyncadd.s32 $0xFFFFD8F0  }
.LBB2_2:
0x23: {  	p0 =	sne.s32 s12, $0x26C0;
	[tilespmem:s11+$0x11660] =	vst v0;
	s13 =	smov.u32 s12;
	s12 =	sadd.s32 $0x140, s12  }
.Ltmp0:
0x24: {  	[tilespmem:s11+$0x11650] =	vst v0;
	(pc) =	sbr.rel @p0 .LBB2_2-.Ltmp0, $4  }
0x25: {  	[tilespmem:s11+$0x11640] =	vst v0  }
0x26: {  	[tilespmem:s11+$0x11620] =	vst v0  }
0x27: {  	[tilespmem:s11+$0x11630] =	vst v0  }
0x28: {  	s11 =	sshra.s32 s13, $0x2  }
0x29: {  	[tilespmem:s11+$0x11660] =	vst v0  }
0x2a: {  	[tilespmem:s11+$0x11650] =	vst v0  }
0x2b: {  	[tilespmem:s11+$0x11640] =	vst v0  }
0x2c: {  	[tilespmem:s11+$0x11620] =	vst v0  }
0x2d: {  	[tilespmem:s11+$0x11630] =	vst v0  }
0x2e: {  	[spmem:s7] =	stream.linear.scatter [tilespmem:s1], [sflag:$0x3], $0xA00, $0x38;
	[tilespmem:$0x1E820] =	vst v63  }
0x2f: {  	_ =	swait.ge [sflag:s30], $0xA00  }
0x30: {  	[sflag:s30] =	ssyncset.done $0x0  }
0x31: {  	s19 =	rddreg [dreg:$0x5];
	[sflag:s30] =	ssyncadd.s32 $0xFFFFF600  }
0x32: {  	[spmem:s19] =	stream.linear.scatter [tilespmem:s1], [sflag:$0x3], $0xA00, $0x38;
	[tilespmem:$0x1E820] =	vst v63  }
0x33: {  	_ =	swait.ge [sflag:s30], $0xA00  }
0x34: {  	[sflag:s30] =	ssyncset.done $0x0  }
0x35: {  	s12 =	rddreg [dreg:$0x6];
	[sflag:s30] =	ssyncadd.s32 $0xFFFFF600  }
0x36: {  	[spmem:s12] =	stream.linear.scatter [tilespmem:s1], [sflag:$0x3], $0xA00, $0x38;
	[tilespmem:$0x1E820] =	vst v63  }
0x37: {  	_ =	swait.ge [sflag:s30], $0xA00  }
0x38: {  	[sflag:s30] =	ssyncset.done $0x0  }
0x39: {  	s13 =	rddreg [dreg:$0x7];
	[sflag:s30] =	ssyncadd.s32 $0xFFFFF600  }
0x3a: {  	[spmem:s13] =	stream.linear.scatter [tilespmem:s1], [sflag:$0x3], $0xA00, $0x38;
	[tilespmem:$0x1E820] =	vst v63  }
0x3b: {  	_ =	swait.ge [sflag:s30], $0xA00  }
0x3c: {  	[sflag:s30] =	ssyncset.done $0x0  }
0x3d: {  	s14 =	rddreg [dreg:$0x8];
	[sflag:s30] =	ssyncadd.s32 $0xFFFFF600  }
0x3e: {  	[spmem:s14] =	stream.linear.scatter [tilespmem:s1], [sflag:$0x3], $0xA00, $0x38;
	[tilespmem:$0x1E820] =	vst v63  }
0x3f: {  	_ =	swait.ge [sflag:s30], $0xA00  }
0x40: {  	[sflag:s30] =	ssyncset.done $0x0  }
0x41: {  	s15 =	rddreg [dreg:$0x9];
	[sflag:s30] =	ssyncadd.s32 $0xFFFFF600  }
0x42: {  	[spmem:s15] =	stream.linear.scatter [tilespmem:s1], [sflag:$0x3], $0xA00, $0x38;
	[tilespmem:$0x1E820] =	vst v63  }
0x43: {  	_ =	swait.ge [sflag:s30], $0xA00  }
0x44: {  	[sflag:s30] =	ssyncset.done $0x0  }
0x45: {  	s16 =	rddreg [dreg:$0xa];
	[sflag:s30] =	ssyncadd.s32 $0xFFFFF600  }
0x46: {  	[spmem:s16] =	stream.linear.scatter [tilespmem:s1], [sflag:$0x3], $0xA00, $0x38;
	[tilespmem:$0x1E820] =	vst v63  }
0x47: {  	_ =	swait.ge [sflag:s30], $0xA00  }
0x48: {  	[sflag:s30] =	ssyncset.done $0x0  }
0x49: {  	s17 =	rddreg [dreg:$0xb];
	[sflag:s30] =	ssyncadd.s32 $0xFFFFF600  }
0x4a: {  	[spmem:s17] =	stream.linear.scatter [tilespmem:s1], [sflag:$0x3], $0xA00, $0x38;
	[tilespmem:$0x1E820] =	vst v63  }
0x4b: {  	_ =	swait.ge [sflag:s30], $0xA00  }
0x4c: {  	[sflag:s30] =	ssyncset.done $0x0  }
0x4d: {  	s18 =	rddreg [dreg:$0xc];
	[sflag:s30] =	ssyncadd.s32 $0xFFFFF600  }
0x4e: {  	[spmem:s18] =	stream.linear.scatter [tilespmem:s1], [sflag:$0x3], $0xA00, $0x38;
	[tilespmem:$0x1E820] =	vst v63  }
0x4f: {  	_ =	swait.ge [sflag:s30], $0xA00  }
0x50: {  	[sflag:s30] =	ssyncset.done $0x0  }
0x51: {  	s19 =	rddreg [dreg:$0xd];
	[sflag:s30] =	ssyncadd.s32 $0xFFFFF600  }
0x52: {  	[spmem:s19] =	stream.linear.scatter [tilespmem:s1], [sflag:$0x3], $0xA00, $0x38;
	[tilespmem:$0x1E820] =	vst v63  }
0x53: {  	_ =	swait.ge [sflag:s30], $0xA00  }
0x54: {  	[sflag:s30] =	ssyncset.done $0x0  }
0x55: {  	s12 =	rddreg [dreg:$0xe];
	[sflag:s30] =	ssyncadd.s32 $0xFFFFF600  }
0x56: {  	[spmem:s12] =	stream.linear.scatter [tilespmem:s1], [sflag:$0x3], $0xA00, $0x38;
	[tilespmem:$0x1E820] =	vst v63  }
0x57: {  	_ =	swait.ge [sflag:s30], $0xA00  }
0x58: {  	[sflag:s30] =	ssyncset.done $0x0  }
0x59: {  	s13 =	rddreg [dreg:$0xf];
	[sflag:s30] =	ssyncadd.s32 $0xFFFFF600  }
0x5a: {  	[spmem:s13] =	stream.linear.scatter [tilespmem:s1], [sflag:$0x3], $0xA00, $0x38;
	[tilespmem:$0x1E820] =	vst v63  }
0x5b: {  	_ =	swait.ge [sflag:s30], $0xA00  }
0x5c: {  	[sflag:s30] =	ssyncset.done $0x0  }
0x5d: {  	s14 =	rddreg [dreg:$0x10];
	[sflag:s30] =	ssyncadd.s32 $0xFFFFF600  }
0x5e: {  	[spmem:s14] =	stream.linear.scatter [tilespmem:s1], [sflag:$0x3], $0xA00, $0x38;
	[tilespmem:$0x1E820] =	vst v63  }
0x5f: {  	_ =	swait.ge [sflag:s30], $0xA00  }
0x60: {  	[sflag:s30] =	ssyncset.done $0x0  }
0x61: {  	[sflag:s30] =	ssyncadd.s32 $0xFFFFF600  }
0x62: {  	[spmem:s20] =	stream.linear.scatter [tilespmem:s1], [sflag:$0x3], $0xA00, $0x38;
	[tilespmem:$0x1E820] =	vst v63  }
0x63: {  	_ =	swait.ge [sflag:s30], $0xA00  }
0x64: {  	[sflag:s30] =	ssyncset.done $0x0  }
0x65: {  	[sflag:s30] =	ssyncadd.s32 $0xFFFFF600  }
0x66: {  	[spmem:s21] =	stream.linear.scatter [tilespmem:s1], [sflag:$0x3], $0xA00, $0x38;
	[tilespmem:$0x1E820] =	vst v63  }
0x67: {  	_ =	swait.ge [sflag:s30], $0xA00  }
0x68: {  	[sflag:s30] =	ssyncset.done $0x0  }
0x69: {  	[sflag:s30] =	ssyncadd.s32 $0xFFFFF600  }
0x6a: {  	[spmem:s22] =	stream.linear.scatter [tilespmem:s1], [sflag:$0x3], $0xA00, $0x38;
	[tilespmem:$0x1E820] =	vst v63  }
0x6b: {  	_ =	swait.ge [sflag:s30], $0xA00  }
0x6c: {  	[sflag:s30] =	ssyncset.done $0x0  }
0x6d: {  	[sflag:s30] =	ssyncadd.s32 $0xFFFFF600  }
0x6e: {  	[spmem:s23] =	stream.linear.scatter [tilespmem:s1], [sflag:$0x3], $0xA00, $0x38;
	[tilespmem:$0x1E820] =	vst v63  }
0x6f: {  	_ =	swait.ge [sflag:s30], $0xA00  }
0x70: {  	[sflag:s30] =	ssyncset.done $0x0  }
0x71: {  	[sflag:s30] =	ssyncadd.s32 $0xFFFFF600  }
0x72: {  	[spmem:s24] =	stream.linear.scatter [tilespmem:s1], [sflag:$0x3], $0xA00, $0x38;
	[tilespmem:$0x1E820] =	vst v63  }
0x73: {  	_ =	swait.ge [sflag:s30], $0xA00  }
0x74: {  	[sflag:s30] =	ssyncset.done $0x0  }
0x75: {  	[sflag:s30] =	ssyncadd.s32 $0xFFFFF600  }
0x76: {  	[spmem:s25] =	stream.linear.scatter [tilespmem:s1], [sflag:$0x3], $0xA00, $0x38;
	[tilespmem:$0x1E820] =	vst v63  }
0x77: {  	_ =	swait.ge [sflag:s30], $0xA00  }
0x78: {  	[sflag:s30] =	ssyncset.done $0x0  }
0x79: {  	[sflag:s30] =	ssyncadd.s32 $0xFFFFF600  }
0x7a: {  	[spmem:s26] =	stream.linear.scatter [tilespmem:s1], [sflag:$0x3], $0xA00, $0x38;
	[tilespmem:$0x1E820] =	vst v63  }
0x7b: {  	_ =	swait.ge [sflag:s30], $0xA00  }
0x7c: {  	[sflag:s30] =	ssyncset.done $0x0  }
0x7d: {  	[sflag:s30] =	ssyncadd.s32 $0xFFFFF600  }
0x7e: {  	[bflag:$0x0] =	sbarrier.arrive $0xFFFF  }
0x7f: {  	[tilespmem:s5], [sflag:$0x1] =	stream.indirect.gather [hbm4b:s4+s0], $0x50, s3, s0, $0xb8;
	[tilespmem:$0x1E820] =	vst v63  }
0x80: {  	_ = 	snop  }
0x81: {  	[tilespmem:s6], [sflag:$0x1] =	stream.indirect.gather [hbm4b:s4+s0], $0x50, s0, s0, $0xb8;
	[tilespmem:$0x1E820] =	vst v63  }
0x82: {  	s15 =	simm.s32 $0xA0;
	s12 =	simm.s32 $0x8020  }
0x83: {  	[tilespmem:s12], [sflag:$0x1] =	stream.indirect.gather [hbm4b:s4+s0], $0x50, s15, s0, $0xb8;
	[tilespmem:$0x1E820] =	vst v63  }
0x84: {  	s16 =	simm.s32 $0xF0;
	s17 =	simm.s32 $0x9920  }
0x85: {  	[tilespmem:s17], [sflag:$0x1] =	stream.indirect.gather [hbm4b:s4+s0], $0x50, s16, s0, $0xb8;
	[tilespmem:$0x1E820] =	vst v63  }
0x86: {  	s18 =	simm.s32 $0x140;
	s19 =	simm.s32 $0xB220  }
0x87: {  	[tilespmem:s19], [sflag:$0x1] =	stream.indirect.gather [hbm4b:s4+s0], $0x50, s18, s0, $0xb8;
	[tilespmem:$0x1E820] =	vst v63  }
0x88: {  	s13 =	simm.s32 $0x190;
	s14 =	simm.s32 $0xCB20  }
0x89: {  	[tilespmem:s14], [sflag:$0x1] =	stream.indirect.gather [hbm4b:s4+s0], $0x50, s13, s0, $0xb8;
	[tilespmem:$0x1E820] =	vst v63  }
0x8a: {  	s15 =	simm.s32 $0x1E0;
	s16 =	simm.s32 $0xE420  }
0x8b: {  	[tilespmem:s16], [sflag:$0x1] =	stream.indirect.gather [hbm4b:s4+s0], $0x50, s15, s0, $0xb8;
	[tilespmem:$0x1E820] =	vst v63  }
0x8c: {  	_ =	swait.ge [sflag:s8], $0x1900  }
0x8d: {  	s11 =	simm.s32 $0x8;
	p0 =	por $0x0, $0x0;
	[sflag:s8] =	ssyncset.done $0x0  }
0x8e: {  	s11 =	sand.u32 @!p0 $0x7, s11;
	[sflag:s8] =	ssyncadd.s32 $0xFFFFE700  }
0x8f: {  	[spmem:s2] =	stream.indirect.scatter.add.f32 [tilespmem:s5], [sflag:$0x2], $0x50, s31, s0, $0xb8;
	[tilespmem:$0x1E820] =	vst v63  }
0x90: {  	s11 =	smul.u32 @!p0 $0x6400, s11;
	s17 =	simm.s32 $0x230;
	s18 =	simm.s32 $0xFD20  }
0x91: {  	[tilespmem:s18], [sflag:$0x1] =	stream.indirect.gather [hbm4b:s4+s0], $0x50, s17, s0, $0xb8;
	[tilespmem:$0x1E820] =	vst v63  }
0x92: {  	s11 =	sshrl.u32 @!p0 s11, $0x2;
	_ =	swait.ge [sflag:s8], $0x1900  }
0x93: {  	s11 =	sadd.s32 @!p0 $0x4E20, s11;
	[sflag:s8] =	ssyncset.done $0x0  }
0x94: {  	s12 =	simm.s32 $0x27B0;
	s19 =	simm.s32 $0x2760;
	[sflag:s8] =	ssyncadd.s32 $0xFFFFE700  }
0x95: {  	[spmem:s2] =	stream.indirect.scatter.add.f32 [tilespmem:s6], [sflag:$0x2], $0x50, s19, s0, $0xb8;
	[tilespmem:$0x1E820] =	vst v63  }
0x96: {  	s13 =	simm.s32 $0x280;
	s14 =	simm.s32 $0x9;
	_ =	swait.ge [sflag:s9], $0x1900  }
0x97: {  	s16 =	simm.s32 $0x2;
	s15 =	simm.s32 $0xA;
	[sflag:s9] =	ssyncset.done $0x0  }
0x98: {  	s16 =	sand.u32 $0x7, s16;
	s17 =	simm.s32 @!p0 $0x50;
	[sflag:s9] =	ssyncadd.s32 $0xFFFFE700  }
0x99: {  	[tilespmem:s11], [sflag:$0x1] =	stream.indirect.gather @!p0 [hbm4b:s4+s17], $0x50, s13, s17, $0xb8;
	[tilespmem:$0x1E820] =	vst v63  }
0x9a: {  	s17 =	smul.u32 $0x6400, s16;
	s13 =	simm.s32 $0x2D0;
	_ =	swait.ge [sflag:s8], $0x1900  }
0x9b: {  	s16 =	simm.s32 $0x3;
	s11 =	simm.s32 $0x2800;
	[sflag:s8] =	ssyncset.done $0x0  }
.LBB2_4:
0x9c: {  	p1 =	sgt.u32 s16, $0x76  }
0x9d: {  	s17 =	sshrl.u32 s17, $0x2;
	s18 =	smov.u32 s15;
	s15 =	sadd.s32 $0x1, s15  }
0x9e: {  	p0 =	sne.s32 s15, $0x83;
	s14 =	sand.u32 @!p1 $0x7, s14;
	s17 =	sadd.s32 $0x4E20, s17  }
0x9f: {  	s19 =	smul.u32 @!p1 $0x6400, s14;
	[sflag:s8] =	ssyncadd.s32 $0xFFFFE700;
	s14 =	smov.u32 s18  }
0xa0: {  	[spmem:s2] =	stream.indirect.scatter.add.f32 [tilespmem:s17], [sflag:$0x2], $0x50, s12, s0, $0xb8;
	[tilespmem:$0x1E820] =	vst v63  }
0xa1: {  	s12 =	smov.u32 s11;
	_ =	swait.ge [sflag:s9], $0x1900;
	s17 =	sshrl.u32 @!p1 s19, $0x2  }
.Ltmp1:
0xa2: {  	[sflag:s9] =	ssyncset.done $0x0;
	s17 =	sadd.s32 @!p1 $0x4E20, s17;
	(pc) =	sbr.rel @p0 .LBB2_4-.Ltmp1, $4  }
0xa3: {  	s16 =	sand.u32 $0x7, s16;
	s18 =	simm.s32 @!p1 $0x50;
	[sflag:s9] =	ssyncadd.s32 $0xFFFFE700  }
0xa4: {  	[tilespmem:s17], [sflag:$0x1] =	stream.indirect.gather @!p1 [hbm4b:s4+s18], $0x50, s13, s18, $0xb8;
	[tilespmem:$0x1E820] =	vst v63  }
0xa5: {  	s17 =	smul.u32 $0x6400, s16;
	s13 =	sadd.s32 $0x50, s13;
	_ =	swait.ge [sflag:s8], $0x1900  }
0xa6: {  	s11 =	sadd.s32 $0x50, s11;
	s16 =	sadd.s32 $0xFFFFFFFA, s14;
	[sflag:s8] =	ssyncset.done $0x0  }
0xa7: {  	p0 =	sgt.u32 s16, $0x76  }
0xa8: {  	s15 =	sshrl.u32 s17, $0x2;
	s14 =	sand.u32 @!p0 $0x7, s14  }
0xa9: {  	[sflag:s8] =	ssyncadd.s32 $0xFFFFE700;
	s15 =	sadd.s32 $0x4E20, s15;
	s14 =	smul.u32 @!p0 $0x6400, s14  }
0xaa: {  	[spmem:s2] =	stream.indirect.scatter.add.f32 [tilespmem:s15], [sflag:$0x2], $0x50, s12, s0, $0xb8;
	[tilespmem:$0x1E820] =	vst v63  }
0xab: {  	s16 =	sand.u32 $0x7, s16;
	_ =	swait.ge [sflag:s9], $0x1900  }
0xac: {  	s17 =	smul.u32 $0x6400, s16;
	s12 =	sshrl.u32 @!p0 s14, $0x2;
	[sflag:s9] =	ssyncset.done $0x0  }
0xad: {  	s14 =	simm.s32 @!p0 $0x50;
	s12 =	sadd.s32 @!p0 $0x4E20, s12;
	[sflag:s9] =	ssyncadd.s32 $0xFFFFE700  }
0xae: {  	[tilespmem:s12], [sflag:$0x1] =	stream.indirect.gather @!p0 [hbm4b:s4+s14], $0x50, s13, s14, $0xb8;
	[tilespmem:$0x1E820] =	vst v63  }
0xaf: {  	_ =	swait.ge [sflag:s8], $0x1900  }
0xb0: {  	s12 =	sshrl.u32 s17, $0x2;
	[sflag:s8] =	ssyncset.done $0x0  }
0xb1: {  	s12 =	sadd.s32 $0x4E20, s12;
	[sflag:s8] =	ssyncadd.s32 $0xFFFFE700  }
0xb2: {  	[spmem:s2] =	stream.indirect.scatter.add.f32 [tilespmem:s12], [sflag:$0x2], $0x50, s11, s0, $0xb8;
	[tilespmem:$0x1E820] =	vst v63  }
0xb3: {  	_ =	swait.ge [sflag:s9], $0x1900  }
0xb4: {  	[sflag:s9] =	ssyncset.done $0x0  }
0xb5: {  	[sflag:s9] =	ssyncadd.s32 $0xFFFFE700  }
0xb6: {  	s18 =	stileid.u32;
	_ =	swait.ge [sflag:s9], $0x1900  }
0xb7: {  	s19 =	sshrl.u32 s7, $0x3;
	s10 =	sadd.s32 $0x1, s10;
	[sflag:s9] =	ssyncset.done $0x0  }
0xb8: {  	p0 =	sne.s32 s10, s29;
	s11 =	sshll.u32 s18, $0x6;
	[sflag:s9] =	ssyncadd.s32 $0xFFFFE700  }
.Ltmp2:
0xb9: {  	s11 =	sor.u32 $0x1C03, s11;
	[bflag:$0x0] =	sbarrier.arrive $0xFFFF;
	(pc) =	sbr.rel @p0 .LBB2_1-.Ltmp2, $4  }
0xba: {  	[hbm:s28], [sflag:s11] =	dma.local [spmem:s19], $0x1900  }
0xbb: {  	_ =	swait.ge [sflag:s30], $0x1900  }
0xbc: {  	[sflag:s30] =	ssyncset.done $0x0  }
0xbd: {  	[sflag:s30] =	ssyncadd.s32 $0xFFFFE700  }
0xbe: {  	_ =	sfence.sel $0x180000  }
0xbf: {  	[bflag:$0x0] =	sbarrier.arrive $0xFFFF  }
0xc0: {  	_ =	strace $0x9000004A  }
0xc1: {  	s0 =	stileid.u32;
	[bflag:$0x2] =	sbarrier.arrive $0xFFFF  }
0xc2: {  	p0 =	sne.s32 s0, $0x0;
	s0 =	rddreg [dreg:$0x2]  }
0xc3: {  	s0 =	sadd.s32 @!p0 $0x100000, s0  }
0xc4: {  	[sflag:s0] =	ssyncadd.tile.s32 @!p0 $0x1;
	_ =	shalt  }
.Lfunc_end2:
_tile_overlayer_lowered:
.L_overlay_start_2:
0xc5: {  	(tag) =	ssettag $0x2  }
0xc6: {  	s0 =	rddreg [dreg:$0x0];
	s2 =	stileid.u32  }
0xc7: {  	s1 =	rddreg [dreg:$0x1];
	p0 =	sne.s32 s2, $0x0  }
0xc8: {  	s3 =	rddreg [dreg:$0x2];
	[bflag:$0x3] =	sbarrier.arrive $0xFFFF;
	s2 =	simm.s32 @!p0 $0x1C03  }
0xc9: {  	[timem:s3], [sflag:s2] =	dma.local @!p0 [hbm:s0], s1  }
0xca: {  	s0 =	simm.s32 @!p0 $0x3  }
0xcb: {  	_ =	swait.ge @!p0 [sflag:s0], s1  }
0xcc: {  	s1 =	ssub.s32 @!p0 $0x0, s1;
	[sflag:s0] =	ssyncset.done @!p0 $0x0  }
0xcd: {  	[sflag:s0] =	ssyncadd.s32 @!p0 s1  }
0xce: {  	[bflag:$0x3] =	sbarrier.arrive $0xFFFF  }
0xcf: {  	_ =	shalt  }

</sc_bundles>
